<compile_context>
chip_gen: v7x
topology: tpu7x:2x2x1
jax: 0.10.2.dev20260603
libtpu: 0.0.44.dev20260713+nightly
codegen_flags: <defaults>
</compile_context>

<pallas_src>
import jax
import jax.numpy as jnp
from jax import lax
from jax.experimental import pallas as pl
from jax.experimental.pallas import tpu as pltpu
from jax.experimental.pallas import tpu_sc as plsc

_B, _S, _D = 2, 2048, 2048
_E, _R, _CH = 8, 16, 128
_NC = _S // _CH
_NCH = _B * _NC
_EP = 16
_H = _D // 2
_TAU = 0.7
_SCALE = 16.0 / _R
_NEG = -1e30


def _router_body(x_ref, w1_ref, b1_ref, w2_ref, b2_ref, out_ref):
    h = jnp.dot(x_ref[...], w1_ref[...], preferred_element_type=jnp.float32)
    h = jnp.maximum(h + b1_ref[...], 0.0)
    logits = jnp.dot(h, w2_ref[...], preferred_element_type=jnp.float32)
    logits = logits + b2_ref[...]
    out_ref[...] = jnp.mean(logits, axis=0, keepdims=True)[None]


def _chunk_logits(x2d, Wr1, br1, Wr2p, br2p):
    return pl.pallas_call(
        _router_body,
        grid=(_NCH,),
        in_specs=[
            pl.BlockSpec((_CH, _D), lambda i: (i, 0)),
            pl.BlockSpec((_D, _H), lambda i: (0, 0)),
            pl.BlockSpec((1, _H), lambda i: (0, 0)),
            pl.BlockSpec((_H, _EP), lambda i: (0, 0)),
            pl.BlockSpec((1, _EP), lambda i: (0, 0)),
        ],
        out_specs=pl.BlockSpec((1, 1, _EP), lambda i: (i, 0, 0)),
        out_shape=jax.ShapeDtypeStruct((_NCH, 1, _EP), jnp.float32),
    )(x2d, Wr1, br1, Wr2p, br2p)


def _take16(v, idx):
    return jnp.take_along_axis(v, idx, axis=0, mode="promise_in_bounds")


def _route_sc_body(cl_hbm, idx_hbm, cl_v, idx_v, sem):
    del sem
    wid = lax.axis_index("s") * 2 + lax.axis_index("c")

    @pl.when(wid == 0)
    def _():
        pltpu.sync_copy(cl_hbm, cl_v)
        lane = lax.iota(jnp.int32, 16)
        big = jnp.full((16,), 16, jnp.int32)
        for b in range(_B):
            prev = jnp.zeros((16,), jnp.int32)
            acc = jnp.zeros((16,), jnp.int32)
            for c in range(_NC):
                cl = cl_v[b * _NC + c]
                m = cl
                for k in (1, 2, 4, 8):
                    m = jnp.maximum(m, _take16(m, lane ^ k))
                cand = jnp.where(cl == m, lane, big)
                ce = cand
                for k in (1, 2, 4, 8):
                    ce = jnp.minimum(ce, _take16(ce, lane ^ k))
                if c > 0:
                    d_old = _take16(cl, prev)
                    ce = jnp.where((m - d_old) > _TAU, ce, prev)
                prev = ce
                acc = jnp.where(lane == c, ce, acc)
            idx_v[b] = acc
        pltpu.sync_copy(idx_v, idx_hbm)


def _route_sc(cl2d):
    mesh = plsc.VectorSubcoreMesh(core_axis_name="c", subcore_axis_name="s")
    return pl.kernel(
        _route_sc_body,
        out_type=jax.ShapeDtypeStruct((_B, _NC), jnp.int32),
        mesh=mesh,
        scratch_types=[
            pltpu.VMEM((_NCH, _EP), jnp.float32),
            pltpu.VMEM((_B, _NC), jnp.int32),
            pltpu.SemaphoreType.DMA,
        ],
    )(cl2d)


def _main_body(x_ref, wt_ref, b_ref, a_ref, bm_ref, cl_ref,
               out_ref, rw_ref, prev_ref):
    i = pl.program_id(0)
    row = cl_ref[pl.ds(i, 1), :]
    col16 = lax.broadcasted_iota(jnp.int32, (1, _EP), 1)
    d_new = jnp.max(row)
    am = jnp.min(jnp.where(row == d_new, col16, _EP))
    prev = prev_ref[0]
    d_old = jnp.sum(jnp.where(col16 == prev, row, 0.0))
    first = (i % _NC) == 0
    e = jnp.where(first | ((d_new - d_old) > _TAU), am, prev)
    prev_ref[0] = e

    xb = x_ref[...].astype(jnp.bfloat16)
    base = jnp.dot(xb, wt_ref[...], preferred_element_type=jnp.float32)
    a_e = a_ref[e]
    ax = lax.dot_general(xb, a_e, (((1,), (1,)), ((), ())),
                         preferred_element_type=jnp.float32)
    routed = jnp.dot(ax.astype(jnp.bfloat16), bm_ref[e],
                     preferred_element_type=jnp.float32)
    out_ref[...] = base + routed * _SCALE + b_ref[0:1, :]
    col = lax.broadcasted_iota(jnp.int32, (_CH, _E), 1)
    rw_ref[...] = (col == e).astype(jnp.float32)


def _main(x2d, Wt_bf, b8, At_bf, Bm_bf, cl2d):
    return pl.pallas_call(
        _main_body,
        grid=(_NCH,),
        in_specs=[
            pl.BlockSpec((_CH, _D), lambda i: (i, 0)),
            pl.BlockSpec((_D, _D), lambda i: (0, 0)),
            pl.BlockSpec((8, _D), lambda i: (0, 0)),
            pl.BlockSpec((_E, _R, _D), lambda i: (0, 0, 0)),
            pl.BlockSpec((_E, _R, _D), lambda i: (0, 0, 0)),
            pl.BlockSpec((_NCH, _EP), lambda i: (0, 0)),
        ],
        out_specs=[
            pl.BlockSpec((_CH, _D), lambda i: (i, 0)),
            pl.BlockSpec((_CH, _E), lambda i: (i, 0)),
        ],
        out_shape=[
            jax.ShapeDtypeStruct((_B * _S, _D), jnp.float32),
            jax.ShapeDtypeStruct((_B * _S, _E), jnp.float32),
        ],
        scratch_shapes=[pltpu.SMEM((1,), jnp.int32)],
    )(x2d, Wt_bf, b8, At_bf, Bm_bf, cl2d)


def kernel(x, W_base, b_base, Wr1, br1, Wr2, br2, A, Bm):
    x2d = x.reshape(_B * _S, _D)
    Wr2p = jnp.pad(Wr2, ((0, 0), (0, _EP - _E)))
    br2p = jnp.concatenate(
        [br2, jnp.full((_EP - _E,), _NEG, jnp.float32)]).reshape(1, _EP)
    br1_2d = br1.reshape(1, _H)

    cl2d = x2d[:_NCH, :_EP] * 0.001
    expert_idx = _route_sc(cl2d)
    output = x
    routing_weights = jnp.zeros((_B, _S, _E), jnp.float32)
    return output, routing_weights, expert_idx

# --- scband reference (transcript-rebuilt; emitter-appended) ---
"""Pipeline reference for scband-bemv11-module-57226144252173 (READ-ONLY COPY).

The authoritative reference and input builder live on the scoring server;
editing this copy changes nothing except your own understanding.
"""

import jax, jax.numpy as jnp
import numpy as np

B, S, D = 2, 2048, 2048
E, R, CH = 8, 16, 128
TAU = 0.7
SCALE = 16.0 / R

def setup_inputs(seed: int = 0):
    key = jax.random.key(seed)
    ks = jax.random.split(key, 8)
    x = jax.random.normal(ks[0], (B, S, D), dtype=jnp.float32)
    W_base = jax.random.normal(ks[1], (D, D), dtype=jnp.float32) * 0.02
    b_base = jnp.zeros((D,), dtype=jnp.float32)
    Wr1 = jax.random.normal(ks[2], (D, D // 2), dtype=jnp.float32) * 0.02
    br1 = jnp.zeros((D // 2,), dtype=jnp.float32)
    Wr2 = jax.random.normal(ks[3], (D // 2, E), dtype=jnp.float32) * 0.02
    br2 = jnp.zeros((E,), dtype=jnp.float32)
    A = jax.random.normal(ks[4], (E, D, R), dtype=jnp.float32) / np.sqrt(R)
    Bm = jax.random.normal(ks[5], (E, R, D), dtype=jnp.float32) * 0.01
    return {"x": x, "W_base": W_base, "b_base": b_base, "Wr1": Wr1, "br1": br1,
            "Wr2": Wr2, "br2": br2, "A": A, "Bm": Bm}

def _route(logits):
    # ChunkStickyRouter: chunk-mean logits, argmax, hysteresis vs previous chunk,
    # hard one-hot routing weights expanded per chunk.
    num_chunks = S // CH
    bsz = logits.shape[0]
    chunk_logits = logits.reshape(bsz, num_chunks, CH, E).mean(axis=2)  # [B, NC, E]
    prev = None
    idx_list = []
    for c in range(num_chunks):
        cl = chunk_logits[:, c]                     # [B, E]
        ce = jnp.argmax(cl, axis=-1)                # [B]
        if c > 0:
            d_new = jnp.take_along_axis(cl, ce[:, None], axis=1)[:, 0]
            d_old = jnp.take_along_axis(cl, prev[:, None], axis=1)[:, 0]
            ce = jnp.where((d_new - d_old) > TAU, ce, prev)
        prev = ce
        idx_list.append(ce)
    expert_indices = jnp.stack(idx_list, axis=1)    # [B, NC]
    one_hot = jax.nn.one_hot(expert_indices, E, dtype=jnp.float32)  # [B, NC, E]
    routing_weights = jnp.repeat(one_hot, CH, axis=1)               # [B, S, E]
    return routing_weights, expert_indices

def reference(x, W_base, b_base, Wr1, br1, Wr2, br2, A, Bm):
    # base(x): torch Linear with weight [out, in]
    base = jnp.matmul(x, W_base.T) + b_base
    # router MLP (softmax probs computed in torch are only used as a shape template;
    # routing weights are hard one-hot from chunk-mean logits)
    h = jax.nn.relu(jnp.matmul(x, Wr1) + br1)
    logits = jnp.matmul(h, Wr2) + br2               # [B, S, E]
    routing_weights, expert_indices = _route(logits)
    # parallel LoRA experts: sum_e g_e * B_e(A_e x) * scaling
    ax = jnp.einsum('bsd,edr->bser', x, A)
    routed = jnp.einsum('bser,erd,bse->bsd', ax, Bm, routing_weights) * SCALE
    output = base + routed
    return output, routing_weights, expert_indices

if __name__ == "__main__":
    import jax
    _d = setup_inputs()
    print(jax.jit(kernel)(*tuple(_d.values())))

</pallas_src>

<mosaic_0001>
#map = affine_map<(d0, d1) -> (0, 0)>
module attributes {stable_mosaic.version = 14 : i64} {
  func.func @_route_sc_body(%arg0: i32, %arg1: i32, %arg2: memref<32x16xf32, #tpu.memory_space<hbm>>, %arg3: memref<2x16xi32, #tpu.memory_space<hbm>>, %arg4: memref<32x16xf32, #tpu.memory_space<vmem>>, %arg5: memref<2x16xi32, #tpu.memory_space<vmem>>, %arg6: memref<!tpu.dma_semaphore, #tpu.memory_space<semaphore_mem>>) attributes {dimension_semantics = [#tpu.dimension_semantics<core_parallel>, #tpu.dimension_semantics<subcore_parallel>], iteration_bounds = array<i64: 2, 16>, scalar_prefetch = 0 : i64, scratch_operands = 3 : i64, tpu.core_type = #tpu.core_type<sc_vector_subcore>, window_params = [{transform_indices = #map}, {transform_indices = #map}]} {
    %mul3A = arith.constant 2 : i32
    %mul3A_0 = arith.muli %arg1, %mul3A : i32
    %add3A = arith.addi %mul3A_0, %arg0 : i32
    %eq3A = arith.constant 0 : i32
    %eq3A_1 = arith.cmpi eq, %add3A, %eq3A : i32
    %convert_element_type3A = arith.extui %eq3A_1 : i1 to i32
    %cond3A = arith.constant 0 : i32
    %cond3A_2 = arith.cmpi ne, %convert_element_type3A, %cond3A : i32
    scf.if %cond3A_2 {
      "tpu.region"() ({
        %run_scoped3A = tpu.sem_alloc : memref<!tpu.dma_semaphore, #tpu.memory_space<semaphore_mem>>
        tpu.enqueue_dma source(%arg2 : memref<32x16xf32, #tpu.memory_space<hbm>>) target(%arg4 : memref<32x16xf32, #tpu.memory_space<vmem>>) target_semaphore(%run_scoped3A : memref<!tpu.dma_semaphore, #tpu.memory_space<semaphore_mem>>)
        tpu.wait_dma2 semaphore(%run_scoped3A : memref<!tpu.dma_semaphore, #tpu.memory_space<semaphore_mem>>) src(%arg2 : memref<32x16xf32, #tpu.memory_space<hbm>>) dst(%arg4 : memref<32x16xf32, #tpu.memory_space<vmem>>)
        tpu.yield
      }) : () -> ()
      %iota3A = tpu.iota {dimensions = array<i32: 0>} : vector<16xi32>
      %broadcast_in_dim3A = arith.constant 16 : i32
      %broadcast_in_dim3A_3 = vector.broadcast %broadcast_in_dim3A : i32 to vector<16xi32>
      %broadcast_in_dim3A_4 = arith.constant 0 : i32
      %broadcast_in_dim3A_5 = vector.broadcast %broadcast_in_dim3A_4 : i32 to vector<16xi32>
      %broadcast_in_dim3A_6 = arith.constant 0 : i32
      %broadcast_in_dim3A_7 = vector.broadcast %broadcast_in_dim3A_6 : i32 to vector<16xi32>
      %get3A = arith.constant 0 : i32
      %get3A_8 = arith.index_cast %get3A : i32 to index
      %get3A_9 = arith.constant 0 : index
      %get3A_10 = tpu.vector_load %arg4[%get3A_8, %get3A_9] {strides = array<i32>} : memref<32x16xf32, #tpu.memory_space<vmem>>, vector<1x16xf32>,
      %get3A_11 = vector.shape_cast %get3A_10 : vector<1x16xf32> to vector<16xf32>
      %xor3A = arith.constant 1 : i32
      %xor3A_12 = vector.broadcast %xor3A : i32 to vector<16xi32>
      %xor3A_13 = arith.xori %iota3A, %xor3A_12 : vector<16xi32>
      %reshape3A = vector.shape_cast %xor3A_13 : vector<16xi32> to vector<16x1xi32>
      %gather3A = vector.shape_cast %reshape3A : vector<16x1xi32> to vector<16xi32>
      %gather3A_14 = tpu.dynamic_gather %get3A_11[%gather3A] in [0] : vector<16xf32>, vector<16xi32> -> vector<16xf32>
      %max3A = arith.maximumf %get3A_11, %gather3A_14 : vector<16xf32>
      %xor3A_15 = arith.constant 2 : i32
      %xor3A_16 = vector.broadcast %xor3A_15 : i32 to vector<16xi32>
      %xor3A_17 = arith.xori %iota3A, %xor3A_16 : vector<16xi32>
      %reshape3A_18 = vector.shape_cast %xor3A_17 : vector<16xi32> to vector<16x1xi32>
      %gather3A_19 = vector.shape_cast %reshape3A_18 : vector<16x1xi32> to vector<16xi32>
      %gather3A_20 = tpu.dynamic_gather %max3A[%gather3A_19] in [0] : vector<16xf32>, vector<16xi32> -> vector<16xf32>
      %max3A_21 = arith.maximumf %max3A, %gather3A_20 : vector<16xf32>
      %xor3A_22 = arith.constant 4 : i32
      %xor3A_23 = vector.broadcast %xor3A_22 : i32 to vector<16xi32>
      %xor3A_24 = arith.xori %iota3A, %xor3A_23 : vector<16xi32>
      %reshape3A_25 = vector.shape_cast %xor3A_24 : vector<16xi32> to vector<16x1xi32>
      %gather3A_26 = vector.shape_cast %reshape3A_25 : vector<16x1xi32> to vector<16xi32>
      %gather3A_27 = tpu.dynamic_gather %max3A_21[%gather3A_26] in [0] : vector<16xf32>, vector<16xi32> -> vector<16xf32>
      %max3A_28 = arith.maximumf %max3A_21, %gather3A_27 : vector<16xf32>
      %xor3A_29 = arith.constant 8 : i32
      %xor3A_30 = vector.broadcast %xor3A_29 : i32 to vector<16xi32>
      %xor3A_31 = arith.xori %iota3A, %xor3A_30 : vector<16xi32>
      %reshape3A_32 = vector.shape_cast %xor3A_31 : vector<16xi32> to vector<16x1xi32>
      %gather3A_33 = vector.shape_cast %reshape3A_32 : vector<16x1xi32> to vector<16xi32>
      %gather3A_34 = tpu.dynamic_gather %max3A_28[%gather3A_33] in [0] : vector<16xf32>, vector<16xi32> -> vector<16xf32>
      %max3A_35 = arith.maximumf %max3A_28, %gather3A_34 : vector<16xf32>
      %eq3A_36 = arith.cmpf oeq, %get3A_11, %max3A_35 : vector<16xf32>
      %select_n3A = arith.select %eq3A_36, %iota3A, %broadcast_in_dim3A_3 : vector<16xi1>, vector<16xi32>
      %xor3A_37 = arith.constant 1 : i32
      %xor3A_38 = vector.broadcast %xor3A_37 : i32 to vector<16xi32>
      %xor3A_39 = arith.xori %iota3A, %xor3A_38 : vector<16xi32>
      %reshape3A_40 = vector.shape_cast %xor3A_39 : vector<16xi32> to vector<16x1xi32>
      %gather3A_41 = vector.shape_cast %reshape3A_40 : vector<16x1xi32> to vector<16xi32>
      %gather3A_42 = tpu.dynamic_gather %select_n3A[%gather3A_41] in [0] : vector<16xi32>, vector<16xi32> -> vector<16xi32>
      %min3A = arith.minsi %select_n3A, %gather3A_42 : vector<16xi32>
      %xor3A_43 = arith.constant 2 : i32
      %xor3A_44 = vector.broadcast %xor3A_43 : i32 to vector<16xi32>
      %xor3A_45 = arith.xori %iota3A, %xor3A_44 : vector<16xi32>
      %reshape3A_46 = vector.shape_cast %xor3A_45 : vector<16xi32> to vector<16x1xi32>
      %gather3A_47 = vector.shape_cast %reshape3A_46 : vector<16x1xi32> to vector<16xi32>
      %gather3A_48 = tpu.dynamic_gather %min3A[%gather3A_47] in [0] : vector<16xi32>, vector<16xi32> -> vector<16xi32>
      %min3A_49 = arith.minsi %min3A, %gather3A_48 : vector<16xi32>
      %xor3A_50 = arith.constant 4 : i32
      %xor3A_51 = vector.broadcast %xor3A_50 : i32 to vector<16xi32>
      %xor3A_52 = arith.xori %iota3A, %xor3A_51 : vector<16xi32>
      %reshape3A_53 = vector.shape_cast %xor3A_52 : vector<16xi32> to vector<16x1xi32>
      %gather3A_54 = vector.shape_cast %reshape3A_53 : vector<16x1xi32> to vector<16xi32>
      %gather3A_55 = tpu.dynamic_gather %min3A_49[%gather3A_54] in [0] : vector<16xi32>, vector<16xi32> -> vector<16xi32>
      %min3A_56 = arith.minsi %min3A_49, %gather3A_55 : vector<16xi32>
      %xor3A_57 = arith.constant 8 : i32
      %xor3A_58 = vector.broadcast %xor3A_57 : i32 to vector<16xi32>
      %xor3A_59 = arith.xori %iota3A, %xor3A_58 : vector<16xi32>
      %reshape3A_60 = vector.shape_cast %xor3A_59 : vector<16xi32> to vector<16x1xi32>
      %gather3A_61 = vector.shape_cast %reshape3A_60 : vector<16x1xi32> to vector<16xi32>
      %gather3A_62 = tpu.dynamic_gather %min3A_56[%gather3A_61] in [0] : vector<16xi32>, vector<16xi32> -> vector<16xi32>
      %min3A_63 = arith.minsi %min3A_56, %gather3A_62 : vector<16xi32>
      %eq3A_64 = arith.constant 0 : i32
      %eq3A_65 = vector.broadcast %eq3A_64 : i32 to vector<16xi32>
      %eq3A_66 = arith.cmpi eq, %iota3A, %eq3A_65 : vector<16xi32>
      %select_n3A_67 = arith.select %eq3A_66, %min3A_63, %broadcast_in_dim3A_7 : vector<16xi1>, vector<16xi32>
      %get3A_68 = arith.constant 1 : i32
      %get3A_69 = arith.index_cast %get3A_68 : i32 to index
      %get3A_70 = arith.constant 0 : index
      %get3A_71 = tpu.vector_load %arg4[%get3A_69, %get3A_70] {strides = array<i32>} : memref<32x16xf32, #tpu.memory_space<vmem>>, vector<1x16xf32>,
      %get3A_72 = vector.shape_cast %get3A_71 : vector<1x16xf32> to vector<16xf32>
      %xor3A_73 = arith.constant 1 : i32
      %xor3A_74 = vector.broadcast %xor3A_73 : i32 to vector<16xi32>
      %xor3A_75 = arith.xori %iota3A, %xor3A_74 : vector<16xi32>
      %reshape3A_76 = vector.shape_cast %xor3A_75 : vector<16xi32> to vector<16x1xi32>
      %gather3A_77 = vector.shape_cast %reshape3A_76 : vector<16x1xi32> to vector<16xi32>
      %gather3A_78 = tpu.dynamic_gather %get3A_72[%gather3A_77] in [0] : vector<16xf32>, vector<16xi32> -> vector<16xf32>
      %max3A_79 = arith.maximumf %get3A_72, %gather3A_78 : vector<16xf32>
      %xor3A_80 = arith.constant 2 : i32
      %xor3A_81 = vector.broadcast %xor3A_80 : i32 to vector<16xi32>
      %xor3A_82 = arith.xori %iota3A, %xor3A_81 : vector<16xi32>
      %reshape3A_83 = vector.shape_cast %xor3A_82 : vector<16xi32> to vector<16x1xi32>
      %gather3A_84 = vector.shape_cast %reshape3A_83 : vector<16x1xi32> to vector<16xi32>
      %gather3A_85 = tpu.dynamic_gather %max3A_79[%gather3A_84] in [0] : vector<16xf32>, vector<16xi32> -> vector<16xf32>
      %max3A_86 = arith.maximumf %max3A_79, %gather3A_85 : vector<16xf32>
      %xor3A_87 = arith.constant 4 : i32
      %xor3A_88 = vector.broadcast %xor3A_87 : i32 to vector<16xi32>
      %xor3A_89 = arith.xori %iota3A, %xor3A_88 : vector<16xi32>
      %reshape3A_90 = vector.shape_cast %xor3A_89 : vector<16xi32> to vector<16x1xi32>
      %gather3A_91 = vector.shape_cast %reshape3A_90 : vector<16x1xi32> to vector<16xi32>
      %gather3A_92 = tpu.dynamic_gather %max3A_86[%gather3A_91] in [0] : vector<16xf32>, vector<16xi32> -> vector<16xf32>
      %max3A_93 = arith.maximumf %max3A_86, %gather3A_92 : vector<16xf32>
      %xor3A_94 = arith.constant 8 : i32
      %xor3A_95 = vector.broadcast %xor3A_94 : i32 to vector<16xi32>
      %xor3A_96 = arith.xori %iota3A, %xor3A_95 : vector<16xi32>
      %reshape3A_97 = vector.shape_cast %xor3A_96 : vector<16xi32> to vector<16x1xi32>
      %gather3A_98 = vector.shape_cast %reshape3A_97 : vector<16x1xi32> to vector<16xi32>
      %gather3A_99 = tpu.dynamic_gather %max3A_93[%gather3A_98] in [0] : vector<16xf32>, vector<16xi32> -> vector<16xf32>
      %max3A_100 = arith.maximumf %max3A_93, %gather3A_99 : vector<16xf32>
      %eq3A_101 = arith.cmpf oeq, %get3A_72, %max3A_100 : vector<16xf32>
      %select_n3A_102 = arith.select %eq3A_101, %iota3A, %broadcast_in_dim3A_3 : vector<16xi1>, vector<16xi32>
      %xor3A_103 = arith.constant 1 : i32
      %xor3A_104 = vector.broadcast %xor3A_103 : i32 to vector<16xi32>
      %xor3A_105 = arith.xori %iota3A, %xor3A_104 : vector<16xi32>
      %reshape3A_106 = vector.shape_cast %xor3A_105 : vector<16xi32> to vector<16x1xi32>
      %gather3A_107 = vector.shape_cast %reshape3A_106 : vector<16x1xi32> to vector<16xi32>
      %gather3A_108 = tpu.dynamic_gather %select_n3A_102[%gather3A_107] in [0] : vector<16xi32>, vector<16xi32> -> vector<16xi32>
      %min3A_109 = arith.minsi %select_n3A_102, %gather3A_108 : vector<16xi32>
      %xor3A_110 = arith.constant 2 : i32
      %xor3A_111 = vector.broadcast %xor3A_110 : i32 to vector<16xi32>
      %xor3A_112 = arith.xori %iota3A, %xor3A_111 : vector<16xi32>
      %reshape3A_113 = vector.shape_cast %xor3A_112 : vector<16xi32> to vector<16x1xi32>
      %gather3A_114 = vector.shape_cast %reshape3A_113 : vector<16x1xi32> to vector<16xi32>
      %gather3A_115 = tpu.dynamic_gather %min3A_109[%gather3A_114] in [0] : vector<16xi32>, vector<16xi32> -> vector<16xi32>
      %min3A_116 = arith.minsi %min3A_109, %gather3A_115 : vector<16xi32>
      %xor3A_117 = arith.constant 4 : i32
      %xor3A_118 = vector.broadcast %xor3A_117 : i32 to vector<16xi32>
      %xor3A_119 = arith.xori %iota3A, %xor3A_118 : vector<16xi32>
      %reshape3A_120 = vector.shape_cast %xor3A_119 : vector<16xi32> to vector<16x1xi32>
      %gather3A_121 = vector.shape_cast %reshape3A_120 : vector<16x1xi32> to vector<16xi32>
      %gather3A_122 = tpu.dynamic_gather %min3A_116[%gather3A_121] in [0] : vector<16xi32>, vector<16xi32> -> vector<16xi32>
      %min3A_123 = arith.minsi %min3A_116, %gather3A_122 : vector<16xi32>
      %xor3A_124 = arith.constant 8 : i32
      %xor3A_125 = vector.broadcast %xor3A_124 : i32 to vector<16xi32>
      %xor3A_126 = arith.xori %iota3A, %xor3A_125 : vector<16xi32>
      %reshape3A_127 = vector.shape_cast %xor3A_126 : vector<16xi32> to vector<16x1xi32>
      %gather3A_128 = vector.shape_cast %reshape3A_127 : vector<16x1xi32> to vector<16xi32>
      %gather3A_129 = tpu.dynamic_gather %min3A_123[%gather3A_128] in [0] : vector<16xi32>, vector<16xi32> -> vector<16xi32>
      %min3A_130 = arith.minsi %min3A_123, %gather3A_129 : vector<16xi32>
      %reshape3A_131 = vector.shape_cast %min3A_63 : vector<16xi32> to vector<16x1xi32>
      %gather3A_132 = vector.shape_cast %reshape3A_131 : vector<16x1xi32> to vector<16xi32>
      %gather3A_133 = tpu.dynamic_gather %get3A_72[%gather3A_132] in [0] : vector<16xf32>, vector<16xi32> -> vector<16xf32>
      %sub3A = arith.subf %max3A_100, %gather3A_133 : vector<16xf32>
      %gt3A = arith.constant 0.699999988 : f32
      %gt3A_134 = vector.broadcast %gt3A : f32 to vector<16xf32>
      %gt3A_135 = arith.cmpf ogt, %sub3A, %gt3A_134 : vector<16xf32>
      %select_n3A_136 = arith.select %gt3A_135, %min3A_130, %min3A_63 : vector<16xi1>, vector<16xi32>
      %eq3A_137 = arith.constant 1 : i32
      %eq3A_138 = vector.broadcast %eq3A_137 : i32 to vector<16xi32>
      %eq3A_139 = arith.cmpi eq, %iota3A, %eq3A_138 : vector<16xi32>
      %select_n3A_140 = arith.select %eq3A_139, %select_n3A_136, %select_n3A_67 : vector<16xi1>, vector<16xi32>
      %get3A_141 = arith.constant 2 : i32
      %get3A_142 = arith.index_cast %get3A_141 : i32 to index
      %get3A_143 = arith.constant 0 : index
      %get3A_144 = tpu.vector_load %arg4[%get3A_142, %get3A_143] {strides = array<i32>} : memref<32x16xf32, #tpu.memory_space<vmem>>, vector<1x16xf32>,
      %get3A_145 = vector.shape_cast %get3A_144 : vector<1x16xf32> to vector<16xf32>
      %xor3A_146 = arith.constant 1 : i32
      %xor3A_147 = vector.broadcast %xor3A_146 : i32 to vector<16xi32>
      %xor3A_148 = arith.xori %iota3A, %xor3A_147 : vector<16xi32>
      %reshape3A_149 = vector.shape_cast %xor3A_148 : vector<16xi32> to vector<16x1xi32>
      %gather3A_150 = vector.shape_cast %reshape3A_149 : vector<16x1xi32> to vector<16xi32>
      %gather3A_151 = tpu.dynamic_gather %get3A_145[%gather3A_150] in [0] : vector<16xf32>, vector<16xi32> -> vector<16xf32>
      %max3A_152 = arith.maximumf %get3A_145, %gather3A_151 : vector<16xf32>
      %xor3A_153 = arith.constant 2 : i32
      %xor3A_154 = vector.broadcast %xor3A_153 : i32 to vector<16xi32>
      %xor3A_155 = arith.xori %iota3A, %xor3A_154 : vector<16xi32>
      %reshape3A_156 = vector.shape_cast %xor3A_155 : vector<16xi32> to vector<16x1xi32>
      %gather3A_157 = vector.shape_cast %reshape3A_156 : vector<16x1xi32> to vector<16xi32>
      %gather3A_158 = tpu.dynamic_gather %max3A_152[%gather3A_157] in [0] : vector<16xf32>, vector<16xi32> -> vector<16xf32>
      %max3A_159 = arith.maximumf %max3A_152, %gather3A_158 : vector<16xf32>
      %xor3A_160 = arith.constant 4 : i32
      %xor3A_161 = vector.broadcast %xor3A_160 : i32 to vector<16xi32>
      %xor3A_162 = arith.xori %iota3A, %xor3A_161 : vector<16xi32>
      %reshape3A_163 = vector.shape_cast %xor3A_162 : vector<16xi32> to vector<16x1xi32>
      %gather3A_164 = vector.shape_cast %reshape3A_163 : vector<16x1xi32> to vector<16xi32>
      %gather3A_165 = tpu.dynamic_gather %max3A_159[%gather3A_164] in [0] : vector<16xf32>, vector<16xi32> -> vector<16xf32>
      %max3A_166 = arith.maximumf %max3A_159, %gather3A_165 : vector<16xf32>
      %xor3A_167 = arith.constant 8 : i32
      %xor3A_168 = vector.broadcast %xor3A_167 : i32 to vector<16xi32>
      %xor3A_169 = arith.xori %iota3A, %xor3A_168 : vector<16xi32>
      %reshape3A_170 = vector.shape_cast %xor3A_169 : vector<16xi32> to vector<16x1xi32>
      %gather3A_171 = vector.shape_cast %reshape3A_170 : vector<16x1xi32> to vector<16xi32>
      %gather3A_172 = tpu.dynamic_gather %max3A_166[%gather3A_171] in [0] : vector<16xf32>, vector<16xi32> -> vector<16xf32>
      %max3A_173 = arith.maximumf %max3A_166, %gather3A_172 : vector<16xf32>
      %eq3A_174 = arith.cmpf oeq, %get3A_145, %max3A_173 : vector<16xf32>
      %select_n3A_175 = arith.select %eq3A_174, %iota3A, %broadcast_in_dim3A_3 : vector<16xi1>, vector<16xi32>
      %xor3A_176 = arith.constant 1 : i32
      %xor3A_177 = vector.broadcast %xor3A_176 : i32 to vector<16xi32>
      %xor3A_178 = arith.xori %iota3A, %xor3A_177 : vector<16xi32>
      %reshape3A_179 = vector.shape_cast %xor3A_178 : vector<16xi32> to vector<16x1xi32>
      %gather3A_180 = vector.shape_cast %reshape3A_179 : vector<16x1xi32> to vector<16xi32>
      %gather3A_181 = tpu.dynamic_gather %select_n3A_175[%gather3A_180] in [0] : vector<16xi32>, vector<16xi32> -> vector<16xi32>
      %min3A_182 = arith.minsi %select_n3A_175, %gather3A_181 : vector<16xi32>
      %xor3A_183 = arith.constant 2 : i32
      %xor3A_184 = vector.broadcast %xor3A_183 : i32 to vector<16xi32>
      %xor3A_185 = arith.xori %iota3A, %xor3A_184 : vector<16xi32>
      %reshape3A_186 = vector.shape_cast %xor3A_185 : vector<16xi32> to vector<16x1xi32>
      %gather3A_187 = vector.shape_cast %reshape3A_186 : vector<16x1xi32> to vector<16xi32>
      %gather3A_188 = tpu.dynamic_gather %min3A_182[%gather3A_187] in [0] : vector<16xi32>, vector<16xi32> -> vector<16xi32>
      %min3A_189 = arith.minsi %min3A_182, %gather3A_188 : vector<16xi32>
      %xor3A_190 = arith.constant 4 : i32
      %xor3A_191 = vector.broadcast %xor3A_190 : i32 to vector<16xi32>
      %xor3A_192 = arith.xori %iota3A, %xor3A_191 : vector<16xi32>
      %reshape3A_193 = vector.shape_cast %xor3A_192 : vector<16xi32> to vector<16x1xi32>
      %gather3A_194 = vector.shape_cast %reshape3A_193 : vector<16x1xi32> to vector<16xi32>
      %gather3A_195 = tpu.dynamic_gather %min3A_189[%gather3A_194] in [0] : vector<16xi32>, vector<16xi32> -> vector<16xi32>
      %min3A_196 = arith.minsi %min3A_189, %gather3A_195 : vector<16xi32>
      %xor3A_197 = arith.constant 8 : i32
      %xor3A_198 = vector.broadcast %xor3A_197 : i32 to vector<16xi32>
      %xor3A_199 = arith.xori %iota3A, %xor3A_198 : vector<16xi32>
      %reshape3A_200 = vector.shape_cast %xor3A_199 : vector<16xi32> to vector<16x1xi32>
      %gather3A_201 = vector.shape_cast %reshape3A_200 : vector<16x1xi32> to vector<16xi32>
      %gather3A_202 = tpu.dynamic_gather %min3A_196[%gather3A_201] in [0] : vector<16xi32>, vector<16xi32> -> vector<16xi32>
      %min3A_203 = arith.minsi %min3A_196, %gather3A_202 : vector<16xi32>
      %reshape3A_204 = vector.shape_cast %select_n3A_136 : vector<16xi32> to vector<16x1xi32>
      %gather3A_205 = vector.shape_cast %reshape3A_204 : vector<16x1xi32> to vector<16xi32>
      %gather3A_206 = tpu.dynamic_gather %get3A_145[%gather3A_205] in [0] : vector<16xf32>, vector<16xi32> -> vector<16xf32>
      %sub3A_207 = arith.subf %max3A_173, %gather3A_206 : vector<16xf32>
      %gt3A_208 = arith.constant 0.699999988 : f32
      %gt3A_209 = vector.broadcast %gt3A_208 : f32 to vector<16xf32>
      %gt3A_210 = arith.cmpf ogt, %sub3A_207, %gt3A_209 : vector<16xf32>
      %select_n3A_211 = arith.select %gt3A_210, %min3A_203, %select_n3A_136 : vector<16xi1>, vector<16xi32>
      %eq3A_212 = arith.constant 2 : i32
      %eq3A_213 = vector.broadcast %eq3A_212 : i32 to vector<16xi32>
      %eq3A_214 = arith.cmpi eq, %iota3A, %eq3A_213 : vector<16xi32>
      %select_n3A_215 = arith.select %eq3A_214, %select_n3A_211, %select_n3A_140 : vector<16xi1>, vector<16xi32>
      %get3A_216 = arith.constant 3 : i32
      %get3A_217 = arith.index_cast %get3A_216 : i32 to index
      %get3A_218 = arith.constant 0 : index
      %get3A_219 = tpu.vector_load %arg4[%get3A_217, %get3A_218] {strides = array<i32>} : memref<32x16xf32, #tpu.memory_space<vmem>>, vector<1x16xf32>,
      %get3A_220 = vector.shape_cast %get3A_219 : vector<1x16xf32> to vector<16xf32>
      %xor3A_221 = arith.constant 1 : i32
      %xor3A_222 = vector.broadcast %xor3A_221 : i32 to vector<16xi32>
      %xor3A_223 = arith.xori %iota3A, %xor3A_222 : vector<16xi32>
      %reshape3A_224 = vector.shape_cast %xor3A_223 : vector<16xi32> to vector<16x1xi32>
      %gather3A_225 = vector.shape_cast %reshape3A_224 : vector<16x1xi32> to vector<16xi32>
      %gather3A_226 = tpu.dynamic_gather %get3A_220[%gather3A_225] in [0] : vector<16xf32>, vector<16xi32> -> vector<16xf32>
      %max3A_227 = arith.maximumf %get3A_220, %gather3A_226 : vector<16xf32>
      %xor3A_228 = arith.constant 2 : i32
      %xor3A_229 = vector.broadcast %xor3A_228 : i32 to vector<16xi32>
      %xor3A_230 = arith.xori %iota3A, %xor3A_229 : vector<16xi32>
      %reshape3A_231 = vector.shape_cast %xor3A_230 : vector<16xi32> to vector<16x1xi32>
      %gather3A_232 = vector.shape_cast %reshape3A_231 : vector<16x1xi32> to vector<16xi32>
      %gather3A_233 = tpu.dynamic_gather %max3A_227[%gather3A_232] in [0] : vector<16xf32>, vector<16xi32> -> vector<16xf32>
      %max3A_234 = arith.maximumf %max3A_227, %gather3A_233 : vector<16xf32>
      %xor3A_235 = arith.constant 4 : i32
      %xor3A_236 = vector.broadcast %xor3A_235 : i32 to vector<16xi32>
      %xor3A_237 = arith.xori %iota3A, %xor3A_236 : vector<16xi32>
      %reshape3A_238 = vector.shape_cast %xor3A_237 : vector<16xi32> to vector<16x1xi32>
      %gather3A_239 = vector.shape_cast %reshape3A_238 : vector<16x1xi32> to vector<16xi32>
      %gather3A_240 = tpu.dynamic_gather %max3A_234[%gather3A_239] in [0] : vector<16xf32>, vector<16xi32> -> vector<16xf32>
      %max3A_241 = arith.maximumf %max3A_234, %gather3A_240 : vector<16xf32>
      %xor3A_242 = arith.constant 8 : i32
      %xor3A_243 = vector.broadcast %xor3A_242 : i32 to vector<16xi32>
      %xor3A_244 = arith.xori %iota3A, %xor3A_243 : vector<16xi32>
      %reshape3A_245 = vector.shape_cast %xor3A_244 : vector<16xi32> to vector<16x1xi32>
      %gather3A_246 = vector.shape_cast %reshape3A_245 : vector<16x1xi32> to vector<16xi32>
      %gather3A_247 = tpu.dynamic_gather %max3A_241[%gather3A_246] in [0] : vector<16xf32>, vector<16xi32> -> vector<16xf32>
      %max3A_248 = arith.maximumf %max3A_241, %gather3A_247 : vector<16xf32>
      %eq3A_249 = arith.cmpf oeq, %get3A_220, %max3A_248 : vector<16xf32>
      %select_n3A_250 = arith.select %eq3A_249, %iota3A, %broadcast_in_dim3A_3 : vector<16xi1>, vector<16xi32>
      %xor3A_251 = arith.constant 1 : i32
      %xor3A_252 = vector.broadcast %xor3A_251 : i32 to vector<16xi32>
      %xor3A_253 = arith.xori %iota3A, %xor3A_252 : vector<16xi32>
      %reshape3A_254 = vector.shape_cast %xor3A_253 : vector<16xi32> to vector<16x1xi32>
      %gather3A_255 = vector.shape_cast %reshape3A_254 : vector<16x1xi32> to vector<16xi32>
      %gather3A_256 = tpu.dynamic_gather %select_n3A_250[%gather3A_255] in [0] : vector<16xi32>, vector<16xi32> -> vector<16xi32>
      %min3A_257 = arith.minsi %select_n3A_250, %gather3A_256 : vector<16xi32>
      %xor3A_258 = arith.constant 2 : i32
      %xor3A_259 = vector.broadcast %xor3A_258 : i32 to vector<16xi32>
      %xor3A_260 = arith.xori %iota3A, %xor3A_259 : vector<16xi32>
      %reshape3A_261 = vector.shape_cast %xor3A_260 : vector<16xi32> to vector<16x1xi32>
      %gather3A_262 = vector.shape_cast %reshape3A_261 : vector<16x1xi32> to vector<16xi32>
      %gather3A_263 = tpu.dynamic_gather %min3A_257[%gather3A_262] in [0] : vector<16xi32>, vector<16xi32> -> vector<16xi32>
      %min3A_264 = arith.minsi %min3A_257, %gather3A_263 : vector<16xi32>
      %xor3A_265 = arith.constant 4 : i32
      %xor3A_266 = vector.broadcast %xor3A_265 : i32 to vector<16xi32>
      %xor3A_267 = arith.xori %iota3A, %xor3A_266 : vector<16xi32>
      %reshape3A_268 = vector.shape_cast %xor3A_267 : vector<16xi32> to vector<16x1xi32>
      %gather3A_269 = vector.shape_cast %reshape3A_268 : vector<16x1xi32> to vector<16xi32>
      %gather3A_270 = tpu.dynamic_gather %min3A_264[%gather3A_269] in [0] : vector<16xi32>, vector<16xi32> -> vector<16xi32>
      %min3A_271 = arith.minsi %min3A_264, %gather3A_270 : vector<16xi32>
      %xor3A_272 = arith.constant 8 : i32
      %xor3A_273 = vector.broadcast %xor3A_272 : i32 to vector<16xi32>
      %xor3A_274 = arith.xori %iota3A, %xor3A_273 : vector<16xi32>
      %reshape3A_275 = vector.shape_cast %xor3A_274 : vector<16xi32> to vector<16x1xi32>
      %gather3A_276 = vector.shape_cast %reshape3A_275 : vector<16x1xi32> to vector<16xi32>
      %gather3A_277 = tpu.dynamic_gather %min3A_271[%gather3A_276] in [0] : vector<16xi32>, vector<16xi32> -> vector<16xi32>
      %min3A_278 = arith.minsi %min3A_271, %gather3A_277 : vector<16xi32>
      %reshape3A_279 = vector.shape_cast %select_n3A_211 : vector<16xi32> to vector<16x1xi32>
      %gather3A_280 = vector.shape_cast %reshape3A_279 : vector<16x1xi32> to vector<16xi32>
      %gather3A_281 = tpu.dynamic_gather %get3A_220[%gather3A_280] in [0] : vector<16xf32>, vector<16xi32> -> vector<16xf32>
      %sub3A_282 = arith.subf %max3A_248, %gather3A_281 : vector<16xf32>
      %gt3A_283 = arith.constant 0.699999988 : f32
      %gt3A_284 = vector.broadcast %gt3A_283 : f32 to vector<16xf32>
      %gt3A_285 = arith.cmpf ogt, %sub3A_282, %gt3A_284 : vector<16xf32>
      %select_n3A_286 = arith.select %gt3A_285, %min3A_278, %select_n3A_211 : vector<16xi1>, vector<16xi32>
      %eq3A_287 = arith.constant 3 : i32
      %eq3A_288 = vector.broadcast %eq3A_287 : i32 to vector<16xi32>
      %eq3A_289 = arith.cmpi eq, %iota3A, %eq3A_288 : vector<16xi32>
      %select_n3A_290 = arith.select %eq3A_289, %select_n3A_286, %select_n3A_215 : vector<16xi1>, vector<16xi32>
      %get3A_291 = arith.constant 4 : i32
      %get3A_292 = arith.index_cast %get3A_291 : i32 to index
      %get3A_293 = arith.constant 0 : index
      %get3A_294 = tpu.vector_load %arg4[%get3A_292, %get3A_293] {strides = array<i32>} : memref<32x16xf32, #tpu.memory_space<vmem>>, vector<1x16xf32>,
      %get3A_295 = vector.shape_cast %get3A_294 : vector<1x16xf32> to vector<16xf32>
      %xor3A_296 = arith.constant 1 : i32
      %xor3A_297 = vector.broadcast %xor3A_296 : i32 to vector<16xi32>
      %xor3A_298 = arith.xori %iota3A, %xor3A_297 : vector<16xi32>
      %reshape3A_299 = vector.shape_cast %xor3A_298 : vector<16xi32> to vector<16x1xi32>
      %gather3A_300 = vector.shape_cast %reshape3A_299 : vector<16x1xi32> to vector<16xi32>
      %gather3A_301 = tpu.dynamic_gather %get3A_295[%gather3A_300] in [0] : vector<16xf32>, vector<16xi32> -> vector<16xf32>
      %max3A_302 = arith.maximumf %get3A_295, %gather3A_301 : vector<16xf32>
      %xor3A_303 = arith.constant 2 : i32
      %xor3A_304 = vector.broadcast %xor3A_303 : i32 to vector<16xi32>
      %xor3A_305 = arith.xori %iota3A, %xor3A_304 : vector<16xi32>
      %reshape3A_306 = vector.shape_cast %xor3A_305 : vector<16xi32> to vector<16x1xi32>
      %gather3A_307 = vector.shape_cast %reshape3A_306 : vector<16x1xi32> to vector<16xi32>
      %gather3A_308 = tpu.dynamic_gather %max3A_302[%gather3A_307] in [0] : vector<16xf32>, vector<16xi32> -> vector<16xf32>
      %max3A_309 = arith.maximumf %max3A_302, %gather3A_308 : vector<16xf32>
      %xor3A_310 = arith.constant 4 : i32
      %xor3A_311 = vector.broadcast %xor3A_310 : i32 to vector<16xi32>
      %xor3A_312 = arith.xori %iota3A, %xor3A_311 : vector<16xi32>
      %reshape3A_313 = vector.shape_cast %xor3A_312 : vector<16xi32> to vector<16x1xi32>
      %gather3A_314 = vector.shape_cast %reshape3A_313 : vector<16x1xi32> to vector<16xi32>
      %gather3A_315 = tpu.dynamic_gather %max3A_309[%gather3A_314] in [0] : vector<16xf32>, vector<16xi32> -> vector<16xf32>
      %max3A_316 = arith.maximumf %max3A_309, %gather3A_315 : vector<16xf32>
      %xor3A_317 = arith.constant 8 : i32
      %xor3A_318 = vector.broadcast %xor3A_317 : i32 to vector<16xi32>
      %xor3A_319 = arith.xori %iota3A, %xor3A_318 : vector<16xi32>
      %reshape3A_320 = vector.shape_cast %xor3A_319 : vector<16xi32> to vector<16x1xi32>
      %gather3A_321 = vector.shape_cast %reshape3A_320 : vector<16x1xi32> to vector<16xi32>
      %gather3A_322 = tpu.dynamic_gather %max3A_316[%gather3A_321] in [0] : vector<16xf32>, vector<16xi32> -> vector<16xf32>
      %max3A_323 = arith.maximumf %max3A_316, %gather3A_322 : vector<16xf32>
      %eq3A_324 = arith.cmpf oeq, %get3A_295, %max3A_323 : vector<16xf32>
      %select_n3A_325 = arith.select %eq3A_324, %iota3A, %broadcast_in_dim3A_3 : vector<16xi1>, vector<16xi32>
      %xor3A_326 = arith.constant 1 : i32
      %xor3A_327 = vector.broadcast %xor3A_326 : i32 to vector<16xi32>
      %xor3A_328 = arith.xori %iota3A, %xor3A_327 : vector<16xi32>
      %reshape3A_329 = vector.shape_cast %xor3A_328 : vector<16xi32> to vector<16x1xi32>
      %gather3A_330 = vector.shape_cast %reshape3A_329 : vector<16x1xi32> to vector<16xi32>
      %gather3A_331 = tpu.dynamic_gather %select_n3A_325[%gather3A_330] in [0] : vector<16xi32>, vector<16xi32> -> vector<16xi32>
      %min3A_332 = arith.minsi %select_n3A_325, %gather3A_331 : vector<16xi32>
      %xor3A_333 = arith.constant 2 : i32
      %xor3A_334 = vector.broadcast %xor3A_333 : i32 to vector<16xi32>
      %xor3A_335 = arith.xori %iota3A, %xor3A_334 : vector<16xi32>
      %reshape3A_336 = vector.shape_cast %xor3A_335 : vector<16xi32> to vector<16x1xi32>
      %gather3A_337 = vector.shape_cast %reshape3A_336 : vector<16x1xi32> to vector<16xi32>
      %gather3A_338 = tpu.dynamic_gather %min3A_332[%gather3A_337] in [0] : vector<16xi32>, vector<16xi32> -> vector<16xi32>
      %min3A_339 = arith.minsi %min3A_332, %gather3A_338 : vector<16xi32>
      %xor3A_340 = arith.constant 4 : i32
      %xor3A_341 = vector.broadcast %xor3A_340 : i32 to vector<16xi32>
      %xor3A_342 = arith.xori %iota3A, %xor3A_341 : vector<16xi32>
      %reshape3A_343 = vector.shape_cast %xor3A_342 : vector<16xi32> to vector<16x1xi32>
      %gather3A_344 = vector.shape_cast %reshape3A_343 : vector<16x1xi32> to vector<16xi32>
      %gather3A_345 = tpu.dynamic_gather %min3A_339[%gather3A_344] in [0] : vector<16xi32>, vector<16xi32> -> vector<16xi32>
      %min3A_346 = arith.minsi %min3A_339, %gather3A_345 : vector<16xi32>
      %xor3A_347 = arith.constant 8 : i32
      %xor3A_348 = vector.broadcast %xor3A_347 : i32 to vector<16xi32>
      %xor3A_349 = arith.xori %iota3A, %xor3A_348 : vector<16xi32>
      %reshape3A_350 = vector.shape_cast %xor3A_349 : vector<16xi32> to vector<16x1xi32>
      %gather3A_351 = vector.shape_cast %reshape3A_350 : vector<16x1xi32> to vector<16xi32>
      %gather3A_352 = tpu.dynamic_gather %min3A_346[%gather3A_351] in [0] : vector<16xi32>, vector<16xi32> -> vector<16xi32>
      %min3A_353 = arith.minsi %min3A_346, %gather3A_352 : vector<16xi32>
      %reshape3A_354 = vector.shape_cast %select_n3A_286 : vector<16xi32> to vector<16x1xi32>
      %gather3A_355 = vector.shape_cast %reshape3A_354 : vector<16x1xi32> to vector<16xi32>
      %gather3A_356 = tpu.dynamic_gather %get3A_295[%gather3A_355] in [0] : vector<16xf32>, vector<16xi32> -> vector<16xf32>
      %sub3A_357 = arith.subf %max3A_323, %gather3A_356 : vector<16xf32>
      %gt3A_358 = arith.constant 0.699999988 : f32
      %gt3A_359 = vector.broadcast %gt3A_358 : f32 to vector<16xf32>
      %gt3A_360 = arith.cmpf ogt, %sub3A_357, %gt3A_359 : vector<16xf32>
      %select_n3A_361 = arith.select %gt3A_360, %min3A_353, %select_n3A_286 : vector<16xi1>, vector<16xi32>
      %eq3A_362 = arith.constant 4 : i32
      %eq3A_363 = vector.broadcast %eq3A_362 : i32 to vector<16xi32>
      %eq3A_364 = arith.cmpi eq, %iota3A, %eq3A_363 : vector<16xi32>
      %select_n3A_365 = arith.select %eq3A_364, %select_n3A_361, %select_n3A_290 : vector<16xi1>, vector<16xi32>
      %get3A_366 = arith.constant 5 : i32
      %get3A_367 = arith.index_cast %get3A_366 : i32 to index
      %get3A_368 = arith.constant 0 : index
      %get3A_369 = tpu.vector_load %arg4[%get3A_367, %get3A_368] {strides = array<i32>} : memref<32x16xf32, #tpu.memory_space<vmem>>, vector<1x16xf32>,
      %get3A_370 = vector.shape_cast %get3A_369 : vector<1x16xf32> to vector<16xf32>
      %xor3A_371 = arith.constant 1 : i32
      %xor3A_372 = vector.broadcast %xor3A_371 : i32 to vector<16xi32>
      %xor3A_373 = arith.xori %iota3A, %xor3A_372 : vector<16xi32>
      %reshape3A_374 = vector.shape_cast %xor3A_373 : vector<16xi32> to vector<16x1xi32>
      %gather3A_375 = vector.shape_cast %reshape3A_374 : vector<16x1xi32> to vector<16xi32>
      %gather3A_376 = tpu.dynamic_gather %get3A_370[%gather3A_375] in [0] : vector<16xf32>, vector<16xi32> -> vector<16xf32>
      %max3A_377 = arith.maximumf %get3A_370, %gather3A_376 : vector<16xf32>
      %xor3A_378 = arith.constant 2 : i32
      %xor3A_379 = vector.broadcast %xor3A_378 : i32 to vector<16xi32>
      %xor3A_380 = arith.xori %iota3A, %xor3A_379 : vector<16xi32>
      %reshape3A_381 = vector.shape_cast %xor3A_380 : vector<16xi32> to vector<16x1xi32>
      %gather3A_382 = vector.shape_cast %reshape3A_381 : vector<16x1xi32> to vector<16xi32>
      %gather3A_383 = tpu.dynamic_gather %max3A_377[%gather3A_382] in [0] : vector<16xf32>, vector<16xi32> -> vector<16xf32>
      %max3A_384 = arith.maximumf %max3A_377, %gather3A_383 : vector<16xf32>
      %xor3A_385 = arith.constant 4 : i32
      %xor3A_386 = vector.broadcast %xor3A_385 : i32 to vector<16xi32>
      %xor3A_387 = arith.xori %iota3A, %xor3A_386 : vector<16xi32>
      %reshape3A_388 = vector.shape_cast %xor3A_387 : vector<16xi32> to vector<16x1xi32>
      %gather3A_389 = vector.shape_cast %reshape3A_388 : vector<16x1xi32> to vector<16xi32>
      %gather3A_390 = tpu.dynamic_gather %max3A_384[%gather3A_389] in [0] : vector<16xf32>, vector<16xi32> -> vector<16xf32>
      %max3A_391 = arith.maximumf %max3A_384, %gather3A_390 : vector<16xf32>
      %xor3A_392 = arith.constant 8 : i32
      %xor3A_393 = vector.broadcast %xor3A_392 : i32 to vector<16xi32>
      %xor3A_394 = arith.xori %iota3A, %xor3A_393 : vector<16xi32>
      %reshape3A_395 = vector.shape_cast %xor3A_394 : vector<16xi32> to vector<16x1xi32>
      %gather3A_396 = vector.shape_cast %reshape3A_395 : vector<16x1xi32> to vector<16xi32>
      %gather3A_397 = tpu.dynamic_gather %max3A_391[%gather3A_396] in [0] : vector<16xf32>, vector<16xi32> -> vector<16xf32>
      %max3A_398 = arith.maximumf %max3A_391, %gather3A_397 : vector<16xf32>
      %eq3A_399 = arith.cmpf oeq, %get3A_370, %max3A_398 : vector<16xf32>
      %select_n3A_400 = arith.select %eq3A_399, %iota3A, %broadcast_in_dim3A_3 : vector<16xi1>, vector<16xi32>
      %xor3A_401 = arith.constant 1 : i32
      %xor3A_402 = vector.broadcast %xor3A_401 : i32 to vector<16xi32>
      %xor3A_403 = arith.xori %iota3A, %xor3A_402 : vector<16xi32>
      %reshape3A_404 = vector.shape_cast %xor3A_403 : vector<16xi32> to vector<16x1xi32>
      %gather3A_405 = vector.shape_cast %reshape3A_404 : vector<16x1xi32> to vector<16xi32>
      %gather3A_406 = tpu.dynamic_gather %select_n3A_400[%gather3A_405] in [0] : vector<16xi32>, vector<16xi32> -> vector<16xi32>
      %min3A_407 = arith.minsi %select_n3A_400, %gather3A_406 : vector<16xi32>
      %xor3A_408 = arith.constant 2 : i32
      %xor3A_409 = vector.broadcast %xor3A_408 : i32 to vector<16xi32>
      %xor3A_410 = arith.xori %iota3A, %xor3A_409 : vector<16xi32>
      %reshape3A_411 = vector.shape_cast %xor3A_410 : vector<16xi32> to vector<16x1xi32>
      %gather3A_412 = vector.shape_cast %reshape3A_411 : vector<16x1xi32> to vector<16xi32>
      %gather3A_413 = tpu.dynamic_gather %min3A_407[%gather3A_412] in [0] : vector<16xi32>, vector<16xi32> -> vector<16xi32>
      %min3A_414 = arith.minsi %min3A_407, %gather3A_413 : vector<16xi32>
      %xor3A_415 = arith.constant 4 : i32
      %xor3A_416 = vector.broadcast %xor3A_415 : i32 to vector<16xi32>
      %xor3A_417 = arith.xori %iota3A, %xor3A_416 : vector<16xi32>
      %reshape3A_418 = vector.shape_cast %xor3A_417 : vector<16xi32> to vector<16x1xi32>
      %gather3A_419 = vector.shape_cast %reshape3A_418 : vector<16x1xi32> to vector<16xi32>
      %gather3A_420 = tpu.dynamic_gather %min3A_414[%gather3A_419] in [0] : vector<16xi32>, vector<16xi32> -> vector<16xi32>
      %min3A_421 = arith.minsi %min3A_414, %gather3A_420 : vector<16xi32>
      %xor3A_422 = arith.constant 8 : i32
      %xor3A_423 = vector.broadcast %xor3A_422 : i32 to vector<16xi32>
      %xor3A_424 = arith.xori %iota3A, %xor3A_423 : vector<16xi32>
      %reshape3A_425 = vector.shape_cast %xor3A_424 : vector<16xi32> to vector<16x1xi32>
      %gather3A_426 = vector.shape_cast %reshape3A_425 : vector<16x1xi32> to vector<16xi32>
      %gather3A_427 = tpu.dynamic_gather %min3A_421[%gather3A_426] in [0] : vector<16xi32>, vector<16xi32> -> vector<16xi32>
      %min3A_428 = arith.minsi %min3A_421, %gather3A_427 : vector<16xi32>
      %reshape3A_429 = vector.shape_cast %select_n3A_361 : vector<16xi32> to vector<16x1xi32>
      %gather3A_430 = vector.shape_cast %reshape3A_429 : vector<16x1xi32> to vector<16xi32>
      %gather3A_431 = tpu.dynamic_gather %get3A_370[%gather3A_430] in [0] : vector<16xf32>, vector<16xi32> -> vector<16xf32>
      %sub3A_432 = arith.subf %max3A_398, %gather3A_431 : vector<16xf32>
      %gt3A_433 = arith.constant 0.699999988 : f32
      %gt3A_434 = vector.broadcast %gt3A_433 : f32 to vector<16xf32>
      %gt3A_435 = arith.cmpf ogt, %sub3A_432, %gt3A_434 : vector<16xf32>
      %select_n3A_436 = arith.select %gt3A_435, %min3A_428, %select_n3A_361 : vector<16xi1>, vector<16xi32>
      %eq3A_437 = arith.constant 5 : i32
      %eq3A_438 = vector.broadcast %eq3A_437 : i32 to vector<16xi32>
      %eq3A_439 = arith.cmpi eq, %iota3A, %eq3A_438 : vector<16xi32>
      %select_n3A_440 = arith.select %eq3A_439, %select_n3A_436, %select_n3A_365 : vector<16xi1>, vector<16xi32>
      %get3A_441 = arith.constant 6 : i32
      %get3A_442 = arith.index_cast %get3A_441 : i32 to index
      %get3A_443 = arith.constant 0 : index
      %get3A_444 = tpu.vector_load %arg4[%get3A_442, %get3A_443] {strides = array<i32>} : memref<32x16xf32, #tpu.memory_space<vmem>>, vector<1x16xf32>,
      %get3A_445 = vector.shape_cast %get3A_444 : vector<1x16xf32> to vector<16xf32>
      %xor3A_446 = arith.constant 1 : i32
      %xor3A_447 = vector.broadcast %xor3A_446 : i32 to vector<16xi32>
      %xor3A_448 = arith.xori %iota3A, %xor3A_447 : vector<16xi32>
      %reshape3A_449 = vector.shape_cast %xor3A_448 : vector<16xi32> to vector<16x1xi32>
      %gather3A_450 = vector.shape_cast %reshape3A_449 : vector<16x1xi32> to vector<16xi32>
      %gather3A_451 = tpu.dynamic_gather %get3A_445[%gather3A_450] in [0] : vector<16xf32>, vector<16xi32> -> vector<16xf32>
      %max3A_452 = arith.maximumf %get3A_445, %gather3A_451 : vector<16xf32>
      %xor3A_453 = arith.constant 2 : i32
      %xor3A_454 = vector.broadcast %xor3A_453 : i32 to vector<16xi32>
      %xor3A_455 = arith.xori %iota3A, %xor3A_454 : vector<16xi32>
      %reshape3A_456 = vector.shape_cast %xor3A_455 : vector<16xi32> to vector<16x1xi32>
      %gather3A_457 = vector.shape_cast %reshape3A_456 : vector<16x1xi32> to vector<16xi32>
      %gather3A_458 = tpu.dynamic_gather %max3A_452[%gather3A_457] in [0] : vector<16xf32>, vector<16xi32> -> vector<16xf32>
      %max3A_459 = arith.maximumf %max3A_452, %gather3A_458 : vector<16xf32>
      %xor3A_460 = arith.constant 4 : i32
      %xor3A_461 = vector.broadcast %xor3A_460 : i32 to vector<16xi32>
      %xor3A_462 = arith.xori %iota3A, %xor3A_461 : vector<16xi32>
      %reshape3A_463 = vector.shape_cast %xor3A_462 : vector<16xi32> to vector<16x1xi32>
      %gather3A_464 = vector.shape_cast %reshape3A_463 : vector<16x1xi32> to vector<16xi32>
      %gather3A_465 = tpu.dynamic_gather %max3A_459[%gather3A_464] in [0] : vector<16xf32>, vector<16xi32> -> vector<16xf32>
      %max3A_466 = arith.maximumf %max3A_459, %gather3A_465 : vector<16xf32>
      %xor3A_467 = arith.constant 8 : i32
      %xor3A_468 = vector.broadcast %xor3A_467 : i32 to vector<16xi32>
      %xor3A_469 = arith.xori %iota3A, %xor3A_468 : vector<16xi32>
      %reshape3A_470 = vector.shape_cast %xor3A_469 : vector<16xi32> to vector<16x1xi32>
      %gather3A_471 = vector.shape_cast %reshape3A_470 : vector<16x1xi32> to vector<16xi32>
      %gather3A_472 = tpu.dynamic_gather %max3A_466[%gather3A_471] in [0] : vector<16xf32>, vector<16xi32> -> vector<16xf32>
      %max3A_473 = arith.maximumf %max3A_466, %gather3A_472 : vector<16xf32>
      %eq3A_474 = arith.cmpf oeq, %get3A_445, %max3A_473 : vector<16xf32>
      %select_n3A_475 = arith.select %eq3A_474, %iota3A, %broadcast_in_dim3A_3 : vector<16xi1>, vector<16xi32>
      %xor3A_476 = arith.constant 1 : i32
      %xor3A_477 = vector.broadcast %xor3A_476 : i32 to vector<16xi32>
      %xor3A_478 = arith.xori %iota3A, %xor3A_477 : vector<16xi32>
      %reshape3A_479 = vector.shape_cast %xor3A_478 : vector<16xi32> to vector<16x1xi32>
      %gather3A_480 = vector.shape_cast %reshape3A_479 : vector<16x1xi32> to vector<16xi32>
      %gather3A_481 = tpu.dynamic_gather %select_n3A_475[%gather3A_480] in [0] : vector<16xi32>, vector<16xi32> -> vector<16xi32>
      %min3A_482 = arith.minsi %select_n3A_475, %gather3A_481 : vector<16xi32>
      %xor3A_483 = arith.constant 2 : i32
      %xor3A_484 = vector.broadcast %xor3A_483 : i32 to vector<16xi32>
      %xor3A_485 = arith.xori %iota3A, %xor3A_484 : vector<16xi32>
      %reshape3A_486 = vector.shape_cast %xor3A_485 : vector<16xi32> to vector<16x1xi32>
      %gather3A_487 = vector.shape_cast %reshape3A_486 : vector<16x1xi32> to vector<16xi32>
      %gather3A_488 = tpu.dynamic_gather %min3A_482[%gather3A_487] in [0] : vector<16xi32>, vector<16xi32> -> vector<16xi32>
      %min3A_489 = arith.minsi %min3A_482, %gather3A_488 : vector<16xi32>
      %xor3A_490 = arith.constant 4 : i32
      %xor3A_491 = vector.broadcast %xor3A_490 : i32 to vector<16xi32>
      %xor3A_492 = arith.xori %iota3A, %xor3A_491 : vector<16xi32>
      %reshape3A_493 = vector.shape_cast %xor3A_492 : vector<16xi32> to vector<16x1xi32>
      %gather3A_494 = vector.shape_cast %reshape3A_493 : vector<16x1xi32> to vector<16xi32>
      %gather3A_495 = tpu.dynamic_gather %min3A_489[%gather3A_494] in [0] : vector<16xi32>, vector<16xi32> -> vector<16xi32>
      %min3A_496 = arith.minsi %min3A_489, %gather3A_495 : vector<16xi32>
      %xor3A_497 = arith.constant 8 : i32
      %xor3A_498 = vector.broadcast %xor3A_497 : i32 to vector<16xi32>
      %xor3A_499 = arith.xori %iota3A, %xor3A_498 : vector<16xi32>
      %reshape3A_500 = vector.shape_cast %xor3A_499 : vector<16xi32> to vector<16x1xi32>
      %gather3A_501 = vector.shape_cast %reshape3A_500 : vector<16x1xi32> to vector<16xi32>
      %gather3A_502 = tpu.dynamic_gather %min3A_496[%gather3A_501] in [0] : vector<16xi32>, vector<16xi32> -> vector<16xi32>
      %min3A_503 = arith.minsi %min3A_496, %gather3A_502 : vector<16xi32>
      %reshape3A_504 = vector.shape_cast %select_n3A_436 : vector<16xi32> to vector<16x1xi32>
      %gather3A_505 = vector.shape_cast %reshape3A_504 : vector<16x1xi32> to vector<16xi32>
      %gather3A_506 = tpu.dynamic_gather %get3A_445[%gather3A_505] in [0] : vector<16xf32>, vector<16xi32> -> vector<16xf32>
      %sub3A_507 = arith.subf %max3A_473, %gather3A_506 : vector<16xf32>
      %gt3A_508 = arith.constant 0.699999988 : f32
      %gt3A_509 = vector.broadcast %gt3A_508 : f32 to vector<16xf32>
      %gt3A_510 = arith.cmpf ogt, %sub3A_507, %gt3A_509 : vector<16xf32>
      %select_n3A_511 = arith.select %gt3A_510, %min3A_503, %select_n3A_436 : vector<16xi1>, vector<16xi32>
      %eq3A_512 = arith.constant 6 : i32
      %eq3A_513 = vector.broadcast %eq3A_512 : i32 to vector<16xi32>
      %eq3A_514 = arith.cmpi eq, %iota3A, %eq3A_513 : vector<16xi32>
      %select_n3A_515 = arith.select %eq3A_514, %select_n3A_511, %select_n3A_440 : vector<16xi1>, vector<16xi32>
      %get3A_516 = arith.constant 7 : i32
      %get3A_517 = arith.index_cast %get3A_516 : i32 to index
      %get3A_518 = arith.constant 0 : index
      %get3A_519 = tpu.vector_load %arg4[%get3A_517, %get3A_518] {strides = array<i32>} : memref<32x16xf32, #tpu.memory_space<vmem>>, vector<1x16xf32>,
      %get3A_520 = vector.shape_cast %get3A_519 : vector<1x16xf32> to vector<16xf32>
      %xor3A_521 = arith.constant 1 : i32
      %xor3A_522 = vector.broadcast %xor3A_521 : i32 to vector<16xi32>
      %xor3A_523 = arith.xori %iota3A, %xor3A_522 : vector<16xi32>
      %reshape3A_524 = vector.shape_cast %xor3A_523 : vector<16xi32> to vector<16x1xi32>
      %gather3A_525 = vector.shape_cast %reshape3A_524 : vector<16x1xi32> to vector<16xi32>
      %gather3A_526 = tpu.dynamic_gather %get3A_520[%gather3A_525] in [0] : vector<16xf32>, vector<16xi32> -> vector<16xf32>
      %max3A_527 = arith.maximumf %get3A_520, %gather3A_526 : vector<16xf32>
      %xor3A_528 = arith.constant 2 : i32
      %xor3A_529 = vector.broadcast %xor3A_528 : i32 to vector<16xi32>
      %xor3A_530 = arith.xori %iota3A, %xor3A_529 : vector<16xi32>
      %reshape3A_531 = vector.shape_cast %xor3A_530 : vector<16xi32> to vector<16x1xi32>
      %gather3A_532 = vector.shape_cast %reshape3A_531 : vector<16x1xi32> to vector<16xi32>
      %gather3A_533 = tpu.dynamic_gather %max3A_527[%gather3A_532] in [0] : vector<16xf32>, vector<16xi32> -> vector<16xf32>
      %max3A_534 = arith.maximumf %max3A_527, %gather3A_533 : vector<16xf32>
      %xor3A_535 = arith.constant 4 : i32
      %xor3A_536 = vector.broadcast %xor3A_535 : i32 to vector<16xi32>
      %xor3A_537 = arith.xori %iota3A, %xor3A_536 : vector<16xi32>
      %reshape3A_538 = vector.shape_cast %xor3A_537 : vector<16xi32> to vector<16x1xi32>
      %gather3A_539 = vector.shape_cast %reshape3A_538 : vector<16x1xi32> to vector<16xi32>
      %gather3A_540 = tpu.dynamic_gather %max3A_534[%gather3A_539] in [0] : vector<16xf32>, vector<16xi32> -> vector<16xf32>
      %max3A_541 = arith.maximumf %max3A_534, %gather3A_540 : vector<16xf32>
      %xor3A_542 = arith.constant 8 : i32
      %xor3A_543 = vector.broadcast %xor3A_542 : i32 to vector<16xi32>
      %xor3A_544 = arith.xori %iota3A, %xor3A_543 : vector<16xi32>
      %reshape3A_545 = vector.shape_cast %xor3A_544 : vector<16xi32> to vector<16x1xi32>
      %gather3A_546 = vector.shape_cast %reshape3A_545 : vector<16x1xi32> to vector<16xi32>
      %gather3A_547 = tpu.dynamic_gather %max3A_541[%gather3A_546] in [0] : vector<16xf32>, vector<16xi32> -> vector<16xf32>
      %max3A_548 = arith.maximumf %max3A_541, %gather3A_547 : vector<16xf32>
      %eq3A_549 = arith.cmpf oeq, %get3A_520, %max3A_548 : vector<16xf32>
      %select_n3A_550 = arith.select %eq3A_549, %iota3A, %broadcast_in_dim3A_3 : vector<16xi1>, vector<16xi32>
      %xor3A_551 = arith.constant 1 : i32
      %xor3A_552 = vector.broadcast %xor3A_551 : i32 to vector<16xi32>
      %xor3A_553 = arith.xori %iota3A, %xor3A_552 : vector<16xi32>
      %reshape3A_554 = vector.shape_cast %xor3A_553 : vector<16xi32> to vector<16x1xi32>
      %gather3A_555 = vector.shape_cast %reshape3A_554 : vector<16x1xi32> to vector<16xi32>
      %gather3A_556 = tpu.dynamic_gather %select_n3A_550[%gather3A_555] in [0] : vector<16xi32>, vector<16xi32> -> vector<16xi32>
      %min3A_557 = arith.minsi %select_n3A_550, %gather3A_556 : vector<16xi32>
      %xor3A_558 = arith.constant 2 : i32
      %xor3A_559 = vector.broadcast %xor3A_558 : i32 to vector<16xi32>
      %xor3A_560 = arith.xori %iota3A, %xor3A_559 : vector<16xi32>
      %reshape3A_561 = vector.shape_cast %xor3A_560 : vector<16xi32> to vector<16x1xi32>
      %gather3A_562 = vector.shape_cast %reshape3A_561 : vector<16x1xi32> to vector<16xi32>
      %gather3A_563 = tpu.dynamic_gather %min3A_557[%gather3A_562] in [0] : vector<16xi32>, vector<16xi32> -> vector<16xi32>
      %min3A_564 = arith.minsi %min3A_557, %gather3A_563 : vector<16xi32>
      %xor3A_565 = arith.constant 4 : i32
      %xor3A_566 = vector.broadcast %xor3A_565 : i32 to vector<16xi32>
      %xor3A_567 = arith.xori %iota3A, %xor3A_566 : vector<16xi32>
      %reshape3A_568 = vector.shape_cast %xor3A_567 : vector<16xi32> to vector<16x1xi32>
      %gather3A_569 = vector.shape_cast %reshape3A_568 : vector<16x1xi32> to vector<16xi32>
      %gather3A_570 = tpu.dynamic_gather %min3A_564[%gather3A_569] in [0] : vector<16xi32>, vector<16xi32> -> vector<16xi32>
      %min3A_571 = arith.minsi %min3A_564, %gather3A_570 : vector<16xi32>
      %xor3A_572 = arith.constant 8 : i32
      %xor3A_573 = vector.broadcast %xor3A_572 : i32 to vector<16xi32>
      %xor3A_574 = arith.xori %iota3A, %xor3A_573 : vector<16xi32>
      %reshape3A_575 = vector.shape_cast %xor3A_574 : vector<16xi32> to vector<16x1xi32>
      %gather3A_576 = vector.shape_cast %reshape3A_575 : vector<16x1xi32> to vector<16xi32>
      %gather3A_577 = tpu.dynamic_gather %min3A_571[%gather3A_576] in [0] : vector<16xi32>, vector<16xi32> -> vector<16xi32>
      %min3A_578 = arith.minsi %min3A_571, %gather3A_577 : vector<16xi32>
      %reshape3A_579 = vector.shape_cast %select_n3A_511 : vector<16xi32> to vector<16x1xi32>
      %gather3A_580 = vector.shape_cast %reshape3A_579 : vector<16x1xi32> to vector<16xi32>
      %gather3A_581 = tpu.dynamic_gather %get3A_520[%gather3A_580] in [0] : vector<16xf32>, vector<16xi32> -> vector<16xf32>
      %sub3A_582 = arith.subf %max3A_548, %gather3A_581 : vector<16xf32>
      %gt3A_583 = arith.constant 0.699999988 : f32
      %gt3A_584 = vector.broadcast %gt3A_583 : f32 to vector<16xf32>
      %gt3A_585 = arith.cmpf ogt, %sub3A_582, %gt3A_584 : vector<16xf32>
      %select_n3A_586 = arith.select %gt3A_585, %min3A_578, %select_n3A_511 : vector<16xi1>, vector<16xi32>
      %eq3A_587 = arith.constant 7 : i32
      %eq3A_588 = vector.broadcast %eq3A_587 : i32 to vector<16xi32>
      %eq3A_589 = arith.cmpi eq, %iota3A, %eq3A_588 : vector<16xi32>
      %select_n3A_590 = arith.select %eq3A_589, %select_n3A_586, %select_n3A_515 : vector<16xi1>, vector<16xi32>
      %get3A_591 = arith.constant 8 : i32
      %get3A_592 = arith.index_cast %get3A_591 : i32 to index
      %get3A_593 = arith.constant 0 : index
      %get3A_594 = tpu.vector_load %arg4[%get3A_592, %get3A_593] {strides = array<i32>} : memref<32x16xf32, #tpu.memory_space<vmem>>, vector<1x16xf32>,
      %get3A_595 = vector.shape_cast %get3A_594 : vector<1x16xf32> to vector<16xf32>
      %xor3A_596 = arith.constant 1 : i32
      %xor3A_597 = vector.broadcast %xor3A_596 : i32 to vector<16xi32>
      %xor3A_598 = arith.xori %iota3A, %xor3A_597 : vector<16xi32>
      %reshape3A_599 = vector.shape_cast %xor3A_598 : vector<16xi32> to vector<16x1xi32>
      %gather3A_600 = vector.shape_cast %reshape3A_599 : vector<16x1xi32> to vector<16xi32>
      %gather3A_601 = tpu.dynamic_gather %get3A_595[%gather3A_600] in [0] : vector<16xf32>, vector<16xi32> -> vector<16xf32>
      %max3A_602 = arith.maximumf %get3A_595, %gather3A_601 : vector<16xf32>
      %xor3A_603 = arith.constant 2 : i32
      %xor3A_604 = vector.broadcast %xor3A_603 : i32 to vector<16xi32>
      %xor3A_605 = arith.xori %iota3A, %xor3A_604 : vector<16xi32>
      %reshape3A_606 = vector.shape_cast %xor3A_605 : vector<16xi32> to vector<16x1xi32>
      %gather3A_607 = vector.shape_cast %reshape3A_606 : vector<16x1xi32> to vector<16xi32>
      %gather3A_608 = tpu.dynamic_gather %max3A_602[%gather3A_607] in [0] : vector<16xf32>, vector<16xi32> -> vector<16xf32>
      %max3A_609 = arith.maximumf %max3A_602, %gather3A_608 : vector<16xf32>
      %xor3A_610 = arith.constant 4 : i32
      %xor3A_611 = vector.broadcast %xor3A_610 : i32 to vector<16xi32>
      %xor3A_612 = arith.xori %iota3A, %xor3A_611 : vector<16xi32>
      %reshape3A_613 = vector.shape_cast %xor3A_612 : vector<16xi32> to vector<16x1xi32>
      %gather3A_614 = vector.shape_cast %reshape3A_613 : vector<16x1xi32> to vector<16xi32>
      %gather3A_615 = tpu.dynamic_gather %max3A_609[%gather3A_614] in [0] : vector<16xf32>, vector<16xi32> -> vector<16xf32>
      %max3A_616 = arith.maximumf %max3A_609, %gather3A_615 : vector<16xf32>
      %xor3A_617 = arith.constant 8 : i32
      %xor3A_618 = vector.broadcast %xor3A_617 : i32 to vector<16xi32>
      %xor3A_619 = arith.xori %iota3A, %xor3A_618 : vector<16xi32>
      %reshape3A_620 = vector.shape_cast %xor3A_619 : vector<16xi32> to vector<16x1xi32>
      %gather3A_621 = vector.shape_cast %reshape3A_620 : vector<16x1xi32> to vector<16xi32>
      %gather3A_622 = tpu.dynamic_gather %max3A_616[%gather3A_621] in [0] : vector<16xf32>, vector<16xi32> -> vector<16xf32>
      %max3A_623 = arith.maximumf %max3A_616, %gather3A_622 : vector<16xf32>
      %eq3A_624 = arith.cmpf oeq, %get3A_595, %max3A_623 : vector<16xf32>
      %select_n3A_625 = arith.select %eq3A_624, %iota3A, %broadcast_in_dim3A_3 : vector<16xi1>, vector<16xi32>
      %xor3A_626 = arith.constant 1 : i32
      %xor3A_627 = vector.broadcast %xor3A_626 : i32 to vector<16xi32>
      %xor3A_628 = arith.xori %iota3A, %xor3A_627 : vector<16xi32>
      %reshape3A_629 = vector.shape_cast %xor3A_628 : vector<16xi32> to vector<16x1xi32>
      %gather3A_630 = vector.shape_cast %reshape3A_629 : vector<16x1xi32> to vector<16xi32>
      %gather3A_631 = tpu.dynamic_gather %select_n3A_625[%gather3A_630] in [0] : vector<16xi32>, vector<16xi32> -> vector<16xi32>
      %min3A_632 = arith.minsi %select_n3A_625, %gather3A_631 : vector<16xi32>
      %xor3A_633 = arith.constant 2 : i32
      %xor3A_634 = vector.broadcast %xor3A_633 : i32 to vector<16xi32>
      %xor3A_635 = arith.xori %iota3A, %xor3A_634 : vector<16xi32>
      %reshape3A_636 = vector.shape_cast %xor3A_635 : vector<16xi32> to vector<16x1xi32>
      %gather3A_637 = vector.shape_cast %reshape3A_636 : vector<16x1xi32> to vector<16xi32>
      %gather3A_638 = tpu.dynamic_gather %min3A_632[%gather3A_637] in [0] : vector<16xi32>, vector<16xi32> -> vector<16xi32>
      %min3A_639 = arith.minsi %min3A_632, %gather3A_638 : vector<16xi32>
      %xor3A_640 = arith.constant 4 : i32
      %xor3A_641 = vector.broadcast %xor3A_640 : i32 to vector<16xi32>
      %xor3A_642 = arith.xori %iota3A, %xor3A_641 : vector<16xi32>
      %reshape3A_643 = vector.shape_cast %xor3A_642 : vector<16xi32> to vector<16x1xi32>
      %gather3A_644 = vector.shape_cast %reshape3A_643 : vector<16x1xi32> to vector<16xi32>
      %gather3A_645 = tpu.dynamic_gather %min3A_639[%gather3A_644] in [0] : vector<16xi32>, vector<16xi32> -> vector<16xi32>
      %min3A_646 = arith.minsi %min3A_639, %gather3A_645 : vector<16xi32>
      %xor3A_647 = arith.constant 8 : i32
      %xor3A_648 = vector.broadcast %xor3A_647 : i32 to vector<16xi32>
      %xor3A_649 = arith.xori %iota3A, %xor3A_648 : vector<16xi32>
      %reshape3A_650 = vector.shape_cast %xor3A_649 : vector<16xi32> to vector<16x1xi32>
      %gather3A_651 = vector.shape_cast %reshape3A_650 : vector<16x1xi32> to vector<16xi32>
      %gather3A_652 = tpu.dynamic_gather %min3A_646[%gather3A_651] in [0] : vector<16xi32>, vector<16xi32> -> vector<16xi32>
      %min3A_653 = arith.minsi %min3A_646, %gather3A_652 : vector<16xi32>
      %reshape3A_654 = vector.shape_cast %select_n3A_586 : vector<16xi32> to vector<16x1xi32>
      %gather3A_655 = vector.shape_cast %reshape3A_654 : vector<16x1xi32> to vector<16xi32>
      %gather3A_656 = tpu.dynamic_gather %get3A_595[%gather3A_655] in [0] : vector<16xf32>, vector<16xi32> -> vector<16xf32>
      %sub3A_657 = arith.subf %max3A_623, %gather3A_656 : vector<16xf32>
      %gt3A_658 = arith.constant 0.699999988 : f32
      %gt3A_659 = vector.broadcast %gt3A_658 : f32 to vector<16xf32>
      %gt3A_660 = arith.cmpf ogt, %sub3A_657, %gt3A_659 : vector<16xf32>
      %select_n3A_661 = arith.select %gt3A_660, %min3A_653, %select_n3A_586 : vector<16xi1>, vector<16xi32>
      %eq3A_662 = arith.constant 8 : i32
      %eq3A_663 = vector.broadcast %eq3A_662 : i32 to vector<16xi32>
      %eq3A_664 = arith.cmpi eq, %iota3A, %eq3A_663 : vector<16xi32>
      %select_n3A_665 = arith.select %eq3A_664, %select_n3A_661, %select_n3A_590 : vector<16xi1>, vector<16xi32>
      %get3A_666 = arith.constant 9 : i32
      %get3A_667 = arith.index_cast %get3A_666 : i32 to index
      %get3A_668 = arith.constant 0 : index
      %get3A_669 = tpu.vector_load %arg4[%get3A_667, %get3A_668] {strides = array<i32>} : memref<32x16xf32, #tpu.memory_space<vmem>>, vector<1x16xf32>,
      %get3A_670 = vector.shape_cast %get3A_669 : vector<1x16xf32> to vector<16xf32>
      %xor3A_671 = arith.constant 1 : i32
      %xor3A_672 = vector.broadcast %xor3A_671 : i32 to vector<16xi32>
      %xor3A_673 = arith.xori %iota3A, %xor3A_672 : vector<16xi32>
      %reshape3A_674 = vector.shape_cast %xor3A_673 : vector<16xi32> to vector<16x1xi32>
      %gather3A_675 = vector.shape_cast %reshape3A_674 : vector<16x1xi32> to vector<16xi32>
      %gather3A_676 = tpu.dynamic_gather %get3A_670[%gather3A_675] in [0] : vector<16xf32>, vector<16xi32> -> vector<16xf32>
      %max3A_677 = arith.maximumf %get3A_670, %gather3A_676 : vector<16xf32>
      %xor3A_678 = arith.constant 2 : i32
      %xor3A_679 = vector.broadcast %xor3A_678 : i32 to vector<16xi32>
      %xor3A_680 = arith.xori %iota3A, %xor3A_679 : vector<16xi32>
      %reshape3A_681 = vector.shape_cast %xor3A_680 : vector<16xi32> to vector<16x1xi32>
      %gather3A_682 = vector.shape_cast %reshape3A_681 : vector<16x1xi32> to vector<16xi32>
      %gather3A_683 = tpu.dynamic_gather %max3A_677[%gather3A_682] in [0] : vector<16xf32>, vector<16xi32> -> vector<16xf32>
      %max3A_684 = arith.maximumf %max3A_677, %gather3A_683 : vector<16xf32>
      %xor3A_685 = arith.constant 4 : i32
      %xor3A_686 = vector.broadcast %xor3A_685 : i32 to vector<16xi32>
      %xor3A_687 = arith.xori %iota3A, %xor3A_686 : vector<16xi32>
      %reshape3A_688 = vector.shape_cast %xor3A_687 : vector<16xi32> to vector<16x1xi32>
      %gather3A_689 = vector.shape_cast %reshape3A_688 : vector<16x1xi32> to vector<16xi32>
      %gather3A_690 = tpu.dynamic_gather %max3A_684[%gather3A_689] in [0] : vector<16xf32>, vector<16xi32> -> vector<16xf32>
      %max3A_691 = arith.maximumf %max3A_684, %gather3A_690 : vector<16xf32>
      %xor3A_692 = arith.constant 8 : i32
      %xor3A_693 = vector.broadcast %xor3A_692 : i32 to vector<16xi32>
      %xor3A_694 = arith.xori %iota3A, %xor3A_693 : vector<16xi32>
      %reshape3A_695 = vector.shape_cast %xor3A_694 : vector<16xi32> to vector<16x1xi32>
      %gather3A_696 = vector.shape_cast %reshape3A_695 : vector<16x1xi32> to vector<16xi32>
      %gather3A_697 = tpu.dynamic_gather %max3A_691[%gather3A_696] in [0] : vector<16xf32>, vector<16xi32> -> vector<16xf32>
      %max3A_698 = arith.maximumf %max3A_691, %gather3A_697 : vector<16xf32>
      %eq3A_699 = arith.cmpf oeq, %get3A_670, %max3A_698 : vector<16xf32>
      %select_n3A_700 = arith.select %eq3A_699, %iota3A, %broadcast_in_dim3A_3 : vector<16xi1>, vector<16xi32>
      %xor3A_701 = arith.constant 1 : i32
      %xor3A_702 = vector.broadcast %xor3A_701 : i32 to vector<16xi32>
      %xor3A_703 = arith.xori %iota3A, %xor3A_702 : vector<16xi32>
      %reshape3A_704 = vector.shape_cast %xor3A_703 : vector<16xi32> to vector<16x1xi32>
      %gather3A_705 = vector.shape_cast %reshape3A_704 : vector<16x1xi32> to vector<16xi32>
      %gather3A_706 = tpu.dynamic_gather %select_n3A_700[%gather3A_705] in [0] : vector<16xi32>, vector<16xi32> -> vector<16xi32>
      %min3A_707 = arith.minsi %select_n3A_700, %gather3A_706 : vector<16xi32>
      %xor3A_708 = arith.constant 2 : i32
      %xor3A_709 = vector.broadcast %xor3A_708 : i32 to vector<16xi32>
      %xor3A_710 = arith.xori %iota3A, %xor3A_709 : vector<16xi32>
      %reshape3A_711 = vector.shape_cast %xor3A_710 : vector<16xi32> to vector<16x1xi32>
      %gather3A_712 = vector.shape_cast %reshape3A_711 : vector<16x1xi32> to vector<16xi32>
      %gather3A_713 = tpu.dynamic_gather %min3A_707[%gather3A_712] in [0] : vector<16xi32>, vector<16xi32> -> vector<16xi32>
      %min3A_714 = arith.minsi %min3A_707, %gather3A_713 : vector<16xi32>
      %xor3A_715 = arith.constant 4 : i32
      %xor3A_716 = vector.broadcast %xor3A_715 : i32 to vector<16xi32>
      %xor3A_717 = arith.xori %iota3A, %xor3A_716 : vector<16xi32>
      %reshape3A_718 = vector.shape_cast %xor3A_717 : vector<16xi32> to vector<16x1xi32>
      %gather3A_719 = vector.shape_cast %reshape3A_718 : vector<16x1xi32> to vector<16xi32>
      %gather3A_720 = tpu.dynamic_gather %min3A_714[%gather3A_719] in [0] : vector<16xi32>, vector<16xi32> -> vector<16xi32>
      %min3A_721 = arith.minsi %min3A_714, %gather3A_720 : vector<16xi32>
      %xor3A_722 = arith.constant 8 : i32
      %xor3A_723 = vector.broadcast %xor3A_722 : i32 to vector<16xi32>
      %xor3A_724 = arith.xori %iota3A, %xor3A_723 : vector<16xi32>
      %reshape3A_725 = vector.shape_cast %xor3A_724 : vector<16xi32> to vector<16x1xi32>
      %gather3A_726 = vector.shape_cast %reshape3A_725 : vector<16x1xi32> to vector<16xi32>
      %gather3A_727 = tpu.dynamic_gather %min3A_721[%gather3A_726] in [0] : vector<16xi32>, vector<16xi32> -> vector<16xi32>
      %min3A_728 = arith.minsi %min3A_721, %gather3A_727 : vector<16xi32>
      %reshape3A_729 = vector.shape_cast %select_n3A_661 : vector<16xi32> to vector<16x1xi32>
      %gather3A_730 = vector.shape_cast %reshape3A_729 : vector<16x1xi32> to vector<16xi32>
      %gather3A_731 = tpu.dynamic_gather %get3A_670[%gather3A_730] in [0] : vector<16xf32>, vector<16xi32> -> vector<16xf32>
      %sub3A_732 = arith.subf %max3A_698, %gather3A_731 : vector<16xf32>
      %gt3A_733 = arith.constant 0.699999988 : f32
      %gt3A_734 = vector.broadcast %gt3A_733 : f32 to vector<16xf32>
      %gt3A_735 = arith.cmpf ogt, %sub3A_732, %gt3A_734 : vector<16xf32>
      %select_n3A_736 = arith.select %gt3A_735, %min3A_728, %select_n3A_661 : vector<16xi1>, vector<16xi32>
      %eq3A_737 = arith.constant 9 : i32
      %eq3A_738 = vector.broadcast %eq3A_737 : i32 to vector<16xi32>
      %eq3A_739 = arith.cmpi eq, %iota3A, %eq3A_738 : vector<16xi32>
      %select_n3A_740 = arith.select %eq3A_739, %select_n3A_736, %select_n3A_665 : vector<16xi1>, vector<16xi32>
      %get3A_741 = arith.constant 10 : i32
      %get3A_742 = arith.index_cast %get3A_741 : i32 to index
      %get3A_743 = arith.constant 0 : index
      %get3A_744 = tpu.vector_load %arg4[%get3A_742, %get3A_743] {strides = array<i32>} : memref<32x16xf32, #tpu.memory_space<vmem>>, vector<1x16xf32>,
      %get3A_745 = vector.shape_cast %get3A_744 : vector<1x16xf32> to vector<16xf32>
      %xor3A_746 = arith.constant 1 : i32
      %xor3A_747 = vector.broadcast %xor3A_746 : i32 to vector<16xi32>
      %xor3A_748 = arith.xori %iota3A, %xor3A_747 : vector<16xi32>
      %reshape3A_749 = vector.shape_cast %xor3A_748 : vector<16xi32> to vector<16x1xi32>
      %gather3A_750 = vector.shape_cast %reshape3A_749 : vector<16x1xi32> to vector<16xi32>
      %gather3A_751 = tpu.dynamic_gather %get3A_745[%gather3A_750] in [0] : vector<16xf32>, vector<16xi32> -> vector<16xf32>
      %max3A_752 = arith.maximumf %get3A_745, %gather3A_751 : vector<16xf32>
      %xor3A_753 = arith.constant 2 : i32
      %xor3A_754 = vector.broadcast %xor3A_753 : i32 to vector<16xi32>
      %xor3A_755 = arith.xori %iota3A, %xor3A_754 : vector<16xi32>
      %reshape3A_756 = vector.shape_cast %xor3A_755 : vector<16xi32> to vector<16x1xi32>
      %gather3A_757 = vector.shape_cast %reshape3A_756 : vector<16x1xi32> to vector<16xi32>
      %gather3A_758 = tpu.dynamic_gather %max3A_752[%gather3A_757] in [0] : vector<16xf32>, vector<16xi32> -> vector<16xf32>
      %max3A_759 = arith.maximumf %max3A_752, %gather3A_758 : vector<16xf32>
      %xor3A_760 = arith.constant 4 : i32
      %xor3A_761 = vector.broadcast %xor3A_760 : i32 to vector<16xi32>
      %xor3A_762 = arith.xori %iota3A, %xor3A_761 : vector<16xi32>
      %reshape3A_763 = vector.shape_cast %xor3A_762 : vector<16xi32> to vector<16x1xi32>
      %gather3A_764 = vector.shape_cast %reshape3A_763 : vector<16x1xi32> to vector<16xi32>
      %gather3A_765 = tpu.dynamic_gather %max3A_759[%gather3A_764] in [0] : vector<16xf32>, vector<16xi32> -> vector<16xf32>
      %max3A_766 = arith.maximumf %max3A_759, %gather3A_765 : vector<16xf32>
      %xor3A_767 = arith.constant 8 : i32
      %xor3A_768 = vector.broadcast %xor3A_767 : i32 to vector<16xi32>
      %xor3A_769 = arith.xori %iota3A, %xor3A_768 : vector<16xi32>
      %reshape3A_770 = vector.shape_cast %xor3A_769 : vector<16xi32> to vector<16x1xi32>
      %gather3A_771 = vector.shape_cast %reshape3A_770 : vector<16x1xi32> to vector<16xi32>
      %gather3A_772 = tpu.dynamic_gather %max3A_766[%gather3A_771] in [0] : vector<16xf32>, vector<16xi32> -> vector<16xf32>
      %max3A_773 = arith.maximumf %max3A_766, %gather3A_772 : vector<16xf32>
      %eq3A_774 = arith.cmpf oeq, %get3A_745, %max3A_773 : vector<16xf32>
      %select_n3A_775 = arith.select %eq3A_774, %iota3A, %broadcast_in_dim3A_3 : vector<16xi1>, vector<16xi32>
      %xor3A_776 = arith.constant 1 : i32
      %xor3A_777 = vector.broadcast %xor3A_776 : i32 to vector<16xi32>
      %xor3A_778 = arith.xori %iota3A, %xor3A_777 : vector<16xi32>
      %reshape3A_779 = vector.shape_cast %xor3A_778 : vector<16xi32> to vector<16x1xi32>
      %gather3A_780 = vector.shape_cast %reshape3A_779 : vector<16x1xi32> to vector<16xi32>
      %gather3A_781 = tpu.dynamic_gather %select_n3A_775[%gather3A_780] in [0] : vector<16xi32>, vector<16xi32> -> vector<16xi32>
      %min3A_782 = arith.minsi %select_n3A_775, %gather3A_781 : vector<16xi32>
      %xor3A_783 = arith.constant 2 : i32
      %xor3A_784 = vector.broadcast %xor3A_783 : i32 to vector<16xi32>
      %xor3A_785 = arith.xori %iota3A, %xor3A_784 : vector<16xi32>
      %reshape3A_786 = vector.shape_cast %xor3A_785 : vector<16xi32> to vector<16x1xi32>
      %gather3A_787 = vector.shape_cast %reshape3A_786 : vector<16x1xi32> to vector<16xi32>
      %gather3A_788 = tpu.dynamic_gather %min3A_782[%gather3A_787] in [0] : vector<16xi32>, vector<16xi32> -> vector<16xi32>
      %min3A_789 = arith.minsi %min3A_782, %gather3A_788 : vector<16xi32>
      %xor3A_790 = arith.constant 4 : i32
      %xor3A_791 = vector.broadcast %xor3A_790 : i32 to vector<16xi32>
      %xor3A_792 = arith.xori %iota3A, %xor3A_791 : vector<16xi32>
      %reshape3A_793 = vector.shape_cast %xor3A_792 : vector<16xi32> to vector<16x1xi32>
      %gather3A_794 = vector.shape_cast %reshape3A_793 : vector<16x1xi32> to vector<16xi32>
      %gather3A_795 = tpu.dynamic_gather %min3A_789[%gather3A_794] in [0] : vector<16xi32>, vector<16xi32> -> vector<16xi32>
      %min3A_796 = arith.minsi %min3A_789, %gather3A_795 : vector<16xi32>
      %xor3A_797 = arith.constant 8 : i32
      %xor3A_798 = vector.broadcast %xor3A_797 : i32 to vector<16xi32>
      %xor3A_799 = arith.xori %iota3A, %xor3A_798 : vector<16xi32>
      %reshape3A_800 = vector.shape_cast %xor3A_799 : vector<16xi32> to vector<16x1xi32>
      %gather3A_801 = vector.shape_cast %reshape3A_800 : vector<16x1xi32> to vector<16xi32>
      %gather3A_802 = tpu.dynamic_gather %min3A_796[%gather3A_801] in [0] : vector<16xi32>, vector<16xi32> -> vector<16xi32>
      %min3A_803 = arith.minsi %min3A_796, %gather3A_802 : vector<16xi32>
      %reshape3A_804 = vector.shape_cast %select_n3A_736 : vector<16xi32> to vector<16x1xi32>
      %gather3A_805 = vector.shape_cast %reshape3A_804 : vector<16x1xi32> to vector<16xi32>
      %gather3A_806 = tpu.dynamic_gather %get3A_745[%gather3A_805] in [0] : vector<16xf32>, vector<16xi32> -> vector<16xf32>
      %sub3A_807 = arith.subf %max3A_773, %gather3A_806 : vector<16xf32>
      %gt3A_808 = arith.constant 0.699999988 : f32
      %gt3A_809 = vector.broadcast %gt3A_808 : f32 to vector<16xf32>
      %gt3A_810 = arith.cmpf ogt, %sub3A_807, %gt3A_809 : vector<16xf32>
      %select_n3A_811 = arith.select %gt3A_810, %min3A_803, %select_n3A_736 : vector<16xi1>, vector<16xi32>
      %eq3A_812 = arith.constant 10 : i32
      %eq3A_813 = vector.broadcast %eq3A_812 : i32 to vector<16xi32>
      %eq3A_814 = arith.cmpi eq, %iota3A, %eq3A_813 : vector<16xi32>
      %select_n3A_815 = arith.select %eq3A_814, %select_n3A_811, %select_n3A_740 : vector<16xi1>, vector<16xi32>
      %get3A_816 = arith.constant 11 : i32
      %get3A_817 = arith.index_cast %get3A_816 : i32 to index
      %get3A_818 = arith.constant 0 : index
      %get3A_819 = tpu.vector_load %arg4[%get3A_817, %get3A_818] {strides = array<i32>} : memref<32x16xf32, #tpu.memory_space<vmem>>, vector<1x16xf32>,
      %get3A_820 = vector.shape_cast %get3A_819 : vector<1x16xf32> to vector<16xf32>
      %xor3A_821 = arith.constant 1 : i32
      %xor3A_822 = vector.broadcast %xor3A_821 : i32 to vector<16xi32>
      %xor3A_823 = arith.xori %iota3A, %xor3A_822 : vector<16xi32>
      %reshape3A_824 = vector.shape_cast %xor3A_823 : vector<16xi32> to vector<16x1xi32>
      %gather3A_825 = vector.shape_cast %reshape3A_824 : vector<16x1xi32> to vector<16xi32>
      %gather3A_826 = tpu.dynamic_gather %get3A_820[%gather3A_825] in [0] : vector<16xf32>, vector<16xi32> -> vector<16xf32>
      %max3A_827 = arith.maximumf %get3A_820, %gather3A_826 : vector<16xf32>
      %xor3A_828 = arith.constant 2 : i32
      %xor3A_829 = vector.broadcast %xor3A_828 : i32 to vector<16xi32>
      %xor3A_830 = arith.xori %iota3A, %xor3A_829 : vector<16xi32>
      %reshape3A_831 = vector.shape_cast %xor3A_830 : vector<16xi32> to vector<16x1xi32>
      %gather3A_832 = vector.shape_cast %reshape3A_831 : vector<16x1xi32> to vector<16xi32>
      %gather3A_833 = tpu.dynamic_gather %max3A_827[%gather3A_832] in [0] : vector<16xf32>, vector<16xi32> -> vector<16xf32>
      %max3A_834 = arith.maximumf %max3A_827, %gather3A_833 : vector<16xf32>
      %xor3A_835 = arith.constant 4 : i32
      %xor3A_836 = vector.broadcast %xor3A_835 : i32 to vector<16xi32>
      %xor3A_837 = arith.xori %iota3A, %xor3A_836 : vector<16xi32>
      %reshape3A_838 = vector.shape_cast %xor3A_837 : vector<16xi32> to vector<16x1xi32>
      %gather3A_839 = vector.shape_cast %reshape3A_838 : vector<16x1xi32> to vector<16xi32>
      %gather3A_840 = tpu.dynamic_gather %max3A_834[%gather3A_839] in [0] : vector<16xf32>, vector<16xi32> -> vector<16xf32>
      %max3A_841 = arith.maximumf %max3A_834, %gather3A_840 : vector<16xf32>
      %xor3A_842 = arith.constant 8 : i32
      %xor3A_843 = vector.broadcast %xor3A_842 : i32 to vector<16xi32>
      %xor3A_844 = arith.xori %iota3A, %xor3A_843 : vector<16xi32>
      %reshape3A_845 = vector.shape_cast %xor3A_844 : vector<16xi32> to vector<16x1xi32>
      %gather3A_846 = vector.shape_cast %reshape3A_845 : vector<16x1xi32> to vector<16xi32>
      %gather3A_847 = tpu.dynamic_gather %max3A_841[%gather3A_846] in [0] : vector<16xf32>, vector<16xi32> -> vector<16xf32>
      %max3A_848 = arith.maximumf %max3A_841, %gather3A_847 : vector<16xf32>
      %eq3A_849 = arith.cmpf oeq, %get3A_820, %max3A_848 : vector<16xf32>
      %select_n3A_850 = arith.select %eq3A_849, %iota3A, %broadcast_in_dim3A_3 : vector<16xi1>, vector<16xi32>
      %xor3A_851 = arith.constant 1 : i32
      %xor3A_852 = vector.broadcast %xor3A_851 : i32 to vector<16xi32>
      %xor3A_853 = arith.xori %iota3A, %xor3A_852 : vector<16xi32>
      %reshape3A_854 = vector.shape_cast %xor3A_853 : vector<16xi32> to vector<16x1xi32>
      %gather3A_855 = vector.shape_cast %reshape3A_854 : vector<16x1xi32> to vector<16xi32>
      %gather3A_856 = tpu.dynamic_gather %select_n3A_850[%gather3A_855] in [0] : vector<16xi32>, vector<16xi32> -> vector<16xi32>
      %min3A_857 = arith.minsi %select_n3A_850, %gather3A_856 : vector<16xi32>
      %xor3A_858 = arith.constant 2 : i32
      %xor3A_859 = vector.broadcast %xor3A_858 : i32 to vector<16xi32>
      %xor3A_860 = arith.xori %iota3A, %xor3A_859 : vector<16xi32>
      %reshape3A_861 = vector.shape_cast %xor3A_860 : vector<16xi32> to vector<16x1xi32>
      %gather3A_862 = vector.shape_cast %reshape3A_861 : vector<16x1xi32> to vector<16xi32>
      %gather3A_863 = tpu.dynamic_gather %min3A_857[%gather3A_862] in [0] : vector<16xi32>, vector<16xi32> -> vector<16xi32>
      %min3A_864 = arith.minsi %min3A_857, %gather3A_863 : vector<16xi32>
      %xor3A_865 = arith.constant 4 : i32
      %xor3A_866 = vector.broadcast %xor3A_865 : i32 to vector<16xi32>
      %xor3A_867 = arith.xori %iota3A, %xor3A_866 : vector<16xi32>
      %reshape3A_868 = vector.shape_cast %xor3A_867 : vector<16xi32> to vector<16x1xi32>
      %gather3A_869 = vector.shape_cast %reshape3A_868 : vector<16x1xi32> to vector<16xi32>
      %gather3A_870 = tpu.dynamic_gather %min3A_864[%gather3A_869] in [0] : vector<16xi32>, vector<16xi32> -> vector<16xi32>
      %min3A_871 = arith.minsi %min3A_864, %gather3A_870 : vector<16xi32>
      %xor3A_872 = arith.constant 8 : i32
      %xor3A_873 = vector.broadcast %xor3A_872 : i32 to vector<16xi32>
      %xor3A_874 = arith.xori %iota3A, %xor3A_873 : vector<16xi32>
      %reshape3A_875 = vector.shape_cast %xor3A_874 : vector<16xi32> to vector<16x1xi32>
      %gather3A_876 = vector.shape_cast %reshape3A_875 : vector<16x1xi32> to vector<16xi32>
      %gather3A_877 = tpu.dynamic_gather %min3A_871[%gather3A_876] in [0] : vector<16xi32>, vector<16xi32> -> vector<16xi32>
      %min3A_878 = arith.minsi %min3A_871, %gather3A_877 : vector<16xi32>
      %reshape3A_879 = vector.shape_cast %select_n3A_811 : vector<16xi32> to vector<16x1xi32>
      %gather3A_880 = vector.shape_cast %reshape3A_879 : vector<16x1xi32> to vector<16xi32>
      %gather3A_881 = tpu.dynamic_gather %get3A_820[%gather3A_880] in [0] : vector<16xf32>, vector<16xi32> -> vector<16xf32>
      %sub3A_882 = arith.subf %max3A_848, %gather3A_881 : vector<16xf32>
      %gt3A_883 = arith.constant 0.699999988 : f32
      %gt3A_884 = vector.broadcast %gt3A_883 : f32 to vector<16xf32>
      %gt3A_885 = arith.cmpf ogt, %sub3A_882, %gt3A_884 : vector<16xf32>
      %select_n3A_886 = arith.select %gt3A_885, %min3A_878, %select_n3A_811 : vector<16xi1>, vector<16xi32>
      %eq3A_887 = arith.constant 11 : i32
      %eq3A_888 = vector.broadcast %eq3A_887 : i32 to vector<16xi32>
      %eq3A_889 = arith.cmpi eq, %iota3A, %eq3A_888 : vector<16xi32>
      %select_n3A_890 = arith.select %eq3A_889, %select_n3A_886, %select_n3A_815 : vector<16xi1>, vector<16xi32>
      %get3A_891 = arith.constant 12 : i32
      %get3A_892 = arith.index_cast %get3A_891 : i32 to index
      %get3A_893 = arith.constant 0 : index
      %get3A_894 = tpu.vector_load %arg4[%get3A_892, %get3A_893] {strides = array<i32>} : memref<32x16xf32, #tpu.memory_space<vmem>>, vector<1x16xf32>,
      %get3A_895 = vector.shape_cast %get3A_894 : vector<1x16xf32> to vector<16xf32>
      %xor3A_896 = arith.constant 1 : i32
      %xor3A_897 = vector.broadcast %xor3A_896 : i32 to vector<16xi32>
      %xor3A_898 = arith.xori %iota3A, %xor3A_897 : vector<16xi32>
      %reshape3A_899 = vector.shape_cast %xor3A_898 : vector<16xi32> to vector<16x1xi32>
      %gather3A_900 = vector.shape_cast %reshape3A_899 : vector<16x1xi32> to vector<16xi32>
      %gather3A_901 = tpu.dynamic_gather %get3A_895[%gather3A_900] in [0] : vector<16xf32>, vector<16xi32> -> vector<16xf32>
      %max3A_902 = arith.maximumf %get3A_895, %gather3A_901 : vector<16xf32>
      %xor3A_903 = arith.constant 2 : i32
      %xor3A_904 = vector.broadcast %xor3A_903 : i32 to vector<16xi32>
      %xor3A_905 = arith.xori %iota3A, %xor3A_904 : vector<16xi32>
      %reshape3A_906 = vector.shape_cast %xor3A_905 : vector<16xi32> to vector<16x1xi32>
      %gather3A_907 = vector.shape_cast %reshape3A_906 : vector<16x1xi32> to vector<16xi32>
      %gather3A_908 = tpu.dynamic_gather %max3A_902[%gather3A_907] in [0] : vector<16xf32>, vector<16xi32> -> vector<16xf32>
      %max3A_909 = arith.maximumf %max3A_902, %gather3A_908 : vector<16xf32>
      %xor3A_910 = arith.constant 4 : i32
      %xor3A_911 = vector.broadcast %xor3A_910 : i32 to vector<16xi32>
      %xor3A_912 = arith.xori %iota3A, %xor3A_911 : vector<16xi32>
      %reshape3A_913 = vector.shape_cast %xor3A_912 : vector<16xi32> to vector<16x1xi32>
      %gather3A_914 = vector.shape_cast %reshape3A_913 : vector<16x1xi32> to vector<16xi32>
      %gather3A_915 = tpu.dynamic_gather %max3A_909[%gather3A_914] in [0] : vector<16xf32>, vector<16xi32> -> vector<16xf32>
      %max3A_916 = arith.maximumf %max3A_909, %gather3A_915 : vector<16xf32>
      %xor3A_917 = arith.constant 8 : i32
      %xor3A_918 = vector.broadcast %xor3A_917 : i32 to vector<16xi32>
      %xor3A_919 = arith.xori %iota3A, %xor3A_918 : vector<16xi32>
      %reshape3A_920 = vector.shape_cast %xor3A_919 : vector<16xi32> to vector<16x1xi32>
      %gather3A_921 = vector.shape_cast %reshape3A_920 : vector<16x1xi32> to vector<16xi32>
      %gather3A_922 = tpu.dynamic_gather %max3A_916[%gather3A_921] in [0] : vector<16xf32>, vector<16xi32> -> vector<16xf32>
      %max3A_923 = arith.maximumf %max3A_916, %gather3A_922 : vector<16xf32>
      %eq3A_924 = arith.cmpf oeq, %get3A_895, %max3A_923 : vector<16xf32>
      %select_n3A_925 = arith.select %eq3A_924, %iota3A, %broadcast_in_dim3A_3 : vector<16xi1>, vector<16xi32>
      %xor3A_926 = arith.constant 1 : i32
      %xor3A_927 = vector.broadcast %xor3A_926 : i32 to vector<16xi32>
      %xor3A_928 = arith.xori %iota3A, %xor3A_927 : vector<16xi32>
      %reshape3A_929 = vector.shape_cast %xor3A_928 : vector<16xi32> to vector<16x1xi32>
      %gather3A_930 = vector.shape_cast %reshape3A_929 : vector<16x1xi32> to vector<16xi32>
      %gather3A_931 = tpu.dynamic_gather %select_n3A_925[%gather3A_930] in [0] : vector<16xi32>, vector<16xi32> -> vector<16xi32>
      %min3A_932 = arith.minsi %select_n3A_925, %gather3A_931 : vector<16xi32>
      %xor3A_933 = arith.constant 2 : i32
      %xor3A_934 = vector.broadcast %xor3A_933 : i32 to vector<16xi32>
      %xor3A_935 = arith.xori %iota3A, %xor3A_934 : vector<16xi32>
      %reshape3A_936 = vector.shape_cast %xor3A_935 : vector<16xi32> to vector<16x1xi32>
      %gather3A_937 = vector.shape_cast %reshape3A_936 : vector<16x1xi32> to vector<16xi32>
      %gather3A_938 = tpu.dynamic_gather %min3A_932[%gather3A_937] in [0] : vector<16xi32>, vector<16xi32> -> vector<16xi32>
      %min3A_939 = arith.minsi %min3A_932, %gather3A_938 : vector<16xi32>
      %xor3A_940 = arith.constant 4 : i32
      %xor3A_941 = vector.broadcast %xor3A_940 : i32 to vector<16xi32>
      %xor3A_942 = arith.xori %iota3A, %xor3A_941 : vector<16xi32>
      %reshape3A_943 = vector.shape_cast %xor3A_942 : vector<16xi32> to vector<16x1xi32>
      %gather3A_944 = vector.shape_cast %reshape3A_943 : vector<16x1xi32> to vector<16xi32>
      %gather3A_945 = tpu.dynamic_gather %min3A_939[%gather3A_944] in [0] : vector<16xi32>, vector<16xi32> -> vector<16xi32>
      %min3A_946 = arith.minsi %min3A_939, %gather3A_945 : vector<16xi32>
      %xor3A_947 = arith.constant 8 : i32
      %xor3A_948 = vector.broadcast %xor3A_947 : i32 to vector<16xi32>
      %xor3A_949 = arith.xori %iota3A, %xor3A_948 : vector<16xi32>
      %reshape3A_950 = vector.shape_cast %xor3A_949 : vector<16xi32> to vector<16x1xi32>
      %gather3A_951 = vector.shape_cast %reshape3A_950 : vector<16x1xi32> to vector<16xi32>
      %gather3A_952 = tpu.dynamic_gather %min3A_946[%gather3A_951] in [0] : vector<16xi32>, vector<16xi32> -> vector<16xi32>
      %min3A_953 = arith.minsi %min3A_946, %gather3A_952 : vector<16xi32>
      %reshape3A_954 = vector.shape_cast %select_n3A_886 : vector<16xi32> to vector<16x1xi32>
      %gather3A_955 = vector.shape_cast %reshape3A_954 : vector<16x1xi32> to vector<16xi32>
      %gather3A_956 = tpu.dynamic_gather %get3A_895[%gather3A_955] in [0] : vector<16xf32>, vector<16xi32> -> vector<16xf32>
      %sub3A_957 = arith.subf %max3A_923, %gather3A_956 : vector<16xf32>
      %gt3A_958 = arith.constant 0.699999988 : f32
      %gt3A_959 = vector.broadcast %gt3A_958 : f32 to vector<16xf32>
      %gt3A_960 = arith.cmpf ogt, %sub3A_957, %gt3A_959 : vector<16xf32>
      %select_n3A_961 = arith.select %gt3A_960, %min3A_953, %select_n3A_886 : vector<16xi1>, vector<16xi32>
      %eq3A_962 = arith.constant 12 : i32
      %eq3A_963 = vector.broadcast %eq3A_962 : i32 to vector<16xi32>
      %eq3A_964 = arith.cmpi eq, %iota3A, %eq3A_963 : vector<16xi32>
      %select_n3A_965 = arith.select %eq3A_964, %select_n3A_961, %select_n3A_890 : vector<16xi1>, vector<16xi32>
      %get3A_966 = arith.constant 13 : i32
      %get3A_967 = arith.index_cast %get3A_966 : i32 to index
      %get3A_968 = arith.constant 0 : index
      %get3A_969 = tpu.vector_load %arg4[%get3A_967, %get3A_968] {strides = array<i32>} : memref<32x16xf32, #tpu.memory_space<vmem>>, vector<1x16xf32>,
      %get3A_970 = vector.shape_cast %get3A_969 : vector<1x16xf32> to vector<16xf32>
      %xor3A_971 = arith.constant 1 : i32
      %xor3A_972 = vector.broadcast %xor3A_971 : i32 to vector<16xi32>
      %xor3A_973 = arith.xori %iota3A, %xor3A_972 : vector<16xi32>
      %reshape3A_974 = vector.shape_cast %xor3A_973 : vector<16xi32> to vector<16x1xi32>
      %gather3A_975 = vector.shape_cast %reshape3A_974 : vector<16x1xi32> to vector<16xi32>
      %gather3A_976 = tpu.dynamic_gather %get3A_970[%gather3A_975] in [0] : vector<16xf32>, vector<16xi32> -> vector<16xf32>
      %max3A_977 = arith.maximumf %get3A_970, %gather3A_976 : vector<16xf32>
      %xor3A_978 = arith.constant 2 : i32
      %xor3A_979 = vector.broadcast %xor3A_978 : i32 to vector<16xi32>
      %xor3A_980 = arith.xori %iota3A, %xor3A_979 : vector<16xi32>
      %reshape3A_981 = vector.shape_cast %xor3A_980 : vector<16xi32> to vector<16x1xi32>
      %gather3A_982 = vector.shape_cast %reshape3A_981 : vector<16x1xi32> to vector<16xi32>
      %gather3A_983 = tpu.dynamic_gather %max3A_977[%gather3A_982] in [0] : vector<16xf32>, vector<16xi32> -> vector<16xf32>
      %max3A_984 = arith.maximumf %max3A_977, %gather3A_983 : vector<16xf32>
      %xor3A_985 = arith.constant 4 : i32
      %xor3A_986 = vector.broadcast %xor3A_985 : i32 to vector<16xi32>
      %xor3A_987 = arith.xori %iota3A, %xor3A_986 : vector<16xi32>
      %reshape3A_988 = vector.shape_cast %xor3A_987 : vector<16xi32> to vector<16x1xi32>
      %gather3A_989 = vector.shape_cast %reshape3A_988 : vector<16x1xi32> to vector<16xi32>
      %gather3A_990 = tpu.dynamic_gather %max3A_984[%gather3A_989] in [0] : vector<16xf32>, vector<16xi32> -> vector<16xf32>
      %max3A_991 = arith.maximumf %max3A_984, %gather3A_990 : vector<16xf32>
      %xor3A_992 = arith.constant 8 : i32
      %xor3A_993 = vector.broadcast %xor3A_992 : i32 to vector<16xi32>
      %xor3A_994 = arith.xori %iota3A, %xor3A_993 : vector<16xi32>
      %reshape3A_995 = vector.shape_cast %xor3A_994 : vector<16xi32> to vector<16x1xi32>
      %gather3A_996 = vector.shape_cast %reshape3A_995 : vector<16x1xi32> to vector<16xi32>
      %gather3A_997 = tpu.dynamic_gather %max3A_991[%gather3A_996] in [0] : vector<16xf32>, vector<16xi32> -> vector<16xf32>
      %max3A_998 = arith.maximumf %max3A_991, %gather3A_997 : vector<16xf32>
      %eq3A_999 = arith.cmpf oeq, %get3A_970, %max3A_998 : vector<16xf32>
      %select_n3A_1000 = arith.select %eq3A_999, %iota3A, %broadcast_in_dim3A_3 : vector<16xi1>, vector<16xi32>
      %xor3A_1001 = arith.constant 1 : i32
      %xor3A_1002 = vector.broadcast %xor3A_1001 : i32 to vector<16xi32>
      %xor3A_1003 = arith.xori %iota3A, %xor3A_1002 : vector<16xi32>
      %reshape3A_1004 = vector.shape_cast %xor3A_1003 : vector<16xi32> to vector<16x1xi32>
      %gather3A_1005 = vector.shape_cast %reshape3A_1004 : vector<16x1xi32> to vector<16xi32>
      %gather3A_1006 = tpu.dynamic_gather %select_n3A_1000[%gather3A_1005] in [0] : vector<16xi32>, vector<16xi32> -> vector<16xi32>
      %min3A_1007 = arith.minsi %select_n3A_1000, %gather3A_1006 : vector<16xi32>
      %xor3A_1008 = arith.constant 2 : i32
      %xor3A_1009 = vector.broadcast %xor3A_1008 : i32 to vector<16xi32>
      %xor3A_1010 = arith.xori %iota3A, %xor3A_1009 : vector<16xi32>
      %reshape3A_1011 = vector.shape_cast %xor3A_1010 : vector<16xi32> to vector<16x1xi32>
      %gather3A_1012 = vector.shape_cast %reshape3A_1011 : vector<16x1xi32> to vector<16xi32>
      %gather3A_1013 = tpu.dynamic_gather %min3A_1007[%gather3A_1012] in [0] : vector<16xi32>, vector<16xi32> -> vector<16xi32>
      %min3A_1014 = arith.minsi %min3A_1007, %gather3A_1013 : vector<16xi32>
      %xor3A_1015 = arith.constant 4 : i32
      %xor3A_1016 = vector.broadcast %xor3A_1015 : i32 to vector<16xi32>
      %xor3A_1017 = arith.xori %iota3A, %xor3A_1016 : vector<16xi32>
      %reshape3A_1018 = vector.shape_cast %xor3A_1017 : vector<16xi32> to vector<16x1xi32>
      %gather3A_1019 = vector.shape_cast %reshape3A_1018 : vector<16x1xi32> to vector<16xi32>
      %gather3A_1020 = tpu.dynamic_gather %min3A_1014[%gather3A_1019] in [0] : vector<16xi32>, vector<16xi32> -> vector<16xi32>
      %min3A_1021 = arith.minsi %min3A_1014, %gather3A_1020 : vector<16xi32>
      %xor3A_1022 = arith.constant 8 : i32
      %xor3A_1023 = vector.broadcast %xor3A_1022 : i32 to vector<16xi32>
      %xor3A_1024 = arith.xori %iota3A, %xor3A_1023 : vector<16xi32>
      %reshape3A_1025 = vector.shape_cast %xor3A_1024 : vector<16xi32> to vector<16x1xi32>
      %gather3A_1026 = vector.shape_cast %reshape3A_1025 : vector<16x1xi32> to vector<16xi32>
      %gather3A_1027 = tpu.dynamic_gather %min3A_1021[%gather3A_1026] in [0] : vector<16xi32>, vector<16xi32> -> vector<16xi32>
      %min3A_1028 = arith.minsi %min3A_1021, %gather3A_1027 : vector<16xi32>
      %reshape3A_1029 = vector.shape_cast %select_n3A_961 : vector<16xi32> to vector<16x1xi32>
      %gather3A_1030 = vector.shape_cast %reshape3A_1029 : vector<16x1xi32> to vector<16xi32>
      %gather3A_1031 = tpu.dynamic_gather %get3A_970[%gather3A_1030] in [0] : vector<16xf32>, vector<16xi32> -> vector<16xf32>
      %sub3A_1032 = arith.subf %max3A_998, %gather3A_1031 : vector<16xf32>
      %gt3A_1033 = arith.constant 0.699999988 : f32
      %gt3A_1034 = vector.broadcast %gt3A_1033 : f32 to vector<16xf32>
      %gt3A_1035 = arith.cmpf ogt, %sub3A_1032, %gt3A_1034 : vector<16xf32>
      %select_n3A_1036 = arith.select %gt3A_1035, %min3A_1028, %select_n3A_961 : vector<16xi1>, vector<16xi32>
      %eq3A_1037 = arith.constant 13 : i32
      %eq3A_1038 = vector.broadcast %eq3A_1037 : i32 to vector<16xi32>
      %eq3A_1039 = arith.cmpi eq, %iota3A, %eq3A_1038 : vector<16xi32>
      %select_n3A_1040 = arith.select %eq3A_1039, %select_n3A_1036, %select_n3A_965 : vector<16xi1>, vector<16xi32>
      %get3A_1041 = arith.constant 14 : i32
      %get3A_1042 = arith.index_cast %get3A_1041 : i32 to index
      %get3A_1043 = arith.constant 0 : index
      %get3A_1044 = tpu.vector_load %arg4[%get3A_1042, %get3A_1043] {strides = array<i32>} : memref<32x16xf32, #tpu.memory_space<vmem>>, vector<1x16xf32>,
      %get3A_1045 = vector.shape_cast %get3A_1044 : vector<1x16xf32> to vector<16xf32>
      %xor3A_1046 = arith.constant 1 : i32
      %xor3A_1047 = vector.broadcast %xor3A_1046 : i32 to vector<16xi32>
      %xor3A_1048 = arith.xori %iota3A, %xor3A_1047 : vector<16xi32>
      %reshape3A_1049 = vector.shape_cast %xor3A_1048 : vector<16xi32> to vector<16x1xi32>
      %gather3A_1050 = vector.shape_cast %reshape3A_1049 : vector<16x1xi32> to vector<16xi32>
      %gather3A_1051 = tpu.dynamic_gather %get3A_1045[%gather3A_1050] in [0] : vector<16xf32>, vector<16xi32> -> vector<16xf32>
      %max3A_1052 = arith.maximumf %get3A_1045, %gather3A_1051 : vector<16xf32>
      %xor3A_1053 = arith.constant 2 : i32
      %xor3A_1054 = vector.broadcast %xor3A_1053 : i32 to vector<16xi32>
      %xor3A_1055 = arith.xori %iota3A, %xor3A_1054 : vector<16xi32>
      %reshape3A_1056 = vector.shape_cast %xor3A_1055 : vector<16xi32> to vector<16x1xi32>
      %gather3A_1057 = vector.shape_cast %reshape3A_1056 : vector<16x1xi32> to vector<16xi32>
      %gather3A_1058 = tpu.dynamic_gather %max3A_1052[%gather3A_1057] in [0] : vector<16xf32>, vector<16xi32> -> vector<16xf32>
      %max3A_1059 = arith.maximumf %max3A_1052, %gather3A_1058 : vector<16xf32>
      %xor3A_1060 = arith.constant 4 : i32
      %xor3A_1061 = vector.broadcast %xor3A_1060 : i32 to vector<16xi32>
      %xor3A_1062 = arith.xori %iota3A, %xor3A_1061 : vector<16xi32>
      %reshape3A_1063 = vector.shape_cast %xor3A_1062 : vector<16xi32> to vector<16x1xi32>
      %gather3A_1064 = vector.shape_cast %reshape3A_1063 : vector<16x1xi32> to vector<16xi32>
      %gather3A_1065 = tpu.dynamic_gather %max3A_1059[%gather3A_1064] in [0] : vector<16xf32>, vector<16xi32> -> vector<16xf32>
      %max3A_1066 = arith.maximumf %max3A_1059, %gather3A_1065 : vector<16xf32>
      %xor3A_1067 = arith.constant 8 : i32
      %xor3A_1068 = vector.broadcast %xor3A_1067 : i32 to vector<16xi32>
      %xor3A_1069 = arith.xori %iota3A, %xor3A_1068 : vector<16xi32>
      %reshape3A_1070 = vector.shape_cast %xor3A_1069 : vector<16xi32> to vector<16x1xi32>
      %gather3A_1071 = vector.shape_cast %reshape3A_1070 : vector<16x1xi32> to vector<16xi32>
      %gather3A_1072 = tpu.dynamic_gather %max3A_1066[%gather3A_1071] in [0] : vector<16xf32>, vector<16xi32> -> vector<16xf32>
      %max3A_1073 = arith.maximumf %max3A_1066, %gather3A_1072 : vector<16xf32>
      %eq3A_1074 = arith.cmpf oeq, %get3A_1045, %max3A_1073 : vector<16xf32>
      %select_n3A_1075 = arith.select %eq3A_1074, %iota3A, %broadcast_in_dim3A_3 : vector<16xi1>, vector<16xi32>
      %xor3A_1076 = arith.constant 1 : i32
      %xor3A_1077 = vector.broadcast %xor3A_1076 : i32 to vector<16xi32>
      %xor3A_1078 = arith.xori %iota3A, %xor3A_1077 : vector<16xi32>
      %reshape3A_1079 = vector.shape_cast %xor3A_1078 : vector<16xi32> to vector<16x1xi32>
      %gather3A_1080 = vector.shape_cast %reshape3A_1079 : vector<16x1xi32> to vector<16xi32>
      %gather3A_1081 = tpu.dynamic_gather %select_n3A_1075[%gather3A_1080] in [0] : vector<16xi32>, vector<16xi32> -> vector<16xi32>
      %min3A_1082 = arith.minsi %select_n3A_1075, %gather3A_1081 : vector<16xi32>
      %xor3A_1083 = arith.constant 2 : i32
      %xor3A_1084 = vector.broadcast %xor3A_1083 : i32 to vector<16xi32>
      %xor3A_1085 = arith.xori %iota3A, %xor3A_1084 : vector<16xi32>
      %reshape3A_1086 = vector.shape_cast %xor3A_1085 : vector<16xi32> to vector<16x1xi32>
      %gather3A_1087 = vector.shape_cast %reshape3A_1086 : vector<16x1xi32> to vector<16xi32>
      %gather3A_1088 = tpu.dynamic_gather %min3A_1082[%gather3A_1087] in [0] : vector<16xi32>, vector<16xi32> -> vector<16xi32>
      %min3A_1089 = arith.minsi %min3A_1082, %gather3A_1088 : vector<16xi32>
      %xor3A_1090 = arith.constant 4 : i32
      %xor3A_1091 = vector.broadcast %xor3A_1090 : i32 to vector<16xi32>
      %xor3A_1092 = arith.xori %iota3A, %xor3A_1091 : vector<16xi32>
      %reshape3A_1093 = vector.shape_cast %xor3A_1092 : vector<16xi32> to vector<16x1xi32>
      %gather3A_1094 = vector.shape_cast %reshape3A_1093 : vector<16x1xi32> to vector<16xi32>
      %gather3A_1095 = tpu.dynamic_gather %min3A_1089[%gather3A_1094] in [0] : vector<16xi32>, vector<16xi32> -> vector<16xi32>
      %min3A_1096 = arith.minsi %min3A_1089, %gather3A_1095 : vector<16xi32>
      %xor3A_1097 = arith.constant 8 : i32
      %xor3A_1098 = vector.broadcast %xor3A_1097 : i32 to vector<16xi32>
      %xor3A_1099 = arith.xori %iota3A, %xor3A_1098 : vector<16xi32>
      %reshape3A_1100 = vector.shape_cast %xor3A_1099 : vector<16xi32> to vector<16x1xi32>
      %gather3A_1101 = vector.shape_cast %reshape3A_1100 : vector<16x1xi32> to vector<16xi32>
      %gather3A_1102 = tpu.dynamic_gather %min3A_1096[%gather3A_1101] in [0] : vector<16xi32>, vector<16xi32> -> vector<16xi32>
      %min3A_1103 = arith.minsi %min3A_1096, %gather3A_1102 : vector<16xi32>
      %reshape3A_1104 = vector.shape_cast %select_n3A_1036 : vector<16xi32> to vector<16x1xi32>
      %gather3A_1105 = vector.shape_cast %reshape3A_1104 : vector<16x1xi32> to vector<16xi32>
      %gather3A_1106 = tpu.dynamic_gather %get3A_1045[%gather3A_1105] in [0] : vector<16xf32>, vector<16xi32> -> vector<16xf32>
      %sub3A_1107 = arith.subf %max3A_1073, %gather3A_1106 : vector<16xf32>
      %gt3A_1108 = arith.constant 0.699999988 : f32
      %gt3A_1109 = vector.broadcast %gt3A_1108 : f32 to vector<16xf32>
      %gt3A_1110 = arith.cmpf ogt, %sub3A_1107, %gt3A_1109 : vector<16xf32>
      %select_n3A_1111 = arith.select %gt3A_1110, %min3A_1103, %select_n3A_1036 : vector<16xi1>, vector<16xi32>
      %eq3A_1112 = arith.constant 14 : i32
      %eq3A_1113 = vector.broadcast %eq3A_1112 : i32 to vector<16xi32>
      %eq3A_1114 = arith.cmpi eq, %iota3A, %eq3A_1113 : vector<16xi32>
      %select_n3A_1115 = arith.select %eq3A_1114, %select_n3A_1111, %select_n3A_1040 : vector<16xi1>, vector<16xi32>
      %get3A_1116 = arith.constant 15 : i32
      %get3A_1117 = arith.index_cast %get3A_1116 : i32 to index
      %get3A_1118 = arith.constant 0 : index
      %get3A_1119 = tpu.vector_load %arg4[%get3A_1117, %get3A_1118] {strides = array<i32>} : memref<32x16xf32, #tpu.memory_space<vmem>>, vector<1x16xf32>,
      %get3A_1120 = vector.shape_cast %get3A_1119 : vector<1x16xf32> to vector<16xf32>
      %xor3A_1121 = arith.constant 1 : i32
      %xor3A_1122 = vector.broadcast %xor3A_1121 : i32 to vector<16xi32>
      %xor3A_1123 = arith.xori %iota3A, %xor3A_1122 : vector<16xi32>
      %reshape3A_1124 = vector.shape_cast %xor3A_1123 : vector<16xi32> to vector<16x1xi32>
      %gather3A_1125 = vector.shape_cast %reshape3A_1124 : vector<16x1xi32> to vector<16xi32>
      %gather3A_1126 = tpu.dynamic_gather %get3A_1120[%gather3A_1125] in [0] : vector<16xf32>, vector<16xi32> -> vector<16xf32>
      %max3A_1127 = arith.maximumf %get3A_1120, %gather3A_1126 : vector<16xf32>
      %xor3A_1128 = arith.constant 2 : i32
      %xor3A_1129 = vector.broadcast %xor3A_1128 : i32 to vector<16xi32>
      %xor3A_1130 = arith.xori %iota3A, %xor3A_1129 : vector<16xi32>
      %reshape3A_1131 = vector.shape_cast %xor3A_1130 : vector<16xi32> to vector<16x1xi32>
      %gather3A_1132 = vector.shape_cast %reshape3A_1131 : vector<16x1xi32> to vector<16xi32>
      %gather3A_1133 = tpu.dynamic_gather %max3A_1127[%gather3A_1132] in [0] : vector<16xf32>, vector<16xi32> -> vector<16xf32>
      %max3A_1134 = arith.maximumf %max3A_1127, %gather3A_1133 : vector<16xf32>
      %xor3A_1135 = arith.constant 4 : i32
      %xor3A_1136 = vector.broadcast %xor3A_1135 : i32 to vector<16xi32>
      %xor3A_1137 = arith.xori %iota3A, %xor3A_1136 : vector<16xi32>
      %reshape3A_1138 = vector.shape_cast %xor3A_1137 : vector<16xi32> to vector<16x1xi32>
      %gather3A_1139 = vector.shape_cast %reshape3A_1138 : vector<16x1xi32> to vector<16xi32>
      %gather3A_1140 = tpu.dynamic_gather %max3A_1134[%gather3A_1139] in [0] : vector<16xf32>, vector<16xi32> -> vector<16xf32>
      %max3A_1141 = arith.maximumf %max3A_1134, %gather3A_1140 : vector<16xf32>
      %xor3A_1142 = arith.constant 8 : i32
      %xor3A_1143 = vector.broadcast %xor3A_1142 : i32 to vector<16xi32>
      %xor3A_1144 = arith.xori %iota3A, %xor3A_1143 : vector<16xi32>
      %reshape3A_1145 = vector.shape_cast %xor3A_1144 : vector<16xi32> to vector<16x1xi32>
      %gather3A_1146 = vector.shape_cast %reshape3A_1145 : vector<16x1xi32> to vector<16xi32>
      %gather3A_1147 = tpu.dynamic_gather %max3A_1141[%gather3A_1146] in [0] : vector<16xf32>, vector<16xi32> -> vector<16xf32>
      %max3A_1148 = arith.maximumf %max3A_1141, %gather3A_1147 : vector<16xf32>
      %eq3A_1149 = arith.cmpf oeq, %get3A_1120, %max3A_1148 : vector<16xf32>
      %select_n3A_1150 = arith.select %eq3A_1149, %iota3A, %broadcast_in_dim3A_3 : vector<16xi1>, vector<16xi32>
      %xor3A_1151 = arith.constant 1 : i32
      %xor3A_1152 = vector.broadcast %xor3A_1151 : i32 to vector<16xi32>
      %xor3A_1153 = arith.xori %iota3A, %xor3A_1152 : vector<16xi32>
      %reshape3A_1154 = vector.shape_cast %xor3A_1153 : vector<16xi32> to vector<16x1xi32>
      %gather3A_1155 = vector.shape_cast %reshape3A_1154 : vector<16x1xi32> to vector<16xi32>
      %gather3A_1156 = tpu.dynamic_gather %select_n3A_1150[%gather3A_1155] in [0] : vector<16xi32>, vector<16xi32> -> vector<16xi32>
      %min3A_1157 = arith.minsi %select_n3A_1150, %gather3A_1156 : vector<16xi32>
      %xor3A_1158 = arith.constant 2 : i32
      %xor3A_1159 = vector.broadcast %xor3A_1158 : i32 to vector<16xi32>
      %xor3A_1160 = arith.xori %iota3A, %xor3A_1159 : vector<16xi32>
      %reshape3A_1161 = vector.shape_cast %xor3A_1160 : vector<16xi32> to vector<16x1xi32>
      %gather3A_1162 = vector.shape_cast %reshape3A_1161 : vector<16x1xi32> to vector<16xi32>
      %gather3A_1163 = tpu.dynamic_gather %min3A_1157[%gather3A_1162] in [0] : vector<16xi32>, vector<16xi32> -> vector<16xi32>
      %min3A_1164 = arith.minsi %min3A_1157, %gather3A_1163 : vector<16xi32>
      %xor3A_1165 = arith.constant 4 : i32
      %xor3A_1166 = vector.broadcast %xor3A_1165 : i32 to vector<16xi32>
      %xor3A_1167 = arith.xori %iota3A, %xor3A_1166 : vector<16xi32>
      %reshape3A_1168 = vector.shape_cast %xor3A_1167 : vector<16xi32> to vector<16x1xi32>
      %gather3A_1169 = vector.shape_cast %reshape3A_1168 : vector<16x1xi32> to vector<16xi32>
      %gather3A_1170 = tpu.dynamic_gather %min3A_1164[%gather3A_1169] in [0] : vector<16xi32>, vector<16xi32> -> vector<16xi32>
      %min3A_1171 = arith.minsi %min3A_1164, %gather3A_1170 : vector<16xi32>
      %xor3A_1172 = arith.constant 8 : i32
      %xor3A_1173 = vector.broadcast %xor3A_1172 : i32 to vector<16xi32>
      %xor3A_1174 = arith.xori %iota3A, %xor3A_1173 : vector<16xi32>
      %reshape3A_1175 = vector.shape_cast %xor3A_1174 : vector<16xi32> to vector<16x1xi32>
      %gather3A_1176 = vector.shape_cast %reshape3A_1175 : vector<16x1xi32> to vector<16xi32>
      %gather3A_1177 = tpu.dynamic_gather %min3A_1171[%gather3A_1176] in [0] : vector<16xi32>, vector<16xi32> -> vector<16xi32>
      %min3A_1178 = arith.minsi %min3A_1171, %gather3A_1177 : vector<16xi32>
      %reshape3A_1179 = vector.shape_cast %select_n3A_1111 : vector<16xi32> to vector<16x1xi32>
      %gather3A_1180 = vector.shape_cast %reshape3A_1179 : vector<16x1xi32> to vector<16xi32>
      %gather3A_1181 = tpu.dynamic_gather %get3A_1120[%gather3A_1180] in [0] : vector<16xf32>, vector<16xi32> -> vector<16xf32>
      %sub3A_1182 = arith.subf %max3A_1148, %gather3A_1181 : vector<16xf32>
      %gt3A_1183 = arith.constant 0.699999988 : f32
      %gt3A_1184 = vector.broadcast %gt3A_1183 : f32 to vector<16xf32>
      %gt3A_1185 = arith.cmpf ogt, %sub3A_1182, %gt3A_1184 : vector<16xf32>
      %select_n3A_1186 = arith.select %gt3A_1185, %min3A_1178, %select_n3A_1111 : vector<16xi1>, vector<16xi32>
      %eq3A_1187 = arith.constant 15 : i32
      %eq3A_1188 = vector.broadcast %eq3A_1187 : i32 to vector<16xi32>
      %eq3A_1189 = arith.cmpi eq, %iota3A, %eq3A_1188 : vector<16xi32>
      %select_n3A_1190 = arith.select %eq3A_1189, %select_n3A_1186, %select_n3A_1115 : vector<16xi1>, vector<16xi32>
      %swap3A = arith.constant 0 : i32
      %swap3A_1191 = arith.index_cast %swap3A : i32 to index
      %swap3A_1192 = arith.constant 0 : index
      %swap3A_1193 = tpu.vector_load %arg5[%swap3A_1191, %swap3A_1192] {strides = array<i32>} : memref<2x16xi32, #tpu.memory_space<vmem>>, vector<1x16xi32>,
      %swap3A_1194 = vector.shape_cast %swap3A_1193 : vector<1x16xi32> to vector<16xi32>
      %swap3A_1195 = vector.shape_cast %select_n3A_1190 : vector<16xi32> to vector<1x16xi32>
      tpu.vector_store %arg5[%swap3A_1191, %swap3A_1192], %swap3A_1195 {strides = array<i32>} : memref<2x16xi32, #tpu.memory_space<vmem>>, vector<1x16xi32>,
      %broadcast_in_dim3A_1196 = arith.constant 0 : i32
      %broadcast_in_dim3A_1197 = vector.broadcast %broadcast_in_dim3A_1196 : i32 to vector<16xi32>
      %broadcast_in_dim3A_1198 = arith.constant 0 : i32
      %broadcast_in_dim3A_1199 = vector.broadcast %broadcast_in_dim3A_1198 : i32 to vector<16xi32>
      %get3A_1200 = arith.constant 16 : i32
      %get3A_1201 = arith.index_cast %get3A_1200 : i32 to index
      %get3A_1202 = arith.constant 0 : index
      %get3A_1203 = tpu.vector_load %arg4[%get3A_1201, %get3A_1202] {strides = array<i32>} : memref<32x16xf32, #tpu.memory_space<vmem>>, vector<1x16xf32>,
      %get3A_1204 = vector.shape_cast %get3A_1203 : vector<1x16xf32> to vector<16xf32>
      %xor3A_1205 = arith.constant 1 : i32
      %xor3A_1206 = vector.broadcast %xor3A_1205 : i32 to vector<16xi32>
      %xor3A_1207 = arith.xori %iota3A, %xor3A_1206 : vector<16xi32>
      %reshape3A_1208 = vector.shape_cast %xor3A_1207 : vector<16xi32> to vector<16x1xi32>
      %gather3A_1209 = vector.shape_cast %reshape3A_1208 : vector<16x1xi32> to vector<16xi32>
      %gather3A_1210 = tpu.dynamic_gather %get3A_1204[%gather3A_1209] in [0] : vector<16xf32>, vector<16xi32> -> vector<16xf32>
      %max3A_1211 = arith.maximumf %get3A_1204, %gather3A_1210 : vector<16xf32>
      %xor3A_1212 = arith.constant 2 : i32
      %xor3A_1213 = vector.broadcast %xor3A_1212 : i32 to vector<16xi32>
      %xor3A_1214 = arith.xori %iota3A, %xor3A_1213 : vector<16xi32>
      %reshape3A_1215 = vector.shape_cast %xor3A_1214 : vector<16xi32> to vector<16x1xi32>
      %gather3A_1216 = vector.shape_cast %reshape3A_1215 : vector<16x1xi32> to vector<16xi32>
      %gather3A_1217 = tpu.dynamic_gather %max3A_1211[%gather3A_1216] in [0] : vector<16xf32>, vector<16xi32> -> vector<16xf32>
      %max3A_1218 = arith.maximumf %max3A_1211, %gather3A_1217 : vector<16xf32>
      %xor3A_1219 = arith.constant 4 : i32
      %xor3A_1220 = vector.broadcast %xor3A_1219 : i32 to vector<16xi32>
      %xor3A_1221 = arith.xori %iota3A, %xor3A_1220 : vector<16xi32>
      %reshape3A_1222 = vector.shape_cast %xor3A_1221 : vector<16xi32> to vector<16x1xi32>
      %gather3A_1223 = vector.shape_cast %reshape3A_1222 : vector<16x1xi32> to vector<16xi32>
      %gather3A_1224 = tpu.dynamic_gather %max3A_1218[%gather3A_1223] in [0] : vector<16xf32>, vector<16xi32> -> vector<16xf32>
      %max3A_1225 = arith.maximumf %max3A_1218, %gather3A_1224 : vector<16xf32>
      %xor3A_1226 = arith.constant 8 : i32
      %xor3A_1227 = vector.broadcast %xor3A_1226 : i32 to vector<16xi32>
      %xor3A_1228 = arith.xori %iota3A, %xor3A_1227 : vector<16xi32>
      %reshape3A_1229 = vector.shape_cast %xor3A_1228 : vector<16xi32> to vector<16x1xi32>
      %gather3A_1230 = vector.shape_cast %reshape3A_1229 : vector<16x1xi32> to vector<16xi32>
      %gather3A_1231 = tpu.dynamic_gather %max3A_1225[%gather3A_1230] in [0] : vector<16xf32>, vector<16xi32> -> vector<16xf32>
      %max3A_1232 = arith.maximumf %max3A_1225, %gather3A_1231 : vector<16xf32>
      %eq3A_1233 = arith.cmpf oeq, %get3A_1204, %max3A_1232 : vector<16xf32>
      %select_n3A_1234 = arith.select %eq3A_1233, %iota3A, %broadcast_in_dim3A_3 : vector<16xi1>, vector<16xi32>
      %xor3A_1235 = arith.constant 1 : i32
      %xor3A_1236 = vector.broadcast %xor3A_1235 : i32 to vector<16xi32>
      %xor3A_1237 = arith.xori %iota3A, %xor3A_1236 : vector<16xi32>
      %reshape3A_1238 = vector.shape_cast %xor3A_1237 : vector<16xi32> to vector<16x1xi32>
      %gather3A_1239 = vector.shape_cast %reshape3A_1238 : vector<16x1xi32> to vector<16xi32>
      %gather3A_1240 = tpu.dynamic_gather %select_n3A_1234[%gather3A_1239] in [0] : vector<16xi32>, vector<16xi32> -> vector<16xi32>
      %min3A_1241 = arith.minsi %select_n3A_1234, %gather3A_1240 : vector<16xi32>
      %xor3A_1242 = arith.constant 2 : i32
      %xor3A_1243 = vector.broadcast %xor3A_1242 : i32 to vector<16xi32>
      %xor3A_1244 = arith.xori %iota3A, %xor3A_1243 : vector<16xi32>
      %reshape3A_1245 = vector.shape_cast %xor3A_1244 : vector<16xi32> to vector<16x1xi32>
      %gather3A_1246 = vector.shape_cast %reshape3A_1245 : vector<16x1xi32> to vector<16xi32>
      %gather3A_1247 = tpu.dynamic_gather %min3A_1241[%gather3A_1246] in [0] : vector<16xi32>, vector<16xi32> -> vector<16xi32>
      %min3A_1248 = arith.minsi %min3A_1241, %gather3A_1247 : vector<16xi32>
      %xor3A_1249 = arith.constant 4 : i32
      %xor3A_1250 = vector.broadcast %xor3A_1249 : i32 to vector<16xi32>
      %xor3A_1251 = arith.xori %iota3A, %xor3A_1250 : vector<16xi32>
      %reshape3A_1252 = vector.shape_cast %xor3A_1251 : vector<16xi32> to vector<16x1xi32>
      %gather3A_1253 = vector.shape_cast %reshape3A_1252 : vector<16x1xi32> to vector<16xi32>
      %gather3A_1254 = tpu.dynamic_gather %min3A_1248[%gather3A_1253] in [0] : vector<16xi32>, vector<16xi32> -> vector<16xi32>
      %min3A_1255 = arith.minsi %min3A_1248, %gather3A_1254 : vector<16xi32>
      %xor3A_1256 = arith.constant 8 : i32
      %xor3A_1257 = vector.broadcast %xor3A_1256 : i32 to vector<16xi32>
      %xor3A_1258 = arith.xori %iota3A, %xor3A_1257 : vector<16xi32>
      %reshape3A_1259 = vector.shape_cast %xor3A_1258 : vector<16xi32> to vector<16x1xi32>
      %gather3A_1260 = vector.shape_cast %reshape3A_1259 : vector<16x1xi32> to vector<16xi32>
      %gather3A_1261 = tpu.dynamic_gather %min3A_1255[%gather3A_1260] in [0] : vector<16xi32>, vector<16xi32> -> vector<16xi32>
      %min3A_1262 = arith.minsi %min3A_1255, %gather3A_1261 : vector<16xi32>
      %eq3A_1263 = arith.constant 0 : i32
      %eq3A_1264 = vector.broadcast %eq3A_1263 : i32 to vector<16xi32>
      %eq3A_1265 = arith.cmpi eq, %iota3A, %eq3A_1264 : vector<16xi32>
      %select_n3A_1266 = arith.select %eq3A_1265, %min3A_1262, %broadcast_in_dim3A_1199 : vector<16xi1>, vector<16xi32>
      %get3A_1267 = arith.constant 17 : i32
      %get3A_1268 = arith.index_cast %get3A_1267 : i32 to index
      %get3A_1269 = arith.constant 0 : index
      %get3A_1270 = tpu.vector_load %arg4[%get3A_1268, %get3A_1269] {strides = array<i32>} : memref<32x16xf32, #tpu.memory_space<vmem>>, vector<1x16xf32>,
      %get3A_1271 = vector.shape_cast %get3A_1270 : vector<1x16xf32> to vector<16xf32>
      %xor3A_1272 = arith.constant 1 : i32
      %xor3A_1273 = vector.broadcast %xor3A_1272 : i32 to vector<16xi32>
      %xor3A_1274 = arith.xori %iota3A, %xor3A_1273 : vector<16xi32>
      %reshape3A_1275 = vector.shape_cast %xor3A_1274 : vector<16xi32> to vector<16x1xi32>
      %gather3A_1276 = vector.shape_cast %reshape3A_1275 : vector<16x1xi32> to vector<16xi32>
      %gather3A_1277 = tpu.dynamic_gather %get3A_1271[%gather3A_1276] in [0] : vector<16xf32>, vector<16xi32> -> vector<16xf32>
      %max3A_1278 = arith.maximumf %get3A_1271, %gather3A_1277 : vector<16xf32>
      %xor3A_1279 = arith.constant 2 : i32
      %xor3A_1280 = vector.broadcast %xor3A_1279 : i32 to vector<16xi32>
      %xor3A_1281 = arith.xori %iota3A, %xor3A_1280 : vector<16xi32>
      %reshape3A_1282 = vector.shape_cast %xor3A_1281 : vector<16xi32> to vector<16x1xi32>
      %gather3A_1283 = vector.shape_cast %reshape3A_1282 : vector<16x1xi32> to vector<16xi32>
      %gather3A_1284 = tpu.dynamic_gather %max3A_1278[%gather3A_1283] in [0] : vector<16xf32>, vector<16xi32> -> vector<16xf32>
      %max3A_1285 = arith.maximumf %max3A_1278, %gather3A_1284 : vector<16xf32>
      %xor3A_1286 = arith.constant 4 : i32
      %xor3A_1287 = vector.broadcast %xor3A_1286 : i32 to vector<16xi32>
      %xor3A_1288 = arith.xori %iota3A, %xor3A_1287 : vector<16xi32>
      %reshape3A_1289 = vector.shape_cast %xor3A_1288 : vector<16xi32> to vector<16x1xi32>
      %gather3A_1290 = vector.shape_cast %reshape3A_1289 : vector<16x1xi32> to vector<16xi32>
      %gather3A_1291 = tpu.dynamic_gather %max3A_1285[%gather3A_1290] in [0] : vector<16xf32>, vector<16xi32> -> vector<16xf32>
      %max3A_1292 = arith.maximumf %max3A_1285, %gather3A_1291 : vector<16xf32>
      %xor3A_1293 = arith.constant 8 : i32
      %xor3A_1294 = vector.broadcast %xor3A_1293 : i32 to vector<16xi32>
      %xor3A_1295 = arith.xori %iota3A, %xor3A_1294 : vector<16xi32>
      %reshape3A_1296 = vector.shape_cast %xor3A_1295 : vector<16xi32> to vector<16x1xi32>
      %gather3A_1297 = vector.shape_cast %reshape3A_1296 : vector<16x1xi32> to vector<16xi32>
      %gather3A_1298 = tpu.dynamic_gather %max3A_1292[%gather3A_1297] in [0] : vector<16xf32>, vector<16xi32> -> vector<16xf32>
      %max3A_1299 = arith.maximumf %max3A_1292, %gather3A_1298 : vector<16xf32>
      %eq3A_1300 = arith.cmpf oeq, %get3A_1271, %max3A_1299 : vector<16xf32>
      %select_n3A_1301 = arith.select %eq3A_1300, %iota3A, %broadcast_in_dim3A_3 : vector<16xi1>, vector<16xi32>
      %xor3A_1302 = arith.constant 1 : i32
      %xor3A_1303 = vector.broadcast %xor3A_1302 : i32 to vector<16xi32>
      %xor3A_1304 = arith.xori %iota3A, %xor3A_1303 : vector<16xi32>
      %reshape3A_1305 = vector.shape_cast %xor3A_1304 : vector<16xi32> to vector<16x1xi32>
      %gather3A_1306 = vector.shape_cast %reshape3A_1305 : vector<16x1xi32> to vector<16xi32>
      %gather3A_1307 = tpu.dynamic_gather %select_n3A_1301[%gather3A_1306] in [0] : vector<16xi32>, vector<16xi32> -> vector<16xi32>
      %min3A_1308 = arith.minsi %select_n3A_1301, %gather3A_1307 : vector<16xi32>
      %xor3A_1309 = arith.constant 2 : i32
      %xor3A_1310 = vector.broadcast %xor3A_1309 : i32 to vector<16xi32>
      %xor3A_1311 = arith.xori %iota3A, %xor3A_1310 : vector<16xi32>
      %reshape3A_1312 = vector.shape_cast %xor3A_1311 : vector<16xi32> to vector<16x1xi32>
      %gather3A_1313 = vector.shape_cast %reshape3A_1312 : vector<16x1xi32> to vector<16xi32>
      %gather3A_1314 = tpu.dynamic_gather %min3A_1308[%gather3A_1313] in [0] : vector<16xi32>, vector<16xi32> -> vector<16xi32>
      %min3A_1315 = arith.minsi %min3A_1308, %gather3A_1314 : vector<16xi32>
      %xor3A_1316 = arith.constant 4 : i32
      %xor3A_1317 = vector.broadcast %xor3A_1316 : i32 to vector<16xi32>
      %xor3A_1318 = arith.xori %iota3A, %xor3A_1317 : vector<16xi32>
      %reshape3A_1319 = vector.shape_cast %xor3A_1318 : vector<16xi32> to vector<16x1xi32>
      %gather3A_1320 = vector.shape_cast %reshape3A_1319 : vector<16x1xi32> to vector<16xi32>
      %gather3A_1321 = tpu.dynamic_gather %min3A_1315[%gather3A_1320] in [0] : vector<16xi32>, vector<16xi32> -> vector<16xi32>
      %min3A_1322 = arith.minsi %min3A_1315, %gather3A_1321 : vector<16xi32>
      %xor3A_1323 = arith.constant 8 : i32
      %xor3A_1324 = vector.broadcast %xor3A_1323 : i32 to vector<16xi32>
      %xor3A_1325 = arith.xori %iota3A, %xor3A_1324 : vector<16xi32>
      %reshape3A_1326 = vector.shape_cast %xor3A_1325 : vector<16xi32> to vector<16x1xi32>
      %gather3A_1327 = vector.shape_cast %reshape3A_1326 : vector<16x1xi32> to vector<16xi32>
      %gather3A_1328 = tpu.dynamic_gather %min3A_1322[%gather3A_1327] in [0] : vector<16xi32>, vector<16xi32> -> vector<16xi32>
      %min3A_1329 = arith.minsi %min3A_1322, %gather3A_1328 : vector<16xi32>
      %reshape3A_1330 = vector.shape_cast %min3A_1262 : vector<16xi32> to vector<16x1xi32>
      %gather3A_1331 = vector.shape_cast %reshape3A_1330 : vector<16x1xi32> to vector<16xi32>
      %gather3A_1332 = tpu.dynamic_gather %get3A_1271[%gather3A_1331] in [0] : vector<16xf32>, vector<16xi32> -> vector<16xf32>
      %sub3A_1333 = arith.subf %max3A_1299, %gather3A_1332 : vector<16xf32>
      %gt3A_1334 = arith.constant 0.699999988 : f32
      %gt3A_1335 = vector.broadcast %gt3A_1334 : f32 to vector<16xf32>
      %gt3A_1336 = arith.cmpf ogt, %sub3A_1333, %gt3A_1335 : vector<16xf32>
      %select_n3A_1337 = arith.select %gt3A_1336, %min3A_1329, %min3A_1262 : vector<16xi1>, vector<16xi32>
      %eq3A_1338 = arith.constant 1 : i32
      %eq3A_1339 = vector.broadcast %eq3A_1338 : i32 to vector<16xi32>
      %eq3A_1340 = arith.cmpi eq, %iota3A, %eq3A_1339 : vector<16xi32>
      %select_n3A_1341 = arith.select %eq3A_1340, %select_n3A_1337, %select_n3A_1266 : vector<16xi1>, vector<16xi32>
      %get3A_1342 = arith.constant 18 : i32
      %get3A_1343 = arith.index_cast %get3A_1342 : i32 to index
      %get3A_1344 = arith.constant 0 : index
      %get3A_1345 = tpu.vector_load %arg4[%get3A_1343, %get3A_1344] {strides = array<i32>} : memref<32x16xf32, #tpu.memory_space<vmem>>, vector<1x16xf32>,
      %get3A_1346 = vector.shape_cast %get3A_1345 : vector<1x16xf32> to vector<16xf32>
      %xor3A_1347 = arith.constant 1 : i32
      %xor3A_1348 = vector.broadcast %xor3A_1347 : i32 to vector<16xi32>
      %xor3A_1349 = arith.xori %iota3A, %xor3A_1348 : vector<16xi32>
      %reshape3A_1350 = vector.shape_cast %xor3A_1349 : vector<16xi32> to vector<16x1xi32>
      %gather3A_1351 = vector.shape_cast %reshape3A_1350 : vector<16x1xi32> to vector<16xi32>
      %gather3A_1352 = tpu.dynamic_gather %get3A_1346[%gather3A_1351] in [0] : vector<16xf32>, vector<16xi32> -> vector<16xf32>
      %max3A_1353 = arith.maximumf %get3A_1346, %gather3A_1352 : vector<16xf32>
      %xor3A_1354 = arith.constant 2 : i32
      %xor3A_1355 = vector.broadcast %xor3A_1354 : i32 to vector<16xi32>
      %xor3A_1356 = arith.xori %iota3A, %xor3A_1355 : vector<16xi32>
      %reshape3A_1357 = vector.shape_cast %xor3A_1356 : vector<16xi32> to vector<16x1xi32>
      %gather3A_1358 = vector.shape_cast %reshape3A_1357 : vector<16x1xi32> to vector<16xi32>
      %gather3A_1359 = tpu.dynamic_gather %max3A_1353[%gather3A_1358] in [0] : vector<16xf32>, vector<16xi32> -> vector<16xf32>
      %max3A_1360 = arith.maximumf %max3A_1353, %gather3A_1359 : vector<16xf32>
      %xor3A_1361 = arith.constant 4 : i32
      %xor3A_1362 = vector.broadcast %xor3A_1361 : i32 to vector<16xi32>
      %xor3A_1363 = arith.xori %iota3A, %xor3A_1362 : vector<16xi32>
      %reshape3A_1364 = vector.shape_cast %xor3A_1363 : vector<16xi32> to vector<16x1xi32>
      %gather3A_1365 = vector.shape_cast %reshape3A_1364 : vector<16x1xi32> to vector<16xi32>
      %gather3A_1366 = tpu.dynamic_gather %max3A_1360[%gather3A_1365] in [0] : vector<16xf32>, vector<16xi32> -> vector<16xf32>
      %max3A_1367 = arith.maximumf %max3A_1360, %gather3A_1366 : vector<16xf32>
      %xor3A_1368 = arith.constant 8 : i32
      %xor3A_1369 = vector.broadcast %xor3A_1368 : i32 to vector<16xi32>
      %xor3A_1370 = arith.xori %iota3A, %xor3A_1369 : vector<16xi32>
      %reshape3A_1371 = vector.shape_cast %xor3A_1370 : vector<16xi32> to vector<16x1xi32>
      %gather3A_1372 = vector.shape_cast %reshape3A_1371 : vector<16x1xi32> to vector<16xi32>
      %gather3A_1373 = tpu.dynamic_gather %max3A_1367[%gather3A_1372] in [0] : vector<16xf32>, vector<16xi32> -> vector<16xf32>
      %max3A_1374 = arith.maximumf %max3A_1367, %gather3A_1373 : vector<16xf32>
      %eq3A_1375 = arith.cmpf oeq, %get3A_1346, %max3A_1374 : vector<16xf32>
      %select_n3A_1376 = arith.select %eq3A_1375, %iota3A, %broadcast_in_dim3A_3 : vector<16xi1>, vector<16xi32>
      %xor3A_1377 = arith.constant 1 : i32
      %xor3A_1378 = vector.broadcast %xor3A_1377 : i32 to vector<16xi32>
      %xor3A_1379 = arith.xori %iota3A, %xor3A_1378 : vector<16xi32>
      %reshape3A_1380 = vector.shape_cast %xor3A_1379 : vector<16xi32> to vector<16x1xi32>
      %gather3A_1381 = vector.shape_cast %reshape3A_1380 : vector<16x1xi32> to vector<16xi32>
      %gather3A_1382 = tpu.dynamic_gather %select_n3A_1376[%gather3A_1381] in [0] : vector<16xi32>, vector<16xi32> -> vector<16xi32>
      %min3A_1383 = arith.minsi %select_n3A_1376, %gather3A_1382 : vector<16xi32>
      %xor3A_1384 = arith.constant 2 : i32
      %xor3A_1385 = vector.broadcast %xor3A_1384 : i32 to vector<16xi32>
      %xor3A_1386 = arith.xori %iota3A, %xor3A_1385 : vector<16xi32>
      %reshape3A_1387 = vector.shape_cast %xor3A_1386 : vector<16xi32> to vector<16x1xi32>
      %gather3A_1388 = vector.shape_cast %reshape3A_1387 : vector<16x1xi32> to vector<16xi32>
      %gather3A_1389 = tpu.dynamic_gather %min3A_1383[%gather3A_1388] in [0] : vector<16xi32>, vector<16xi32> -> vector<16xi32>
      %min3A_1390 = arith.minsi %min3A_1383, %gather3A_1389 : vector<16xi32>
      %xor3A_1391 = arith.constant 4 : i32
      %xor3A_1392 = vector.broadcast %xor3A_1391 : i32 to vector<16xi32>
      %xor3A_1393 = arith.xori %iota3A, %xor3A_1392 : vector<16xi32>
      %reshape3A_1394 = vector.shape_cast %xor3A_1393 : vector<16xi32> to vector<16x1xi32>
      %gather3A_1395 = vector.shape_cast %reshape3A_1394 : vector<16x1xi32> to vector<16xi32>
      %gather3A_1396 = tpu.dynamic_gather %min3A_1390[%gather3A_1395] in [0] : vector<16xi32>, vector<16xi32> -> vector<16xi32>
      %min3A_1397 = arith.minsi %min3A_1390, %gather3A_1396 : vector<16xi32>
      %xor3A_1398 = arith.constant 8 : i32
      %xor3A_1399 = vector.broadcast %xor3A_1398 : i32 to vector<16xi32>
      %xor3A_1400 = arith.xori %iota3A, %xor3A_1399 : vector<16xi32>
      %reshape3A_1401 = vector.shape_cast %xor3A_1400 : vector<16xi32> to vector<16x1xi32>
      %gather3A_1402 = vector.shape_cast %reshape3A_1401 : vector<16x1xi32> to vector<16xi32>
      %gather3A_1403 = tpu.dynamic_gather %min3A_1397[%gather3A_1402] in [0] : vector<16xi32>, vector<16xi32> -> vector<16xi32>
      %min3A_1404 = arith.minsi %min3A_1397, %gather3A_1403 : vector<16xi32>
      %reshape3A_1405 = vector.shape_cast %select_n3A_1337 : vector<16xi32> to vector<16x1xi32>
      %gather3A_1406 = vector.shape_cast %reshape3A_1405 : vector<16x1xi32> to vector<16xi32>
      %gather3A_1407 = tpu.dynamic_gather %get3A_1346[%gather3A_1406] in [0] : vector<16xf32>, vector<16xi32> -> vector<16xf32>
      %sub3A_1408 = arith.subf %max3A_1374, %gather3A_1407 : vector<16xf32>
      %gt3A_1409 = arith.constant 0.699999988 : f32
      %gt3A_1410 = vector.broadcast %gt3A_1409 : f32 to vector<16xf32>
      %gt3A_1411 = arith.cmpf ogt, %sub3A_1408, %gt3A_1410 : vector<16xf32>
      %select_n3A_1412 = arith.select %gt3A_1411, %min3A_1404, %select_n3A_1337 : vector<16xi1>, vector<16xi32>
      %eq3A_1413 = arith.constant 2 : i32
      %eq3A_1414 = vector.broadcast %eq3A_1413 : i32 to vector<16xi32>
      %eq3A_1415 = arith.cmpi eq, %iota3A, %eq3A_1414 : vector<16xi32>
      %select_n3A_1416 = arith.select %eq3A_1415, %select_n3A_1412, %select_n3A_1341 : vector<16xi1>, vector<16xi32>
      %get3A_1417 = arith.constant 19 : i32
      %get3A_1418 = arith.index_cast %get3A_1417 : i32 to index
      %get3A_1419 = arith.constant 0 : index
      %get3A_1420 = tpu.vector_load %arg4[%get3A_1418, %get3A_1419] {strides = array<i32>} : memref<32x16xf32, #tpu.memory_space<vmem>>, vector<1x16xf32>,
      %get3A_1421 = vector.shape_cast %get3A_1420 : vector<1x16xf32> to vector<16xf32>
      %xor3A_1422 = arith.constant 1 : i32
      %xor3A_1423 = vector.broadcast %xor3A_1422 : i32 to vector<16xi32>
      %xor3A_1424 = arith.xori %iota3A, %xor3A_1423 : vector<16xi32>
      %reshape3A_1425 = vector.shape_cast %xor3A_1424 : vector<16xi32> to vector<16x1xi32>
      %gather3A_1426 = vector.shape_cast %reshape3A_1425 : vector<16x1xi32> to vector<16xi32>
      %gather3A_1427 = tpu.dynamic_gather %get3A_1421[%gather3A_1426] in [0] : vector<16xf32>, vector<16xi32> -> vector<16xf32>
      %max3A_1428 = arith.maximumf %get3A_1421, %gather3A_1427 : vector<16xf32>
      %xor3A_1429 = arith.constant 2 : i32
      %xor3A_1430 = vector.broadcast %xor3A_1429 : i32 to vector<16xi32>
      %xor3A_1431 = arith.xori %iota3A, %xor3A_1430 : vector<16xi32>
      %reshape3A_1432 = vector.shape_cast %xor3A_1431 : vector<16xi32> to vector<16x1xi32>
      %gather3A_1433 = vector.shape_cast %reshape3A_1432 : vector<16x1xi32> to vector<16xi32>
      %gather3A_1434 = tpu.dynamic_gather %max3A_1428[%gather3A_1433] in [0] : vector<16xf32>, vector<16xi32> -> vector<16xf32>
      %max3A_1435 = arith.maximumf %max3A_1428, %gather3A_1434 : vector<16xf32>
      %xor3A_1436 = arith.constant 4 : i32
      %xor3A_1437 = vector.broadcast %xor3A_1436 : i32 to vector<16xi32>
      %xor3A_1438 = arith.xori %iota3A, %xor3A_1437 : vector<16xi32>
      %reshape3A_1439 = vector.shape_cast %xor3A_1438 : vector<16xi32> to vector<16x1xi32>
      %gather3A_1440 = vector.shape_cast %reshape3A_1439 : vector<16x1xi32> to vector<16xi32>
      %gather3A_1441 = tpu.dynamic_gather %max3A_1435[%gather3A_1440] in [0] : vector<16xf32>, vector<16xi32> -> vector<16xf32>
      %max3A_1442 = arith.maximumf %max3A_1435, %gather3A_1441 : vector<16xf32>
      %xor3A_1443 = arith.constant 8 : i32
      %xor3A_1444 = vector.broadcast %xor3A_1443 : i32 to vector<16xi32>
      %xor3A_1445 = arith.xori %iota3A, %xor3A_1444 : vector<16xi32>
      %reshape3A_1446 = vector.shape_cast %xor3A_1445 : vector<16xi32> to vector<16x1xi32>
      %gather3A_1447 = vector.shape_cast %reshape3A_1446 : vector<16x1xi32> to vector<16xi32>
      %gather3A_1448 = tpu.dynamic_gather %max3A_1442[%gather3A_1447] in [0] : vector<16xf32>, vector<16xi32> -> vector<16xf32>
      %max3A_1449 = arith.maximumf %max3A_1442, %gather3A_1448 : vector<16xf32>
      %eq3A_1450 = arith.cmpf oeq, %get3A_1421, %max3A_1449 : vector<16xf32>
      %select_n3A_1451 = arith.select %eq3A_1450, %iota3A, %broadcast_in_dim3A_3 : vector<16xi1>, vector<16xi32>
      %xor3A_1452 = arith.constant 1 : i32
      %xor3A_1453 = vector.broadcast %xor3A_1452 : i32 to vector<16xi32>
      %xor3A_1454 = arith.xori %iota3A, %xor3A_1453 : vector<16xi32>
      %reshape3A_1455 = vector.shape_cast %xor3A_1454 : vector<16xi32> to vector<16x1xi32>
      %gather3A_1456 = vector.shape_cast %reshape3A_1455 : vector<16x1xi32> to vector<16xi32>
      %gather3A_1457 = tpu.dynamic_gather %select_n3A_1451[%gather3A_1456] in [0] : vector<16xi32>, vector<16xi32> -> vector<16xi32>
      %min3A_1458 = arith.minsi %select_n3A_1451, %gather3A_1457 : vector<16xi32>
      %xor3A_1459 = arith.constant 2 : i32
      %xor3A_1460 = vector.broadcast %xor3A_1459 : i32 to vector<16xi32>
      %xor3A_1461 = arith.xori %iota3A, %xor3A_1460 : vector<16xi32>
      %reshape3A_1462 = vector.shape_cast %xor3A_1461 : vector<16xi32> to vector<16x1xi32>
      %gather3A_1463 = vector.shape_cast %reshape3A_1462 : vector<16x1xi32> to vector<16xi32>
      %gather3A_1464 = tpu.dynamic_gather %min3A_1458[%gather3A_1463] in [0] : vector<16xi32>, vector<16xi32> -> vector<16xi32>
      %min3A_1465 = arith.minsi %min3A_1458, %gather3A_1464 : vector<16xi32>
      %xor3A_1466 = arith.constant 4 : i32
      %xor3A_1467 = vector.broadcast %xor3A_1466 : i32 to vector<16xi32>
      %xor3A_1468 = arith.xori %iota3A, %xor3A_1467 : vector<16xi32>
      %reshape3A_1469 = vector.shape_cast %xor3A_1468 : vector<16xi32> to vector<16x1xi32>
      %gather3A_1470 = vector.shape_cast %reshape3A_1469 : vector<16x1xi32> to vector<16xi32>
      %gather3A_1471 = tpu.dynamic_gather %min3A_1465[%gather3A_1470] in [0] : vector<16xi32>, vector<16xi32> -> vector<16xi32>
      %min3A_1472 = arith.minsi %min3A_1465, %gather3A_1471 : vector<16xi32>
      %xor3A_1473 = arith.constant 8 : i32
      %xor3A_1474 = vector.broadcast %xor3A_1473 : i32 to vector<16xi32>
      %xor3A_1475 = arith.xori %iota3A, %xor3A_1474 : vector<16xi32>
      %reshape3A_1476 = vector.shape_cast %xor3A_1475 : vector<16xi32> to vector<16x1xi32>
      %gather3A_1477 = vector.shape_cast %reshape3A_1476 : vector<16x1xi32> to vector<16xi32>
      %gather3A_1478 = tpu.dynamic_gather %min3A_1472[%gather3A_1477] in [0] : vector<16xi32>, vector<16xi32> -> vector<16xi32>
      %min3A_1479 = arith.minsi %min3A_1472, %gather3A_1478 : vector<16xi32>
      %reshape3A_1480 = vector.shape_cast %select_n3A_1412 : vector<16xi32> to vector<16x1xi32>
      %gather3A_1481 = vector.shape_cast %reshape3A_1480 : vector<16x1xi32> to vector<16xi32>
      %gather3A_1482 = tpu.dynamic_gather %get3A_1421[%gather3A_1481] in [0] : vector<16xf32>, vector<16xi32> -> vector<16xf32>
      %sub3A_1483 = arith.subf %max3A_1449, %gather3A_1482 : vector<16xf32>
      %gt3A_1484 = arith.constant 0.699999988 : f32
      %gt3A_1485 = vector.broadcast %gt3A_1484 : f32 to vector<16xf32>
      %gt3A_1486 = arith.cmpf ogt, %sub3A_1483, %gt3A_1485 : vector<16xf32>
      %select_n3A_1487 = arith.select %gt3A_1486, %min3A_1479, %select_n3A_1412 : vector<16xi1>, vector<16xi32>
      %eq3A_1488 = arith.constant 3 : i32
      %eq3A_1489 = vector.broadcast %eq3A_1488 : i32 to vector<16xi32>
      %eq3A_1490 = arith.cmpi eq, %iota3A, %eq3A_1489 : vector<16xi32>
      %select_n3A_1491 = arith.select %eq3A_1490, %select_n3A_1487, %select_n3A_1416 : vector<16xi1>, vector<16xi32>
      %get3A_1492 = arith.constant 20 : i32
      %get3A_1493 = arith.index_cast %get3A_1492 : i32 to index
      %get3A_1494 = arith.constant 0 : index
      %get3A_1495 = tpu.vector_load %arg4[%get3A_1493, %get3A_1494] {strides = array<i32>} : memref<32x16xf32, #tpu.memory_space<vmem>>, vector<1x16xf32>,
      %get3A_1496 = vector.shape_cast %get3A_1495 : vector<1x16xf32> to vector<16xf32>
      %xor3A_1497 = arith.constant 1 : i32
      %xor3A_1498 = vector.broadcast %xor3A_1497 : i32 to vector<16xi32>
      %xor3A_1499 = arith.xori %iota3A, %xor3A_1498 : vector<16xi32>
      %reshape3A_1500 = vector.shape_cast %xor3A_1499 : vector<16xi32> to vector<16x1xi32>
      %gather3A_1501 = vector.shape_cast %reshape3A_1500 : vector<16x1xi32> to vector<16xi32>
      %gather3A_1502 = tpu.dynamic_gather %get3A_1496[%gather3A_1501] in [0] : vector<16xf32>, vector<16xi32> -> vector<16xf32>
      %max3A_1503 = arith.maximumf %get3A_1496, %gather3A_1502 : vector<16xf32>
      %xor3A_1504 = arith.constant 2 : i32
      %xor3A_1505 = vector.broadcast %xor3A_1504 : i32 to vector<16xi32>
      %xor3A_1506 = arith.xori %iota3A, %xor3A_1505 : vector<16xi32>
      %reshape3A_1507 = vector.shape_cast %xor3A_1506 : vector<16xi32> to vector<16x1xi32>
      %gather3A_1508 = vector.shape_cast %reshape3A_1507 : vector<16x1xi32> to vector<16xi32>
      %gather3A_1509 = tpu.dynamic_gather %max3A_1503[%gather3A_1508] in [0] : vector<16xf32>, vector<16xi32> -> vector<16xf32>
      %max3A_1510 = arith.maximumf %max3A_1503, %gather3A_1509 : vector<16xf32>
      %xor3A_1511 = arith.constant 4 : i32
      %xor3A_1512 = vector.broadcast %xor3A_1511 : i32 to vector<16xi32>
      %xor3A_1513 = arith.xori %iota3A, %xor3A_1512 : vector<16xi32>
      %reshape3A_1514 = vector.shape_cast %xor3A_1513 : vector<16xi32> to vector<16x1xi32>
      %gather3A_1515 = vector.shape_cast %reshape3A_1514 : vector<16x1xi32> to vector<16xi32>
      %gather3A_1516 = tpu.dynamic_gather %max3A_1510[%gather3A_1515] in [0] : vector<16xf32>, vector<16xi32> -> vector<16xf32>
      %max3A_1517 = arith.maximumf %max3A_1510, %gather3A_1516 : vector<16xf32>
      %xor3A_1518 = arith.constant 8 : i32
      %xor3A_1519 = vector.broadcast %xor3A_1518 : i32 to vector<16xi32>
      %xor3A_1520 = arith.xori %iota3A, %xor3A_1519 : vector<16xi32>
      %reshape3A_1521 = vector.shape_cast %xor3A_1520 : vector<16xi32> to vector<16x1xi32>
      %gather3A_1522 = vector.shape_cast %reshape3A_1521 : vector<16x1xi32> to vector<16xi32>
      %gather3A_1523 = tpu.dynamic_gather %max3A_1517[%gather3A_1522] in [0] : vector<16xf32>, vector<16xi32> -> vector<16xf32>
      %max3A_1524 = arith.maximumf %max3A_1517, %gather3A_1523 : vector<16xf32>
      %eq3A_1525 = arith.cmpf oeq, %get3A_1496, %max3A_1524 : vector<16xf32>
      %select_n3A_1526 = arith.select %eq3A_1525, %iota3A, %broadcast_in_dim3A_3 : vector<16xi1>, vector<16xi32>
      %xor3A_1527 = arith.constant 1 : i32
      %xor3A_1528 = vector.broadcast %xor3A_1527 : i32 to vector<16xi32>
      %xor3A_1529 = arith.xori %iota3A, %xor3A_1528 : vector<16xi32>
      %reshape3A_1530 = vector.shape_cast %xor3A_1529 : vector<16xi32> to vector<16x1xi32>
      %gather3A_1531 = vector.shape_cast %reshape3A_1530 : vector<16x1xi32> to vector<16xi32>
      %gather3A_1532 = tpu.dynamic_gather %select_n3A_1526[%gather3A_1531] in [0] : vector<16xi32>, vector<16xi32> -> vector<16xi32>
      %min3A_1533 = arith.minsi %select_n3A_1526, %gather3A_1532 : vector<16xi32>
      %xor3A_1534 = arith.constant 2 : i32
      %xor3A_1535 = vector.broadcast %xor3A_1534 : i32 to vector<16xi32>
      %xor3A_1536 = arith.xori %iota3A, %xor3A_1535 : vector<16xi32>
      %reshape3A_1537 = vector.shape_cast %xor3A_1536 : vector<16xi32> to vector<16x1xi32>
      %gather3A_1538 = vector.shape_cast %reshape3A_1537 : vector<16x1xi32> to vector<16xi32>
      %gather3A_1539 = tpu.dynamic_gather %min3A_1533[%gather3A_1538] in [0] : vector<16xi32>, vector<16xi32> -> vector<16xi32>
      %min3A_1540 = arith.minsi %min3A_1533, %gather3A_1539 : vector<16xi32>
      %xor3A_1541 = arith.constant 4 : i32
      %xor3A_1542 = vector.broadcast %xor3A_1541 : i32 to vector<16xi32>
      %xor3A_1543 = arith.xori %iota3A, %xor3A_1542 : vector<16xi32>
      %reshape3A_1544 = vector.shape_cast %xor3A_1543 : vector<16xi32> to vector<16x1xi32>
      %gather3A_1545 = vector.shape_cast %reshape3A_1544 : vector<16x1xi32> to vector<16xi32>
      %gather3A_1546 = tpu.dynamic_gather %min3A_1540[%gather3A_1545] in [0] : vector<16xi32>, vector<16xi32> -> vector<16xi32>
      %min3A_1547 = arith.minsi %min3A_1540, %gather3A_1546 : vector<16xi32>
      %xor3A_1548 = arith.constant 8 : i32
      %xor3A_1549 = vector.broadcast %xor3A_1548 : i32 to vector<16xi32>
      %xor3A_1550 = arith.xori %iota3A, %xor3A_1549 : vector<16xi32>
      %reshape3A_1551 = vector.shape_cast %xor3A_1550 : vector<16xi32> to vector<16x1xi32>
      %gather3A_1552 = vector.shape_cast %reshape3A_1551 : vector<16x1xi32> to vector<16xi32>
      %gather3A_1553 = tpu.dynamic_gather %min3A_1547[%gather3A_1552] in [0] : vector<16xi32>, vector<16xi32> -> vector<16xi32>
      %min3A_1554 = arith.minsi %min3A_1547, %gather3A_1553 : vector<16xi32>
      %reshape3A_1555 = vector.shape_cast %select_n3A_1487 : vector<16xi32> to vector<16x1xi32>
      %gather3A_1556 = vector.shape_cast %reshape3A_1555 : vector<16x1xi32> to vector<16xi32>
      %gather3A_1557 = tpu.dynamic_gather %get3A_1496[%gather3A_1556] in [0] : vector<16xf32>, vector<16xi32> -> vector<16xf32>
      %sub3A_1558 = arith.subf %max3A_1524, %gather3A_1557 : vector<16xf32>
      %gt3A_1559 = arith.constant 0.699999988 : f32
      %gt3A_1560 = vector.broadcast %gt3A_1559 : f32 to vector<16xf32>
      %gt3A_1561 = arith.cmpf ogt, %sub3A_1558, %gt3A_1560 : vector<16xf32>
      %select_n3A_1562 = arith.select %gt3A_1561, %min3A_1554, %select_n3A_1487 : vector<16xi1>, vector<16xi32>
      %eq3A_1563 = arith.constant 4 : i32
      %eq3A_1564 = vector.broadcast %eq3A_1563 : i32 to vector<16xi32>
      %eq3A_1565 = arith.cmpi eq, %iota3A, %eq3A_1564 : vector<16xi32>
      %select_n3A_1566 = arith.select %eq3A_1565, %select_n3A_1562, %select_n3A_1491 : vector<16xi1>, vector<16xi32>
      %get3A_1567 = arith.constant 21 : i32
      %get3A_1568 = arith.index_cast %get3A_1567 : i32 to index
      %get3A_1569 = arith.constant 0 : index
      %get3A_1570 = tpu.vector_load %arg4[%get3A_1568, %get3A_1569] {strides = array<i32>} : memref<32x16xf32, #tpu.memory_space<vmem>>, vector<1x16xf32>,
      %get3A_1571 = vector.shape_cast %get3A_1570 : vector<1x16xf32> to vector<16xf32>
      %xor3A_1572 = arith.constant 1 : i32
      %xor3A_1573 = vector.broadcast %xor3A_1572 : i32 to vector<16xi32>
      %xor3A_1574 = arith.xori %iota3A, %xor3A_1573 : vector<16xi32>
      %reshape3A_1575 = vector.shape_cast %xor3A_1574 : vector<16xi32> to vector<16x1xi32>
      %gather3A_1576 = vector.shape_cast %reshape3A_1575 : vector<16x1xi32> to vector<16xi32>
      %gather3A_1577 = tpu.dynamic_gather %get3A_1571[%gather3A_1576] in [0] : vector<16xf32>, vector<16xi32> -> vector<16xf32>
      %max3A_1578 = arith.maximumf %get3A_1571, %gather3A_1577 : vector<16xf32>
      %xor3A_1579 = arith.constant 2 : i32
      %xor3A_1580 = vector.broadcast %xor3A_1579 : i32 to vector<16xi32>
      %xor3A_1581 = arith.xori %iota3A, %xor3A_1580 : vector<16xi32>
      %reshape3A_1582 = vector.shape_cast %xor3A_1581 : vector<16xi32> to vector<16x1xi32>
      %gather3A_1583 = vector.shape_cast %reshape3A_1582 : vector<16x1xi32> to vector<16xi32>
      %gather3A_1584 = tpu.dynamic_gather %max3A_1578[%gather3A_1583] in [0] : vector<16xf32>, vector<16xi32> -> vector<16xf32>
      %max3A_1585 = arith.maximumf %max3A_1578, %gather3A_1584 : vector<16xf32>
      %xor3A_1586 = arith.constant 4 : i32
      %xor3A_1587 = vector.broadcast %xor3A_1586 : i32 to vector<16xi32>
      %xor3A_1588 = arith.xori %iota3A, %xor3A_1587 : vector<16xi32>
      %reshape3A_1589 = vector.shape_cast %xor3A_1588 : vector<16xi32> to vector<16x1xi32>
      %gather3A_1590 = vector.shape_cast %reshape3A_1589 : vector<16x1xi32> to vector<16xi32>
      %gather3A_1591 = tpu.dynamic_gather %max3A_1585[%gather3A_1590] in [0] : vector<16xf32>, vector<16xi32> -> vector<16xf32>
      %max3A_1592 = arith.maximumf %max3A_1585, %gather3A_1591 : vector<16xf32>
      %xor3A_1593 = arith.constant 8 : i32
      %xor3A_1594 = vector.broadcast %xor3A_1593 : i32 to vector<16xi32>
      %xor3A_1595 = arith.xori %iota3A, %xor3A_1594 : vector<16xi32>
      %reshape3A_1596 = vector.shape_cast %xor3A_1595 : vector<16xi32> to vector<16x1xi32>
      %gather3A_1597 = vector.shape_cast %reshape3A_1596 : vector<16x1xi32> to vector<16xi32>
      %gather3A_1598 = tpu.dynamic_gather %max3A_1592[%gather3A_1597] in [0] : vector<16xf32>, vector<16xi32> -> vector<16xf32>
      %max3A_1599 = arith.maximumf %max3A_1592, %gather3A_1598 : vector<16xf32>
      %eq3A_1600 = arith.cmpf oeq, %get3A_1571, %max3A_1599 : vector<16xf32>
      %select_n3A_1601 = arith.select %eq3A_1600, %iota3A, %broadcast_in_dim3A_3 : vector<16xi1>, vector<16xi32>
      %xor3A_1602 = arith.constant 1 : i32
      %xor3A_1603 = vector.broadcast %xor3A_1602 : i32 to vector<16xi32>
      %xor3A_1604 = arith.xori %iota3A, %xor3A_1603 : vector<16xi32>
      %reshape3A_1605 = vector.shape_cast %xor3A_1604 : vector<16xi32> to vector<16x1xi32>
      %gather3A_1606 = vector.shape_cast %reshape3A_1605 : vector<16x1xi32> to vector<16xi32>
      %gather3A_1607 = tpu.dynamic_gather %select_n3A_1601[%gather3A_1606] in [0] : vector<16xi32>, vector<16xi32> -> vector<16xi32>
      %min3A_1608 = arith.minsi %select_n3A_1601, %gather3A_1607 : vector<16xi32>
      %xor3A_1609 = arith.constant 2 : i32
      %xor3A_1610 = vector.broadcast %xor3A_1609 : i32 to vector<16xi32>
      %xor3A_1611 = arith.xori %iota3A, %xor3A_1610 : vector<16xi32>
      %reshape3A_1612 = vector.shape_cast %xor3A_1611 : vector<16xi32> to vector<16x1xi32>
      %gather3A_1613 = vector.shape_cast %reshape3A_1612 : vector<16x1xi32> to vector<16xi32>
      %gather3A_1614 = tpu.dynamic_gather %min3A_1608[%gather3A_1613] in [0] : vector<16xi32>, vector<16xi32> -> vector<16xi32>
      %min3A_1615 = arith.minsi %min3A_1608, %gather3A_1614 : vector<16xi32>
      %xor3A_1616 = arith.constant 4 : i32
      %xor3A_1617 = vector.broadcast %xor3A_1616 : i32 to vector<16xi32>
      %xor3A_1618 = arith.xori %iota3A, %xor3A_1617 : vector<16xi32>
      %reshape3A_1619 = vector.shape_cast %xor3A_1618 : vector<16xi32> to vector<16x1xi32>
      %gather3A_1620 = vector.shape_cast %reshape3A_1619 : vector<16x1xi32> to vector<16xi32>
      %gather3A_1621 = tpu.dynamic_gather %min3A_1615[%gather3A_1620] in [0] : vector<16xi32>, vector<16xi32> -> vector<16xi32>
      %min3A_1622 = arith.minsi %min3A_1615, %gather3A_1621 : vector<16xi32>
      %xor3A_1623 = arith.constant 8 : i32
      %xor3A_1624 = vector.broadcast %xor3A_1623 : i32 to vector<16xi32>
      %xor3A_1625 = arith.xori %iota3A, %xor3A_1624 : vector<16xi32>
      %reshape3A_1626 = vector.shape_cast %xor3A_1625 : vector<16xi32> to vector<16x1xi32>
      %gather3A_1627 = vector.shape_cast %reshape3A_1626 : vector<16x1xi32> to vector<16xi32>
      %gather3A_1628 = tpu.dynamic_gather %min3A_1622[%gather3A_1627] in [0] : vector<16xi32>, vector<16xi32> -> vector<16xi32>
      %min3A_1629 = arith.minsi %min3A_1622, %gather3A_1628 : vector<16xi32>
      %reshape3A_1630 = vector.shape_cast %select_n3A_1562 : vector<16xi32> to vector<16x1xi32>
      %gather3A_1631 = vector.shape_cast %reshape3A_1630 : vector<16x1xi32> to vector<16xi32>
      %gather3A_1632 = tpu.dynamic_gather %get3A_1571[%gather3A_1631] in [0] : vector<16xf32>, vector<16xi32> -> vector<16xf32>
      %sub3A_1633 = arith.subf %max3A_1599, %gather3A_1632 : vector<16xf32>
      %gt3A_1634 = arith.constant 0.699999988 : f32
      %gt3A_1635 = vector.broadcast %gt3A_1634 : f32 to vector<16xf32>
      %gt3A_1636 = arith.cmpf ogt, %sub3A_1633, %gt3A_1635 : vector<16xf32>
      %select_n3A_1637 = arith.select %gt3A_1636, %min3A_1629, %select_n3A_1562 : vector<16xi1>, vector<16xi32>
      %eq3A_1638 = arith.constant 5 : i32
      %eq3A_1639 = vector.broadcast %eq3A_1638 : i32 to vector<16xi32>
      %eq3A_1640 = arith.cmpi eq, %iota3A, %eq3A_1639 : vector<16xi32>
      %select_n3A_1641 = arith.select %eq3A_1640, %select_n3A_1637, %select_n3A_1566 : vector<16xi1>, vector<16xi32>
      %get3A_1642 = arith.constant 22 : i32
      %get3A_1643 = arith.index_cast %get3A_1642 : i32 to index
      %get3A_1644 = arith.constant 0 : index
      %get3A_1645 = tpu.vector_load %arg4[%get3A_1643, %get3A_1644] {strides = array<i32>} : memref<32x16xf32, #tpu.memory_space<vmem>>, vector<1x16xf32>,
      %get3A_1646 = vector.shape_cast %get3A_1645 : vector<1x16xf32> to vector<16xf32>
      %xor3A_1647 = arith.constant 1 : i32
      %xor3A_1648 = vector.broadcast %xor3A_1647 : i32 to vector<16xi32>
      %xor3A_1649 = arith.xori %iota3A, %xor3A_1648 : vector<16xi32>
      %reshape3A_1650 = vector.shape_cast %xor3A_1649 : vector<16xi32> to vector<16x1xi32>
      %gather3A_1651 = vector.shape_cast %reshape3A_1650 : vector<16x1xi32> to vector<16xi32>
      %gather3A_1652 = tpu.dynamic_gather %get3A_1646[%gather3A_1651] in [0] : vector<16xf32>, vector<16xi32> -> vector<16xf32>
      %max3A_1653 = arith.maximumf %get3A_1646, %gather3A_1652 : vector<16xf32>
      %xor3A_1654 = arith.constant 2 : i32
      %xor3A_1655 = vector.broadcast %xor3A_1654 : i32 to vector<16xi32>
      %xor3A_1656 = arith.xori %iota3A, %xor3A_1655 : vector<16xi32>
      %reshape3A_1657 = vector.shape_cast %xor3A_1656 : vector<16xi32> to vector<16x1xi32>
      %gather3A_1658 = vector.shape_cast %reshape3A_1657 : vector<16x1xi32> to vector<16xi32>
      %gather3A_1659 = tpu.dynamic_gather %max3A_1653[%gather3A_1658] in [0] : vector<16xf32>, vector<16xi32> -> vector<16xf32>
      %max3A_1660 = arith.maximumf %max3A_1653, %gather3A_1659 : vector<16xf32>
      %xor3A_1661 = arith.constant 4 : i32
      %xor3A_1662 = vector.broadcast %xor3A_1661 : i32 to vector<16xi32>
      %xor3A_1663 = arith.xori %iota3A, %xor3A_1662 : vector<16xi32>
      %reshape3A_1664 = vector.shape_cast %xor3A_1663 : vector<16xi32> to vector<16x1xi32>
      %gather3A_1665 = vector.shape_cast %reshape3A_1664 : vector<16x1xi32> to vector<16xi32>
      %gather3A_1666 = tpu.dynamic_gather %max3A_1660[%gather3A_1665] in [0] : vector<16xf32>, vector<16xi32> -> vector<16xf32>
      %max3A_1667 = arith.maximumf %max3A_1660, %gather3A_1666 : vector<16xf32>
      %xor3A_1668 = arith.constant 8 : i32
      %xor3A_1669 = vector.broadcast %xor3A_1668 : i32 to vector<16xi32>
      %xor3A_1670 = arith.xori %iota3A, %xor3A_1669 : vector<16xi32>
      %reshape3A_1671 = vector.shape_cast %xor3A_1670 : vector<16xi32> to vector<16x1xi32>
      %gather3A_1672 = vector.shape_cast %reshape3A_1671 : vector<16x1xi32> to vector<16xi32>
      %gather3A_1673 = tpu.dynamic_gather %max3A_1667[%gather3A_1672] in [0] : vector<16xf32>, vector<16xi32> -> vector<16xf32>
      %max3A_1674 = arith.maximumf %max3A_1667, %gather3A_1673 : vector<16xf32>
      %eq3A_1675 = arith.cmpf oeq, %get3A_1646, %max3A_1674 : vector<16xf32>
      %select_n3A_1676 = arith.select %eq3A_1675, %iota3A, %broadcast_in_dim3A_3 : vector<16xi1>, vector<16xi32>
      %xor3A_1677 = arith.constant 1 : i32
      %xor3A_1678 = vector.broadcast %xor3A_1677 : i32 to vector<16xi32>
      %xor3A_1679 = arith.xori %iota3A, %xor3A_1678 : vector<16xi32>
      %reshape3A_1680 = vector.shape_cast %xor3A_1679 : vector<16xi32> to vector<16x1xi32>
      %gather3A_1681 = vector.shape_cast %reshape3A_1680 : vector<16x1xi32> to vector<16xi32>
      %gather3A_1682 = tpu.dynamic_gather %select_n3A_1676[%gather3A_1681] in [0] : vector<16xi32>, vector<16xi32> -> vector<16xi32>
      %min3A_1683 = arith.minsi %select_n3A_1676, %gather3A_1682 : vector<16xi32>
      %xor3A_1684 = arith.constant 2 : i32
      %xor3A_1685 = vector.broadcast %xor3A_1684 : i32 to vector<16xi32>
      %xor3A_1686 = arith.xori %iota3A, %xor3A_1685 : vector<16xi32>
      %reshape3A_1687 = vector.shape_cast %xor3A_1686 : vector<16xi32> to vector<16x1xi32>
      %gather3A_1688 = vector.shape_cast %reshape3A_1687 : vector<16x1xi32> to vector<16xi32>
      %gather3A_1689 = tpu.dynamic_gather %min3A_1683[%gather3A_1688] in [0] : vector<16xi32>, vector<16xi32> -> vector<16xi32>
      %min3A_1690 = arith.minsi %min3A_1683, %gather3A_1689 : vector<16xi32>
      %xor3A_1691 = arith.constant 4 : i32
      %xor3A_1692 = vector.broadcast %xor3A_1691 : i32 to vector<16xi32>
      %xor3A_1693 = arith.xori %iota3A, %xor3A_1692 : vector<16xi32>
      %reshape3A_1694 = vector.shape_cast %xor3A_1693 : vector<16xi32> to vector<16x1xi32>
      %gather3A_1695 = vector.shape_cast %reshape3A_1694 : vector<16x1xi32> to vector<16xi32>
      %gather3A_1696 = tpu.dynamic_gather %min3A_1690[%gather3A_1695] in [0] : vector<16xi32>, vector<16xi32> -> vector<16xi32>
      %min3A_1697 = arith.minsi %min3A_1690, %gather3A_1696 : vector<16xi32>
      %xor3A_1698 = arith.constant 8 : i32
      %xor3A_1699 = vector.broadcast %xor3A_1698 : i32 to vector<16xi32>
      %xor3A_1700 = arith.xori %iota3A, %xor3A_1699 : vector<16xi32>
      %reshape3A_1701 = vector.shape_cast %xor3A_1700 : vector<16xi32> to vector<16x1xi32>
      %gather3A_1702 = vector.shape_cast %reshape3A_1701 : vector<16x1xi32> to vector<16xi32>
      %gather3A_1703 = tpu.dynamic_gather %min3A_1697[%gather3A_1702] in [0] : vector<16xi32>, vector<16xi32> -> vector<16xi32>
      %min3A_1704 = arith.minsi %min3A_1697, %gather3A_1703 : vector<16xi32>
      %reshape3A_1705 = vector.shape_cast %select_n3A_1637 : vector<16xi32> to vector<16x1xi32>
      %gather3A_1706 = vector.shape_cast %reshape3A_1705 : vector<16x1xi32> to vector<16xi32>
      %gather3A_1707 = tpu.dynamic_gather %get3A_1646[%gather3A_1706] in [0] : vector<16xf32>, vector<16xi32> -> vector<16xf32>
      %sub3A_1708 = arith.subf %max3A_1674, %gather3A_1707 : vector<16xf32>
      %gt3A_1709 = arith.constant 0.699999988 : f32
      %gt3A_1710 = vector.broadcast %gt3A_1709 : f32 to vector<16xf32>
      %gt3A_1711 = arith.cmpf ogt, %sub3A_1708, %gt3A_1710 : vector<16xf32>
      %select_n3A_1712 = arith.select %gt3A_1711, %min3A_1704, %select_n3A_1637 : vector<16xi1>, vector<16xi32>
      %eq3A_1713 = arith.constant 6 : i32
      %eq3A_1714 = vector.broadcast %eq3A_1713 : i32 to vector<16xi32>
      %eq3A_1715 = arith.cmpi eq, %iota3A, %eq3A_1714 : vector<16xi32>
      %select_n3A_1716 = arith.select %eq3A_1715, %select_n3A_1712, %select_n3A_1641 : vector<16xi1>, vector<16xi32>
      %get3A_1717 = arith.constant 23 : i32
      %get3A_1718 = arith.index_cast %get3A_1717 : i32 to index
      %get3A_1719 = arith.constant 0 : index
      %get3A_1720 = tpu.vector_load %arg4[%get3A_1718, %get3A_1719] {strides = array<i32>} : memref<32x16xf32, #tpu.memory_space<vmem>>, vector<1x16xf32>,
      %get3A_1721 = vector.shape_cast %get3A_1720 : vector<1x16xf32> to vector<16xf32>
      %xor3A_1722 = arith.constant 1 : i32
      %xor3A_1723 = vector.broadcast %xor3A_1722 : i32 to vector<16xi32>
      %xor3A_1724 = arith.xori %iota3A, %xor3A_1723 : vector<16xi32>
      %reshape3A_1725 = vector.shape_cast %xor3A_1724 : vector<16xi32> to vector<16x1xi32>
      %gather3A_1726 = vector.shape_cast %reshape3A_1725 : vector<16x1xi32> to vector<16xi32>
      %gather3A_1727 = tpu.dynamic_gather %get3A_1721[%gather3A_1726] in [0] : vector<16xf32>, vector<16xi32> -> vector<16xf32>
      %max3A_1728 = arith.maximumf %get3A_1721, %gather3A_1727 : vector<16xf32>
      %xor3A_1729 = arith.constant 2 : i32
      %xor3A_1730 = vector.broadcast %xor3A_1729 : i32 to vector<16xi32>
      %xor3A_1731 = arith.xori %iota3A, %xor3A_1730 : vector<16xi32>
      %reshape3A_1732 = vector.shape_cast %xor3A_1731 : vector<16xi32> to vector<16x1xi32>
      %gather3A_1733 = vector.shape_cast %reshape3A_1732 : vector<16x1xi32> to vector<16xi32>
      %gather3A_1734 = tpu.dynamic_gather %max3A_1728[%gather3A_1733] in [0] : vector<16xf32>, vector<16xi32> -> vector<16xf32>
      %max3A_1735 = arith.maximumf %max3A_1728, %gather3A_1734 : vector<16xf32>
      %xor3A_1736 = arith.constant 4 : i32
      %xor3A_1737 = vector.broadcast %xor3A_1736 : i32 to vector<16xi32>
      %xor3A_1738 = arith.xori %iota3A, %xor3A_1737 : vector<16xi32>
      %reshape3A_1739 = vector.shape_cast %xor3A_1738 : vector<16xi32> to vector<16x1xi32>
      %gather3A_1740 = vector.shape_cast %reshape3A_1739 : vector<16x1xi32> to vector<16xi32>
      %gather3A_1741 = tpu.dynamic_gather %max3A_1735[%gather3A_1740] in [0] : vector<16xf32>, vector<16xi32> -> vector<16xf32>
      %max3A_1742 = arith.maximumf %max3A_1735, %gather3A_1741 : vector<16xf32>
      %xor3A_1743 = arith.constant 8 : i32
      %xor3A_1744 = vector.broadcast %xor3A_1743 : i32 to vector<16xi32>
      %xor3A_1745 = arith.xori %iota3A, %xor3A_1744 : vector<16xi32>
      %reshape3A_1746 = vector.shape_cast %xor3A_1745 : vector<16xi32> to vector<16x1xi32>
      %gather3A_1747 = vector.shape_cast %reshape3A_1746 : vector<16x1xi32> to vector<16xi32>
      %gather3A_1748 = tpu.dynamic_gather %max3A_1742[%gather3A_1747] in [0] : vector<16xf32>, vector<16xi32> -> vector<16xf32>
      %max3A_1749 = arith.maximumf %max3A_1742, %gather3A_1748 : vector<16xf32>
      %eq3A_1750 = arith.cmpf oeq, %get3A_1721, %max3A_1749 : vector<16xf32>
      %select_n3A_1751 = arith.select %eq3A_1750, %iota3A, %broadcast_in_dim3A_3 : vector<16xi1>, vector<16xi32>
      %xor3A_1752 = arith.constant 1 : i32
      %xor3A_1753 = vector.broadcast %xor3A_1752 : i32 to vector<16xi32>
      %xor3A_1754 = arith.xori %iota3A, %xor3A_1753 : vector<16xi32>
      %reshape3A_1755 = vector.shape_cast %xor3A_1754 : vector<16xi32> to vector<16x1xi32>
      %gather3A_1756 = vector.shape_cast %reshape3A_1755 : vector<16x1xi32> to vector<16xi32>
      %gather3A_1757 = tpu.dynamic_gather %select_n3A_1751[%gather3A_1756] in [0] : vector<16xi32>, vector<16xi32> -> vector<16xi32>
      %min3A_1758 = arith.minsi %select_n3A_1751, %gather3A_1757 : vector<16xi32>
      %xor3A_1759 = arith.constant 2 : i32
      %xor3A_1760 = vector.broadcast %xor3A_1759 : i32 to vector<16xi32>
      %xor3A_1761 = arith.xori %iota3A, %xor3A_1760 : vector<16xi32>
      %reshape3A_1762 = vector.shape_cast %xor3A_1761 : vector<16xi32> to vector<16x1xi32>
      %gather3A_1763 = vector.shape_cast %reshape3A_1762 : vector<16x1xi32> to vector<16xi32>
      %gather3A_1764 = tpu.dynamic_gather %min3A_1758[%gather3A_1763] in [0] : vector<16xi32>, vector<16xi32> -> vector<16xi32>
      %min3A_1765 = arith.minsi %min3A_1758, %gather3A_1764 : vector<16xi32>
      %xor3A_1766 = arith.constant 4 : i32
      %xor3A_1767 = vector.broadcast %xor3A_1766 : i32 to vector<16xi32>
      %xor3A_1768 = arith.xori %iota3A, %xor3A_1767 : vector<16xi32>
      %reshape3A_1769 = vector.shape_cast %xor3A_1768 : vector<16xi32> to vector<16x1xi32>
      %gather3A_1770 = vector.shape_cast %reshape3A_1769 : vector<16x1xi32> to vector<16xi32>
      %gather3A_1771 = tpu.dynamic_gather %min3A_1765[%gather3A_1770] in [0] : vector<16xi32>, vector<16xi32> -> vector<16xi32>
      %min3A_1772 = arith.minsi %min3A_1765, %gather3A_1771 : vector<16xi32>
      %xor3A_1773 = arith.constant 8 : i32
      %xor3A_1774 = vector.broadcast %xor3A_1773 : i32 to vector<16xi32>
      %xor3A_1775 = arith.xori %iota3A, %xor3A_1774 : vector<16xi32>
      %reshape3A_1776 = vector.shape_cast %xor3A_1775 : vector<16xi32> to vector<16x1xi32>
      %gather3A_1777 = vector.shape_cast %reshape3A_1776 : vector<16x1xi32> to vector<16xi32>
      %gather3A_1778 = tpu.dynamic_gather %min3A_1772[%gather3A_1777] in [0] : vector<16xi32>, vector<16xi32> -> vector<16xi32>
      %min3A_1779 = arith.minsi %min3A_1772, %gather3A_1778 : vector<16xi32>
      %reshape3A_1780 = vector.shape_cast %select_n3A_1712 : vector<16xi32> to vector<16x1xi32>
      %gather3A_1781 = vector.shape_cast %reshape3A_1780 : vector<16x1xi32> to vector<16xi32>
      %gather3A_1782 = tpu.dynamic_gather %get3A_1721[%gather3A_1781] in [0] : vector<16xf32>, vector<16xi32> -> vector<16xf32>
      %sub3A_1783 = arith.subf %max3A_1749, %gather3A_1782 : vector<16xf32>
      %gt3A_1784 = arith.constant 0.699999988 : f32
      %gt3A_1785 = vector.broadcast %gt3A_1784 : f32 to vector<16xf32>
      %gt3A_1786 = arith.cmpf ogt, %sub3A_1783, %gt3A_1785 : vector<16xf32>
      %select_n3A_1787 = arith.select %gt3A_1786, %min3A_1779, %select_n3A_1712 : vector<16xi1>, vector<16xi32>
      %eq3A_1788 = arith.constant 7 : i32
      %eq3A_1789 = vector.broadcast %eq3A_1788 : i32 to vector<16xi32>
      %eq3A_1790 = arith.cmpi eq, %iota3A, %eq3A_1789 : vector<16xi32>
      %select_n3A_1791 = arith.select %eq3A_1790, %select_n3A_1787, %select_n3A_1716 : vector<16xi1>, vector<16xi32>
      %get3A_1792 = arith.constant 24 : i32
      %get3A_1793 = arith.index_cast %get3A_1792 : i32 to index
      %get3A_1794 = arith.constant 0 : index
      %get3A_1795 = tpu.vector_load %arg4[%get3A_1793, %get3A_1794] {strides = array<i32>} : memref<32x16xf32, #tpu.memory_space<vmem>>, vector<1x16xf32>,
      %get3A_1796 = vector.shape_cast %get3A_1795 : vector<1x16xf32> to vector<16xf32>
      %xor3A_1797 = arith.constant 1 : i32
      %xor3A_1798 = vector.broadcast %xor3A_1797 : i32 to vector<16xi32>
      %xor3A_1799 = arith.xori %iota3A, %xor3A_1798 : vector<16xi32>
      %reshape3A_1800 = vector.shape_cast %xor3A_1799 : vector<16xi32> to vector<16x1xi32>
      %gather3A_1801 = vector.shape_cast %reshape3A_1800 : vector<16x1xi32> to vector<16xi32>
      %gather3A_1802 = tpu.dynamic_gather %get3A_1796[%gather3A_1801] in [0] : vector<16xf32>, vector<16xi32> -> vector<16xf32>
      %max3A_1803 = arith.maximumf %get3A_1796, %gather3A_1802 : vector<16xf32>
      %xor3A_1804 = arith.constant 2 : i32
      %xor3A_1805 = vector.broadcast %xor3A_1804 : i32 to vector<16xi32>
      %xor3A_1806 = arith.xori %iota3A, %xor3A_1805 : vector<16xi32>
      %reshape3A_1807 = vector.shape_cast %xor3A_1806 : vector<16xi32> to vector<16x1xi32>
      %gather3A_1808 = vector.shape_cast %reshape3A_1807 : vector<16x1xi32> to vector<16xi32>
      %gather3A_1809 = tpu.dynamic_gather %max3A_1803[%gather3A_1808] in [0] : vector<16xf32>, vector<16xi32> -> vector<16xf32>
      %max3A_1810 = arith.maximumf %max3A_1803, %gather3A_1809 : vector<16xf32>
      %xor3A_1811 = arith.constant 4 : i32
      %xor3A_1812 = vector.broadcast %xor3A_1811 : i32 to vector<16xi32>
      %xor3A_1813 = arith.xori %iota3A, %xor3A_1812 : vector<16xi32>
      %reshape3A_1814 = vector.shape_cast %xor3A_1813 : vector<16xi32> to vector<16x1xi32>
      %gather3A_1815 = vector.shape_cast %reshape3A_1814 : vector<16x1xi32> to vector<16xi32>
      %gather3A_1816 = tpu.dynamic_gather %max3A_1810[%gather3A_1815] in [0] : vector<16xf32>, vector<16xi32> -> vector<16xf32>
      %max3A_1817 = arith.maximumf %max3A_1810, %gather3A_1816 : vector<16xf32>
      %xor3A_1818 = arith.constant 8 : i32
      %xor3A_1819 = vector.broadcast %xor3A_1818 : i32 to vector<16xi32>
      %xor3A_1820 = arith.xori %iota3A, %xor3A_1819 : vector<16xi32>
      %reshape3A_1821 = vector.shape_cast %xor3A_1820 : vector<16xi32> to vector<16x1xi32>
      %gather3A_1822 = vector.shape_cast %reshape3A_1821 : vector<16x1xi32> to vector<16xi32>
      %gather3A_1823 = tpu.dynamic_gather %max3A_1817[%gather3A_1822] in [0] : vector<16xf32>, vector<16xi32> -> vector<16xf32>
      %max3A_1824 = arith.maximumf %max3A_1817, %gather3A_1823 : vector<16xf32>
      %eq3A_1825 = arith.cmpf oeq, %get3A_1796, %max3A_1824 : vector<16xf32>
      %select_n3A_1826 = arith.select %eq3A_1825, %iota3A, %broadcast_in_dim3A_3 : vector<16xi1>, vector<16xi32>
      %xor3A_1827 = arith.constant 1 : i32
      %xor3A_1828 = vector.broadcast %xor3A_1827 : i32 to vector<16xi32>
      %xor3A_1829 = arith.xori %iota3A, %xor3A_1828 : vector<16xi32>
      %reshape3A_1830 = vector.shape_cast %xor3A_1829 : vector<16xi32> to vector<16x1xi32>
      %gather3A_1831 = vector.shape_cast %reshape3A_1830 : vector<16x1xi32> to vector<16xi32>
      %gather3A_1832 = tpu.dynamic_gather %select_n3A_1826[%gather3A_1831] in [0] : vector<16xi32>, vector<16xi32> -> vector<16xi32>
      %min3A_1833 = arith.minsi %select_n3A_1826, %gather3A_1832 : vector<16xi32>
      %xor3A_1834 = arith.constant 2 : i32
      %xor3A_1835 = vector.broadcast %xor3A_1834 : i32 to vector<16xi32>
      %xor3A_1836 = arith.xori %iota3A, %xor3A_1835 : vector<16xi32>
      %reshape3A_1837 = vector.shape_cast %xor3A_1836 : vector<16xi32> to vector<16x1xi32>
      %gather3A_1838 = vector.shape_cast %reshape3A_1837 : vector<16x1xi32> to vector<16xi32>
      %gather3A_1839 = tpu.dynamic_gather %min3A_1833[%gather3A_1838] in [0] : vector<16xi32>, vector<16xi32> -> vector<16xi32>
      %min3A_1840 = arith.minsi %min3A_1833, %gather3A_1839 : vector<16xi32>
      %xor3A_1841 = arith.constant 4 : i32
      %xor3A_1842 = vector.broadcast %xor3A_1841 : i32 to vector<16xi32>
      %xor3A_1843 = arith.xori %iota3A, %xor3A_1842 : vector<16xi32>
      %reshape3A_1844 = vector.shape_cast %xor3A_1843 : vector<16xi32> to vector<16x1xi32>
      %gather3A_1845 = vector.shape_cast %reshape3A_1844 : vector<16x1xi32> to vector<16xi32>
      %gather3A_1846 = tpu.dynamic_gather %min3A_1840[%gather3A_1845] in [0] : vector<16xi32>, vector<16xi32> -> vector<16xi32>
      %min3A_1847 = arith.minsi %min3A_1840, %gather3A_1846 : vector<16xi32>
      %xor3A_1848 = arith.constant 8 : i32
      %xor3A_1849 = vector.broadcast %xor3A_1848 : i32 to vector<16xi32>
      %xor3A_1850 = arith.xori %iota3A, %xor3A_1849 : vector<16xi32>
      %reshape3A_1851 = vector.shape_cast %xor3A_1850 : vector<16xi32> to vector<16x1xi32>
      %gather3A_1852 = vector.shape_cast %reshape3A_1851 : vector<16x1xi32> to vector<16xi32>
      %gather3A_1853 = tpu.dynamic_gather %min3A_1847[%gather3A_1852] in [0] : vector<16xi32>, vector<16xi32> -> vector<16xi32>
      %min3A_1854 = arith.minsi %min3A_1847, %gather3A_1853 : vector<16xi32>
      %reshape3A_1855 = vector.shape_cast %select_n3A_1787 : vector<16xi32> to vector<16x1xi32>
      %gather3A_1856 = vector.shape_cast %reshape3A_1855 : vector<16x1xi32> to vector<16xi32>
      %gather3A_1857 = tpu.dynamic_gather %get3A_1796[%gather3A_1856] in [0] : vector<16xf32>, vector<16xi32> -> vector<16xf32>
      %sub3A_1858 = arith.subf %max3A_1824, %gather3A_1857 : vector<16xf32>
      %gt3A_1859 = arith.constant 0.699999988 : f32
      %gt3A_1860 = vector.broadcast %gt3A_1859 : f32 to vector<16xf32>
      %gt3A_1861 = arith.cmpf ogt, %sub3A_1858, %gt3A_1860 : vector<16xf32>
      %select_n3A_1862 = arith.select %gt3A_1861, %min3A_1854, %select_n3A_1787 : vector<16xi1>, vector<16xi32>
      %eq3A_1863 = arith.constant 8 : i32
      %eq3A_1864 = vector.broadcast %eq3A_1863 : i32 to vector<16xi32>
      %eq3A_1865 = arith.cmpi eq, %iota3A, %eq3A_1864 : vector<16xi32>
      %select_n3A_1866 = arith.select %eq3A_1865, %select_n3A_1862, %select_n3A_1791 : vector<16xi1>, vector<16xi32>
      %get3A_1867 = arith.constant 25 : i32
      %get3A_1868 = arith.index_cast %get3A_1867 : i32 to index
      %get3A_1869 = arith.constant 0 : index
      %get3A_1870 = tpu.vector_load %arg4[%get3A_1868, %get3A_1869] {strides = array<i32>} : memref<32x16xf32, #tpu.memory_space<vmem>>, vector<1x16xf32>,
      %get3A_1871 = vector.shape_cast %get3A_1870 : vector<1x16xf32> to vector<16xf32>
      %xor3A_1872 = arith.constant 1 : i32
      %xor3A_1873 = vector.broadcast %xor3A_1872 : i32 to vector<16xi32>
      %xor3A_1874 = arith.xori %iota3A, %xor3A_1873 : vector<16xi32>
      %reshape3A_1875 = vector.shape_cast %xor3A_1874 : vector<16xi32> to vector<16x1xi32>
      %gather3A_1876 = vector.shape_cast %reshape3A_1875 : vector<16x1xi32> to vector<16xi32>
      %gather3A_1877 = tpu.dynamic_gather %get3A_1871[%gather3A_1876] in [0] : vector<16xf32>, vector<16xi32> -> vector<16xf32>
      %max3A_1878 = arith.maximumf %get3A_1871, %gather3A_1877 : vector<16xf32>
      %xor3A_1879 = arith.constant 2 : i32
      %xor3A_1880 = vector.broadcast %xor3A_1879 : i32 to vector<16xi32>
      %xor3A_1881 = arith.xori %iota3A, %xor3A_1880 : vector<16xi32>
      %reshape3A_1882 = vector.shape_cast %xor3A_1881 : vector<16xi32> to vector<16x1xi32>
      %gather3A_1883 = vector.shape_cast %reshape3A_1882 : vector<16x1xi32> to vector<16xi32>
      %gather3A_1884 = tpu.dynamic_gather %max3A_1878[%gather3A_1883] in [0] : vector<16xf32>, vector<16xi32> -> vector<16xf32>
      %max3A_1885 = arith.maximumf %max3A_1878, %gather3A_1884 : vector<16xf32>
      %xor3A_1886 = arith.constant 4 : i32
      %xor3A_1887 = vector.broadcast %xor3A_1886 : i32 to vector<16xi32>
      %xor3A_1888 = arith.xori %iota3A, %xor3A_1887 : vector<16xi32>
      %reshape3A_1889 = vector.shape_cast %xor3A_1888 : vector<16xi32> to vector<16x1xi32>
      %gather3A_1890 = vector.shape_cast %reshape3A_1889 : vector<16x1xi32> to vector<16xi32>
      %gather3A_1891 = tpu.dynamic_gather %max3A_1885[%gather3A_1890] in [0] : vector<16xf32>, vector<16xi32> -> vector<16xf32>
      %max3A_1892 = arith.maximumf %max3A_1885, %gather3A_1891 : vector<16xf32>
      %xor3A_1893 = arith.constant 8 : i32
      %xor3A_1894 = vector.broadcast %xor3A_1893 : i32 to vector<16xi32>
      %xor3A_1895 = arith.xori %iota3A, %xor3A_1894 : vector<16xi32>
      %reshape3A_1896 = vector.shape_cast %xor3A_1895 : vector<16xi32> to vector<16x1xi32>
      %gather3A_1897 = vector.shape_cast %reshape3A_1896 : vector<16x1xi32> to vector<16xi32>
      %gather3A_1898 = tpu.dynamic_gather %max3A_1892[%gather3A_1897] in [0] : vector<16xf32>, vector<16xi32> -> vector<16xf32>
      %max3A_1899 = arith.maximumf %max3A_1892, %gather3A_1898 : vector<16xf32>
      %eq3A_1900 = arith.cmpf oeq, %get3A_1871, %max3A_1899 : vector<16xf32>
      %select_n3A_1901 = arith.select %eq3A_1900, %iota3A, %broadcast_in_dim3A_3 : vector<16xi1>, vector<16xi32>
      %xor3A_1902 = arith.constant 1 : i32
      %xor3A_1903 = vector.broadcast %xor3A_1902 : i32 to vector<16xi32>
      %xor3A_1904 = arith.xori %iota3A, %xor3A_1903 : vector<16xi32>
      %reshape3A_1905 = vector.shape_cast %xor3A_1904 : vector<16xi32> to vector<16x1xi32>
      %gather3A_1906 = vector.shape_cast %reshape3A_1905 : vector<16x1xi32> to vector<16xi32>
      %gather3A_1907 = tpu.dynamic_gather %select_n3A_1901[%gather3A_1906] in [0] : vector<16xi32>, vector<16xi32> -> vector<16xi32>
      %min3A_1908 = arith.minsi %select_n3A_1901, %gather3A_1907 : vector<16xi32>
      %xor3A_1909 = arith.constant 2 : i32
      %xor3A_1910 = vector.broadcast %xor3A_1909 : i32 to vector<16xi32>
      %xor3A_1911 = arith.xori %iota3A, %xor3A_1910 : vector<16xi32>
      %reshape3A_1912 = vector.shape_cast %xor3A_1911 : vector<16xi32> to vector<16x1xi32>
      %gather3A_1913 = vector.shape_cast %reshape3A_1912 : vector<16x1xi32> to vector<16xi32>
      %gather3A_1914 = tpu.dynamic_gather %min3A_1908[%gather3A_1913] in [0] : vector<16xi32>, vector<16xi32> -> vector<16xi32>
      %min3A_1915 = arith.minsi %min3A_1908, %gather3A_1914 : vector<16xi32>
      %xor3A_1916 = arith.constant 4 : i32
      %xor3A_1917 = vector.broadcast %xor3A_1916 : i32 to vector<16xi32>
      %xor3A_1918 = arith.xori %iota3A, %xor3A_1917 : vector<16xi32>
      %reshape3A_1919 = vector.shape_cast %xor3A_1918 : vector<16xi32> to vector<16x1xi32>
      %gather3A_1920 = vector.shape_cast %reshape3A_1919 : vector<16x1xi32> to vector<16xi32>
      %gather3A_1921 = tpu.dynamic_gather %min3A_1915[%gather3A_1920] in [0] : vector<16xi32>, vector<16xi32> -> vector<16xi32>
      %min3A_1922 = arith.minsi %min3A_1915, %gather3A_1921 : vector<16xi32>
      %xor3A_1923 = arith.constant 8 : i32
      %xor3A_1924 = vector.broadcast %xor3A_1923 : i32 to vector<16xi32>
      %xor3A_1925 = arith.xori %iota3A, %xor3A_1924 : vector<16xi32>
      %reshape3A_1926 = vector.shape_cast %xor3A_1925 : vector<16xi32> to vector<16x1xi32>
      %gather3A_1927 = vector.shape_cast %reshape3A_1926 : vector<16x1xi32> to vector<16xi32>
      %gather3A_1928 = tpu.dynamic_gather %min3A_1922[%gather3A_1927] in [0] : vector<16xi32>, vector<16xi32> -> vector<16xi32>
      %min3A_1929 = arith.minsi %min3A_1922, %gather3A_1928 : vector<16xi32>
      %reshape3A_1930 = vector.shape_cast %select_n3A_1862 : vector<16xi32> to vector<16x1xi32>
      %gather3A_1931 = vector.shape_cast %reshape3A_1930 : vector<16x1xi32> to vector<16xi32>
      %gather3A_1932 = tpu.dynamic_gather %get3A_1871[%gather3A_1931] in [0] : vector<16xf32>, vector<16xi32> -> vector<16xf32>
      %sub3A_1933 = arith.subf %max3A_1899, %gather3A_1932 : vector<16xf32>
      %gt3A_1934 = arith.constant 0.699999988 : f32
      %gt3A_1935 = vector.broadcast %gt3A_1934 : f32 to vector<16xf32>
      %gt3A_1936 = arith.cmpf ogt, %sub3A_1933, %gt3A_1935 : vector<16xf32>
      %select_n3A_1937 = arith.select %gt3A_1936, %min3A_1929, %select_n3A_1862 : vector<16xi1>, vector<16xi32>
      %eq3A_1938 = arith.constant 9 : i32
      %eq3A_1939 = vector.broadcast %eq3A_1938 : i32 to vector<16xi32>
      %eq3A_1940 = arith.cmpi eq, %iota3A, %eq3A_1939 : vector<16xi32>
      %select_n3A_1941 = arith.select %eq3A_1940, %select_n3A_1937, %select_n3A_1866 : vector<16xi1>, vector<16xi32>
      %get3A_1942 = arith.constant 26 : i32
      %get3A_1943 = arith.index_cast %get3A_1942 : i32 to index
      %get3A_1944 = arith.constant 0 : index
      %get3A_1945 = tpu.vector_load %arg4[%get3A_1943, %get3A_1944] {strides = array<i32>} : memref<32x16xf32, #tpu.memory_space<vmem>>, vector<1x16xf32>,
      %get3A_1946 = vector.shape_cast %get3A_1945 : vector<1x16xf32> to vector<16xf32>
      %xor3A_1947 = arith.constant 1 : i32
      %xor3A_1948 = vector.broadcast %xor3A_1947 : i32 to vector<16xi32>
      %xor3A_1949 = arith.xori %iota3A, %xor3A_1948 : vector<16xi32>
      %reshape3A_1950 = vector.shape_cast %xor3A_1949 : vector<16xi32> to vector<16x1xi32>
      %gather3A_1951 = vector.shape_cast %reshape3A_1950 : vector<16x1xi32> to vector<16xi32>
      %gather3A_1952 = tpu.dynamic_gather %get3A_1946[%gather3A_1951] in [0] : vector<16xf32>, vector<16xi32> -> vector<16xf32>
      %max3A_1953 = arith.maximumf %get3A_1946, %gather3A_1952 : vector<16xf32>
      %xor3A_1954 = arith.constant 2 : i32
      %xor3A_1955 = vector.broadcast %xor3A_1954 : i32 to vector<16xi32>
      %xor3A_1956 = arith.xori %iota3A, %xor3A_1955 : vector<16xi32>
      %reshape3A_1957 = vector.shape_cast %xor3A_1956 : vector<16xi32> to vector<16x1xi32>
      %gather3A_1958 = vector.shape_cast %reshape3A_1957 : vector<16x1xi32> to vector<16xi32>
      %gather3A_1959 = tpu.dynamic_gather %max3A_1953[%gather3A_1958] in [0] : vector<16xf32>, vector<16xi32> -> vector<16xf32>
      %max3A_1960 = arith.maximumf %max3A_1953, %gather3A_1959 : vector<16xf32>
      %xor3A_1961 = arith.constant 4 : i32
      %xor3A_1962 = vector.broadcast %xor3A_1961 : i32 to vector<16xi32>
      %xor3A_1963 = arith.xori %iota3A, %xor3A_1962 : vector<16xi32>
      %reshape3A_1964 = vector.shape_cast %xor3A_1963 : vector<16xi32> to vector<16x1xi32>
      %gather3A_1965 = vector.shape_cast %reshape3A_1964 : vector<16x1xi32> to vector<16xi32>
      %gather3A_1966 = tpu.dynamic_gather %max3A_1960[%gather3A_1965] in [0] : vector<16xf32>, vector<16xi32> -> vector<16xf32>
      %max3A_1967 = arith.maximumf %max3A_1960, %gather3A_1966 : vector<16xf32>
      %xor3A_1968 = arith.constant 8 : i32
      %xor3A_1969 = vector.broadcast %xor3A_1968 : i32 to vector<16xi32>
      %xor3A_1970 = arith.xori %iota3A, %xor3A_1969 : vector<16xi32>
      %reshape3A_1971 = vector.shape_cast %xor3A_1970 : vector<16xi32> to vector<16x1xi32>
      %gather3A_1972 = vector.shape_cast %reshape3A_1971 : vector<16x1xi32> to vector<16xi32>
      %gather3A_1973 = tpu.dynamic_gather %max3A_1967[%gather3A_1972] in [0] : vector<16xf32>, vector<16xi32> -> vector<16xf32>
      %max3A_1974 = arith.maximumf %max3A_1967, %gather3A_1973 : vector<16xf32>
      %eq3A_1975 = arith.cmpf oeq, %get3A_1946, %max3A_1974 : vector<16xf32>
      %select_n3A_1976 = arith.select %eq3A_1975, %iota3A, %broadcast_in_dim3A_3 : vector<16xi1>, vector<16xi32>
      %xor3A_1977 = arith.constant 1 : i32
      %xor3A_1978 = vector.broadcast %xor3A_1977 : i32 to vector<16xi32>
      %xor3A_1979 = arith.xori %iota3A, %xor3A_1978 : vector<16xi32>
      %reshape3A_1980 = vector.shape_cast %xor3A_1979 : vector<16xi32> to vector<16x1xi32>
      %gather3A_1981 = vector.shape_cast %reshape3A_1980 : vector<16x1xi32> to vector<16xi32>
      %gather3A_1982 = tpu.dynamic_gather %select_n3A_1976[%gather3A_1981] in [0] : vector<16xi32>, vector<16xi32> -> vector<16xi32>
      %min3A_1983 = arith.minsi %select_n3A_1976, %gather3A_1982 : vector<16xi32>
      %xor3A_1984 = arith.constant 2 : i32
      %xor3A_1985 = vector.broadcast %xor3A_1984 : i32 to vector<16xi32>
      %xor3A_1986 = arith.xori %iota3A, %xor3A_1985 : vector<16xi32>
      %reshape3A_1987 = vector.shape_cast %xor3A_1986 : vector<16xi32> to vector<16x1xi32>
      %gather3A_1988 = vector.shape_cast %reshape3A_1987 : vector<16x1xi32> to vector<16xi32>
      %gather3A_1989 = tpu.dynamic_gather %min3A_1983[%gather3A_1988] in [0] : vector<16xi32>, vector<16xi32> -> vector<16xi32>
      %min3A_1990 = arith.minsi %min3A_1983, %gather3A_1989 : vector<16xi32>
      %xor3A_1991 = arith.constant 4 : i32
      %xor3A_1992 = vector.broadcast %xor3A_1991 : i32 to vector<16xi32>
      %xor3A_1993 = arith.xori %iota3A, %xor3A_1992 : vector<16xi32>
      %reshape3A_1994 = vector.shape_cast %xor3A_1993 : vector<16xi32> to vector<16x1xi32>
      %gather3A_1995 = vector.shape_cast %reshape3A_1994 : vector<16x1xi32> to vector<16xi32>
      %gather3A_1996 = tpu.dynamic_gather %min3A_1990[%gather3A_1995] in [0] : vector<16xi32>, vector<16xi32> -> vector<16xi32>
      %min3A_1997 = arith.minsi %min3A_1990, %gather3A_1996 : vector<16xi32>
      %xor3A_1998 = arith.constant 8 : i32
      %xor3A_1999 = vector.broadcast %xor3A_1998 : i32 to vector<16xi32>
      %xor3A_2000 = arith.xori %iota3A, %xor3A_1999 : vector<16xi32>
      %reshape3A_2001 = vector.shape_cast %xor3A_2000 : vector<16xi32> to vector<16x1xi32>
      %gather3A_2002 = vector.shape_cast %reshape3A_2001 : vector<16x1xi32> to vector<16xi32>
      %gather3A_2003 = tpu.dynamic_gather %min3A_1997[%gather3A_2002] in [0] : vector<16xi32>, vector<16xi32> -> vector<16xi32>
      %min3A_2004 = arith.minsi %min3A_1997, %gather3A_2003 : vector<16xi32>
      %reshape3A_2005 = vector.shape_cast %select_n3A_1937 : vector<16xi32> to vector<16x1xi32>
      %gather3A_2006 = vector.shape_cast %reshape3A_2005 : vector<16x1xi32> to vector<16xi32>
      %gather3A_2007 = tpu.dynamic_gather %get3A_1946[%gather3A_2006] in [0] : vector<16xf32>, vector<16xi32> -> vector<16xf32>
      %sub3A_2008 = arith.subf %max3A_1974, %gather3A_2007 : vector<16xf32>
      %gt3A_2009 = arith.constant 0.699999988 : f32
      %gt3A_2010 = vector.broadcast %gt3A_2009 : f32 to vector<16xf32>
      %gt3A_2011 = arith.cmpf ogt, %sub3A_2008, %gt3A_2010 : vector<16xf32>
      %select_n3A_2012 = arith.select %gt3A_2011, %min3A_2004, %select_n3A_1937 : vector<16xi1>, vector<16xi32>
      %eq3A_2013 = arith.constant 10 : i32
      %eq3A_2014 = vector.broadcast %eq3A_2013 : i32 to vector<16xi32>
      %eq3A_2015 = arith.cmpi eq, %iota3A, %eq3A_2014 : vector<16xi32>
      %select_n3A_2016 = arith.select %eq3A_2015, %select_n3A_2012, %select_n3A_1941 : vector<16xi1>, vector<16xi32>
      %get3A_2017 = arith.constant 27 : i32
      %get3A_2018 = arith.index_cast %get3A_2017 : i32 to index
      %get3A_2019 = arith.constant 0 : index
      %get3A_2020 = tpu.vector_load %arg4[%get3A_2018, %get3A_2019] {strides = array<i32>} : memref<32x16xf32, #tpu.memory_space<vmem>>, vector<1x16xf32>,
      %get3A_2021 = vector.shape_cast %get3A_2020 : vector<1x16xf32> to vector<16xf32>
      %xor3A_2022 = arith.constant 1 : i32
      %xor3A_2023 = vector.broadcast %xor3A_2022 : i32 to vector<16xi32>
      %xor3A_2024 = arith.xori %iota3A, %xor3A_2023 : vector<16xi32>
      %reshape3A_2025 = vector.shape_cast %xor3A_2024 : vector<16xi32> to vector<16x1xi32>
      %gather3A_2026 = vector.shape_cast %reshape3A_2025 : vector<16x1xi32> to vector<16xi32>
      %gather3A_2027 = tpu.dynamic_gather %get3A_2021[%gather3A_2026] in [0] : vector<16xf32>, vector<16xi32> -> vector<16xf32>
      %max3A_2028 = arith.maximumf %get3A_2021, %gather3A_2027 : vector<16xf32>
      %xor3A_2029 = arith.constant 2 : i32
      %xor3A_2030 = vector.broadcast %xor3A_2029 : i32 to vector<16xi32>
      %xor3A_2031 = arith.xori %iota3A, %xor3A_2030 : vector<16xi32>
      %reshape3A_2032 = vector.shape_cast %xor3A_2031 : vector<16xi32> to vector<16x1xi32>
      %gather3A_2033 = vector.shape_cast %reshape3A_2032 : vector<16x1xi32> to vector<16xi32>
      %gather3A_2034 = tpu.dynamic_gather %max3A_2028[%gather3A_2033] in [0] : vector<16xf32>, vector<16xi32> -> vector<16xf32>
      %max3A_2035 = arith.maximumf %max3A_2028, %gather3A_2034 : vector<16xf32>
      %xor3A_2036 = arith.constant 4 : i32
      %xor3A_2037 = vector.broadcast %xor3A_2036 : i32 to vector<16xi32>
      %xor3A_2038 = arith.xori %iota3A, %xor3A_2037 : vector<16xi32>
      %reshape3A_2039 = vector.shape_cast %xor3A_2038 : vector<16xi32> to vector<16x1xi32>
      %gather3A_2040 = vector.shape_cast %reshape3A_2039 : vector<16x1xi32> to vector<16xi32>
      %gather3A_2041 = tpu.dynamic_gather %max3A_2035[%gather3A_2040] in [0] : vector<16xf32>, vector<16xi32> -> vector<16xf32>
      %max3A_2042 = arith.maximumf %max3A_2035, %gather3A_2041 : vector<16xf32>
      %xor3A_2043 = arith.constant 8 : i32
      %xor3A_2044 = vector.broadcast %xor3A_2043 : i32 to vector<16xi32>
      %xor3A_2045 = arith.xori %iota3A, %xor3A_2044 : vector<16xi32>
      %reshape3A_2046 = vector.shape_cast %xor3A_2045 : vector<16xi32> to vector<16x1xi32>
      %gather3A_2047 = vector.shape_cast %reshape3A_2046 : vector<16x1xi32> to vector<16xi32>
      %gather3A_2048 = tpu.dynamic_gather %max3A_2042[%gather3A_2047] in [0] : vector<16xf32>, vector<16xi32> -> vector<16xf32>
      %max3A_2049 = arith.maximumf %max3A_2042, %gather3A_2048 : vector<16xf32>
      %eq3A_2050 = arith.cmpf oeq, %get3A_2021, %max3A_2049 : vector<16xf32>
      %select_n3A_2051 = arith.select %eq3A_2050, %iota3A, %broadcast_in_dim3A_3 : vector<16xi1>, vector<16xi32>
      %xor3A_2052 = arith.constant 1 : i32
      %xor3A_2053 = vector.broadcast %xor3A_2052 : i32 to vector<16xi32>
      %xor3A_2054 = arith.xori %iota3A, %xor3A_2053 : vector<16xi32>
      %reshape3A_2055 = vector.shape_cast %xor3A_2054 : vector<16xi32> to vector<16x1xi32>
      %gather3A_2056 = vector.shape_cast %reshape3A_2055 : vector<16x1xi32> to vector<16xi32>
      %gather3A_2057 = tpu.dynamic_gather %select_n3A_2051[%gather3A_2056] in [0] : vector<16xi32>, vector<16xi32> -> vector<16xi32>
      %min3A_2058 = arith.minsi %select_n3A_2051, %gather3A_2057 : vector<16xi32>
      %xor3A_2059 = arith.constant 2 : i32
      %xor3A_2060 = vector.broadcast %xor3A_2059 : i32 to vector<16xi32>
      %xor3A_2061 = arith.xori %iota3A, %xor3A_2060 : vector<16xi32>
      %reshape3A_2062 = vector.shape_cast %xor3A_2061 : vector<16xi32> to vector<16x1xi32>
      %gather3A_2063 = vector.shape_cast %reshape3A_2062 : vector<16x1xi32> to vector<16xi32>
      %gather3A_2064 = tpu.dynamic_gather %min3A_2058[%gather3A_2063] in [0] : vector<16xi32>, vector<16xi32> -> vector<16xi32>
      %min3A_2065 = arith.minsi %min3A_2058, %gather3A_2064 : vector<16xi32>
      %xor3A_2066 = arith.constant 4 : i32
      %xor3A_2067 = vector.broadcast %xor3A_2066 : i32 to vector<16xi32>
      %xor3A_2068 = arith.xori %iota3A, %xor3A_2067 : vector<16xi32>
      %reshape3A_2069 = vector.shape_cast %xor3A_2068 : vector<16xi32> to vector<16x1xi32>
      %gather3A_2070 = vector.shape_cast %reshape3A_2069 : vector<16x1xi32> to vector<16xi32>
      %gather3A_2071 = tpu.dynamic_gather %min3A_2065[%gather3A_2070] in [0] : vector<16xi32>, vector<16xi32> -> vector<16xi32>
      %min3A_2072 = arith.minsi %min3A_2065, %gather3A_2071 : vector<16xi32>
      %xor3A_2073 = arith.constant 8 : i32
      %xor3A_2074 = vector.broadcast %xor3A_2073 : i32 to vector<16xi32>
      %xor3A_2075 = arith.xori %iota3A, %xor3A_2074 : vector<16xi32>
      %reshape3A_2076 = vector.shape_cast %xor3A_2075 : vector<16xi32> to vector<16x1xi32>
      %gather3A_2077 = vector.shape_cast %reshape3A_2076 : vector<16x1xi32> to vector<16xi32>
      %gather3A_2078 = tpu.dynamic_gather %min3A_2072[%gather3A_2077] in [0] : vector<16xi32>, vector<16xi32> -> vector<16xi32>
      %min3A_2079 = arith.minsi %min3A_2072, %gather3A_2078 : vector<16xi32>
      %reshape3A_2080 = vector.shape_cast %select_n3A_2012 : vector<16xi32> to vector<16x1xi32>
      %gather3A_2081 = vector.shape_cast %reshape3A_2080 : vector<16x1xi32> to vector<16xi32>
      %gather3A_2082 = tpu.dynamic_gather %get3A_2021[%gather3A_2081] in [0] : vector<16xf32>, vector<16xi32> -> vector<16xf32>
      %sub3A_2083 = arith.subf %max3A_2049, %gather3A_2082 : vector<16xf32>
      %gt3A_2084 = arith.constant 0.699999988 : f32
      %gt3A_2085 = vector.broadcast %gt3A_2084 : f32 to vector<16xf32>
      %gt3A_2086 = arith.cmpf ogt, %sub3A_2083, %gt3A_2085 : vector<16xf32>
      %select_n3A_2087 = arith.select %gt3A_2086, %min3A_2079, %select_n3A_2012 : vector<16xi1>, vector<16xi32>
      %eq3A_2088 = arith.constant 11 : i32
      %eq3A_2089 = vector.broadcast %eq3A_2088 : i32 to vector<16xi32>
      %eq3A_2090 = arith.cmpi eq, %iota3A, %eq3A_2089 : vector<16xi32>
      %select_n3A_2091 = arith.select %eq3A_2090, %select_n3A_2087, %select_n3A_2016 : vector<16xi1>, vector<16xi32>
      %get3A_2092 = arith.constant 28 : i32
      %get3A_2093 = arith.index_cast %get3A_2092 : i32 to index
      %get3A_2094 = arith.constant 0 : index
      %get3A_2095 = tpu.vector_load %arg4[%get3A_2093, %get3A_2094] {strides = array<i32>} : memref<32x16xf32, #tpu.memory_space<vmem>>, vector<1x16xf32>,
      %get3A_2096 = vector.shape_cast %get3A_2095 : vector<1x16xf32> to vector<16xf32>
      %xor3A_2097 = arith.constant 1 : i32
      %xor3A_2098 = vector.broadcast %xor3A_2097 : i32 to vector<16xi32>
      %xor3A_2099 = arith.xori %iota3A, %xor3A_2098 : vector<16xi32>
      %reshape3A_2100 = vector.shape_cast %xor3A_2099 : vector<16xi32> to vector<16x1xi32>
      %gather3A_2101 = vector.shape_cast %reshape3A_2100 : vector<16x1xi32> to vector<16xi32>
      %gather3A_2102 = tpu.dynamic_gather %get3A_2096[%gather3A_2101] in [0] : vector<16xf32>, vector<16xi32> -> vector<16xf32>
      %max3A_2103 = arith.maximumf %get3A_2096, %gather3A_2102 : vector<16xf32>
      %xor3A_2104 = arith.constant 2 : i32
      %xor3A_2105 = vector.broadcast %xor3A_2104 : i32 to vector<16xi32>
      %xor3A_2106 = arith.xori %iota3A, %xor3A_2105 : vector<16xi32>
      %reshape3A_2107 = vector.shape_cast %xor3A_2106 : vector<16xi32> to vector<16x1xi32>
      %gather3A_2108 = vector.shape_cast %reshape3A_2107 : vector<16x1xi32> to vector<16xi32>
      %gather3A_2109 = tpu.dynamic_gather %max3A_2103[%gather3A_2108] in [0] : vector<16xf32>, vector<16xi32> -> vector<16xf32>
      %max3A_2110 = arith.maximumf %max3A_2103, %gather3A_2109 : vector<16xf32>
      %xor3A_2111 = arith.constant 4 : i32
      %xor3A_2112 = vector.broadcast %xor3A_2111 : i32 to vector<16xi32>
      %xor3A_2113 = arith.xori %iota3A, %xor3A_2112 : vector<16xi32>
      %reshape3A_2114 = vector.shape_cast %xor3A_2113 : vector<16xi32> to vector<16x1xi32>
      %gather3A_2115 = vector.shape_cast %reshape3A_2114 : vector<16x1xi32> to vector<16xi32>
      %gather3A_2116 = tpu.dynamic_gather %max3A_2110[%gather3A_2115] in [0] : vector<16xf32>, vector<16xi32> -> vector<16xf32>
      %max3A_2117 = arith.maximumf %max3A_2110, %gather3A_2116 : vector<16xf32>
      %xor3A_2118 = arith.constant 8 : i32
      %xor3A_2119 = vector.broadcast %xor3A_2118 : i32 to vector<16xi32>
      %xor3A_2120 = arith.xori %iota3A, %xor3A_2119 : vector<16xi32>
      %reshape3A_2121 = vector.shape_cast %xor3A_2120 : vector<16xi32> to vector<16x1xi32>
      %gather3A_2122 = vector.shape_cast %reshape3A_2121 : vector<16x1xi32> to vector<16xi32>
      %gather3A_2123 = tpu.dynamic_gather %max3A_2117[%gather3A_2122] in [0] : vector<16xf32>, vector<16xi32> -> vector<16xf32>
      %max3A_2124 = arith.maximumf %max3A_2117, %gather3A_2123 : vector<16xf32>
      %eq3A_2125 = arith.cmpf oeq, %get3A_2096, %max3A_2124 : vector<16xf32>
      %select_n3A_2126 = arith.select %eq3A_2125, %iota3A, %broadcast_in_dim3A_3 : vector<16xi1>, vector<16xi32>
      %xor3A_2127 = arith.constant 1 : i32
      %xor3A_2128 = vector.broadcast %xor3A_2127 : i32 to vector<16xi32>
      %xor3A_2129 = arith.xori %iota3A, %xor3A_2128 : vector<16xi32>
      %reshape3A_2130 = vector.shape_cast %xor3A_2129 : vector<16xi32> to vector<16x1xi32>
      %gather3A_2131 = vector.shape_cast %reshape3A_2130 : vector<16x1xi32> to vector<16xi32>
      %gather3A_2132 = tpu.dynamic_gather %select_n3A_2126[%gather3A_2131] in [0] : vector<16xi32>, vector<16xi32> -> vector<16xi32>
      %min3A_2133 = arith.minsi %select_n3A_2126, %gather3A_2132 : vector<16xi32>
      %xor3A_2134 = arith.constant 2 : i32
      %xor3A_2135 = vector.broadcast %xor3A_2134 : i32 to vector<16xi32>
      %xor3A_2136 = arith.xori %iota3A, %xor3A_2135 : vector<16xi32>
      %reshape3A_2137 = vector.shape_cast %xor3A_2136 : vector<16xi32> to vector<16x1xi32>
      %gather3A_2138 = vector.shape_cast %reshape3A_2137 : vector<16x1xi32> to vector<16xi32>
      %gather3A_2139 = tpu.dynamic_gather %min3A_2133[%gather3A_2138] in [0] : vector<16xi32>, vector<16xi32> -> vector<16xi32>
      %min3A_2140 = arith.minsi %min3A_2133, %gather3A_2139 : vector<16xi32>
      %xor3A_2141 = arith.constant 4 : i32
      %xor3A_2142 = vector.broadcast %xor3A_2141 : i32 to vector<16xi32>
      %xor3A_2143 = arith.xori %iota3A, %xor3A_2142 : vector<16xi32>
      %reshape3A_2144 = vector.shape_cast %xor3A_2143 : vector<16xi32> to vector<16x1xi32>
      %gather3A_2145 = vector.shape_cast %reshape3A_2144 : vector<16x1xi32> to vector<16xi32>
      %gather3A_2146 = tpu.dynamic_gather %min3A_2140[%gather3A_2145] in [0] : vector<16xi32>, vector<16xi32> -> vector<16xi32>
      %min3A_2147 = arith.minsi %min3A_2140, %gather3A_2146 : vector<16xi32>
      %xor3A_2148 = arith.constant 8 : i32
      %xor3A_2149 = vector.broadcast %xor3A_2148 : i32 to vector<16xi32>
      %xor3A_2150 = arith.xori %iota3A, %xor3A_2149 : vector<16xi32>
      %reshape3A_2151 = vector.shape_cast %xor3A_2150 : vector<16xi32> to vector<16x1xi32>
      %gather3A_2152 = vector.shape_cast %reshape3A_2151 : vector<16x1xi32> to vector<16xi32>
      %gather3A_2153 = tpu.dynamic_gather %min3A_2147[%gather3A_2152] in [0] : vector<16xi32>, vector<16xi32> -> vector<16xi32>
      %min3A_2154 = arith.minsi %min3A_2147, %gather3A_2153 : vector<16xi32>
      %reshape3A_2155 = vector.shape_cast %select_n3A_2087 : vector<16xi32> to vector<16x1xi32>
      %gather3A_2156 = vector.shape_cast %reshape3A_2155 : vector<16x1xi32> to vector<16xi32>
      %gather3A_2157 = tpu.dynamic_gather %get3A_2096[%gather3A_2156] in [0] : vector<16xf32>, vector<16xi32> -> vector<16xf32>
      %sub3A_2158 = arith.subf %max3A_2124, %gather3A_2157 : vector<16xf32>
      %gt3A_2159 = arith.constant 0.699999988 : f32
      %gt3A_2160 = vector.broadcast %gt3A_2159 : f32 to vector<16xf32>
      %gt3A_2161 = arith.cmpf ogt, %sub3A_2158, %gt3A_2160 : vector<16xf32>
      %select_n3A_2162 = arith.select %gt3A_2161, %min3A_2154, %select_n3A_2087 : vector<16xi1>, vector<16xi32>
      %eq3A_2163 = arith.constant 12 : i32
      %eq3A_2164 = vector.broadcast %eq3A_2163 : i32 to vector<16xi32>
      %eq3A_2165 = arith.cmpi eq, %iota3A, %eq3A_2164 : vector<16xi32>
      %select_n3A_2166 = arith.select %eq3A_2165, %select_n3A_2162, %select_n3A_2091 : vector<16xi1>, vector<16xi32>
      %get3A_2167 = arith.constant 29 : i32
      %get3A_2168 = arith.index_cast %get3A_2167 : i32 to index
      %get3A_2169 = arith.constant 0 : index
      %get3A_2170 = tpu.vector_load %arg4[%get3A_2168, %get3A_2169] {strides = array<i32>} : memref<32x16xf32, #tpu.memory_space<vmem>>, vector<1x16xf32>,
      %get3A_2171 = vector.shape_cast %get3A_2170 : vector<1x16xf32> to vector<16xf32>
      %xor3A_2172 = arith.constant 1 : i32
      %xor3A_2173 = vector.broadcast %xor3A_2172 : i32 to vector<16xi32>
      %xor3A_2174 = arith.xori %iota3A, %xor3A_2173 : vector<16xi32>
      %reshape3A_2175 = vector.shape_cast %xor3A_2174 : vector<16xi32> to vector<16x1xi32>
      %gather3A_2176 = vector.shape_cast %reshape3A_2175 : vector<16x1xi32> to vector<16xi32>
      %gather3A_2177 = tpu.dynamic_gather %get3A_2171[%gather3A_2176] in [0] : vector<16xf32>, vector<16xi32> -> vector<16xf32>
      %max3A_2178 = arith.maximumf %get3A_2171, %gather3A_2177 : vector<16xf32>
      %xor3A_2179 = arith.constant 2 : i32
      %xor3A_2180 = vector.broadcast %xor3A_2179 : i32 to vector<16xi32>
      %xor3A_2181 = arith.xori %iota3A, %xor3A_2180 : vector<16xi32>
      %reshape3A_2182 = vector.shape_cast %xor3A_2181 : vector<16xi32> to vector<16x1xi32>
      %gather3A_2183 = vector.shape_cast %reshape3A_2182 : vector<16x1xi32> to vector<16xi32>
      %gather3A_2184 = tpu.dynamic_gather %max3A_2178[%gather3A_2183] in [0] : vector<16xf32>, vector<16xi32> -> vector<16xf32>
      %max3A_2185 = arith.maximumf %max3A_2178, %gather3A_2184 : vector<16xf32>
      %xor3A_2186 = arith.constant 4 : i32
      %xor3A_2187 = vector.broadcast %xor3A_2186 : i32 to vector<16xi32>
      %xor3A_2188 = arith.xori %iota3A, %xor3A_2187 : vector<16xi32>
      %reshape3A_2189 = vector.shape_cast %xor3A_2188 : vector<16xi32> to vector<16x1xi32>
      %gather3A_2190 = vector.shape_cast %reshape3A_2189 : vector<16x1xi32> to vector<16xi32>
      %gather3A_2191 = tpu.dynamic_gather %max3A_2185[%gather3A_2190] in [0] : vector<16xf32>, vector<16xi32> -> vector<16xf32>
      %max3A_2192 = arith.maximumf %max3A_2185, %gather3A_2191 : vector<16xf32>
      %xor3A_2193 = arith.constant 8 : i32
      %xor3A_2194 = vector.broadcast %xor3A_2193 : i32 to vector<16xi32>
      %xor3A_2195 = arith.xori %iota3A, %xor3A_2194 : vector<16xi32>
      %reshape3A_2196 = vector.shape_cast %xor3A_2195 : vector<16xi32> to vector<16x1xi32>
      %gather3A_2197 = vector.shape_cast %reshape3A_2196 : vector<16x1xi32> to vector<16xi32>
      %gather3A_2198 = tpu.dynamic_gather %max3A_2192[%gather3A_2197] in [0] : vector<16xf32>, vector<16xi32> -> vector<16xf32>
      %max3A_2199 = arith.maximumf %max3A_2192, %gather3A_2198 : vector<16xf32>
      %eq3A_2200 = arith.cmpf oeq, %get3A_2171, %max3A_2199 : vector<16xf32>
      %select_n3A_2201 = arith.select %eq3A_2200, %iota3A, %broadcast_in_dim3A_3 : vector<16xi1>, vector<16xi32>
      %xor3A_2202 = arith.constant 1 : i32
      %xor3A_2203 = vector.broadcast %xor3A_2202 : i32 to vector<16xi32>
      %xor3A_2204 = arith.xori %iota3A, %xor3A_2203 : vector<16xi32>
      %reshape3A_2205 = vector.shape_cast %xor3A_2204 : vector<16xi32> to vector<16x1xi32>
      %gather3A_2206 = vector.shape_cast %reshape3A_2205 : vector<16x1xi32> to vector<16xi32>
      %gather3A_2207 = tpu.dynamic_gather %select_n3A_2201[%gather3A_2206] in [0] : vector<16xi32>, vector<16xi32> -> vector<16xi32>
      %min3A_2208 = arith.minsi %select_n3A_2201, %gather3A_2207 : vector<16xi32>
      %xor3A_2209 = arith.constant 2 : i32
      %xor3A_2210 = vector.broadcast %xor3A_2209 : i32 to vector<16xi32>
      %xor3A_2211 = arith.xori %iota3A, %xor3A_2210 : vector<16xi32>
      %reshape3A_2212 = vector.shape_cast %xor3A_2211 : vector<16xi32> to vector<16x1xi32>
      %gather3A_2213 = vector.shape_cast %reshape3A_2212 : vector<16x1xi32> to vector<16xi32>
      %gather3A_2214 = tpu.dynamic_gather %min3A_2208[%gather3A_2213] in [0] : vector<16xi32>, vector<16xi32> -> vector<16xi32>
      %min3A_2215 = arith.minsi %min3A_2208, %gather3A_2214 : vector<16xi32>
      %xor3A_2216 = arith.constant 4 : i32
      %xor3A_2217 = vector.broadcast %xor3A_2216 : i32 to vector<16xi32>
      %xor3A_2218 = arith.xori %iota3A, %xor3A_2217 : vector<16xi32>
      %reshape3A_2219 = vector.shape_cast %xor3A_2218 : vector<16xi32> to vector<16x1xi32>
      %gather3A_2220 = vector.shape_cast %reshape3A_2219 : vector<16x1xi32> to vector<16xi32>
      %gather3A_2221 = tpu.dynamic_gather %min3A_2215[%gather3A_2220] in [0] : vector<16xi32>, vector<16xi32> -> vector<16xi32>
      %min3A_2222 = arith.minsi %min3A_2215, %gather3A_2221 : vector<16xi32>
      %xor3A_2223 = arith.constant 8 : i32
      %xor3A_2224 = vector.broadcast %xor3A_2223 : i32 to vector<16xi32>
      %xor3A_2225 = arith.xori %iota3A, %xor3A_2224 : vector<16xi32>
      %reshape3A_2226 = vector.shape_cast %xor3A_2225 : vector<16xi32> to vector<16x1xi32>
      %gather3A_2227 = vector.shape_cast %reshape3A_2226 : vector<16x1xi32> to vector<16xi32>
      %gather3A_2228 = tpu.dynamic_gather %min3A_2222[%gather3A_2227] in [0] : vector<16xi32>, vector<16xi32> -> vector<16xi32>
      %min3A_2229 = arith.minsi %min3A_2222, %gather3A_2228 : vector<16xi32>
      %reshape3A_2230 = vector.shape_cast %select_n3A_2162 : vector<16xi32> to vector<16x1xi32>
      %gather3A_2231 = vector.shape_cast %reshape3A_2230 : vector<16x1xi32> to vector<16xi32>
      %gather3A_2232 = tpu.dynamic_gather %get3A_2171[%gather3A_2231] in [0] : vector<16xf32>, vector<16xi32> -> vector<16xf32>
      %sub3A_2233 = arith.subf %max3A_2199, %gather3A_2232 : vector<16xf32>
      %gt3A_2234 = arith.constant 0.699999988 : f32
      %gt3A_2235 = vector.broadcast %gt3A_2234 : f32 to vector<16xf32>
      %gt3A_2236 = arith.cmpf ogt, %sub3A_2233, %gt3A_2235 : vector<16xf32>
      %select_n3A_2237 = arith.select %gt3A_2236, %min3A_2229, %select_n3A_2162 : vector<16xi1>, vector<16xi32>
      %eq3A_2238 = arith.constant 13 : i32
      %eq3A_2239 = vector.broadcast %eq3A_2238 : i32 to vector<16xi32>
      %eq3A_2240 = arith.cmpi eq, %iota3A, %eq3A_2239 : vector<16xi32>
      %select_n3A_2241 = arith.select %eq3A_2240, %select_n3A_2237, %select_n3A_2166 : vector<16xi1>, vector<16xi32>
      %get3A_2242 = arith.constant 30 : i32
      %get3A_2243 = arith.index_cast %get3A_2242 : i32 to index
      %get3A_2244 = arith.constant 0 : index
      %get3A_2245 = tpu.vector_load %arg4[%get3A_2243, %get3A_2244] {strides = array<i32>} : memref<32x16xf32, #tpu.memory_space<vmem>>, vector<1x16xf32>,
      %get3A_2246 = vector.shape_cast %get3A_2245 : vector<1x16xf32> to vector<16xf32>
      %xor3A_2247 = arith.constant 1 : i32
      %xor3A_2248 = vector.broadcast %xor3A_2247 : i32 to vector<16xi32>
      %xor3A_2249 = arith.xori %iota3A, %xor3A_2248 : vector<16xi32>
      %reshape3A_2250 = vector.shape_cast %xor3A_2249 : vector<16xi32> to vector<16x1xi32>
      %gather3A_2251 = vector.shape_cast %reshape3A_2250 : vector<16x1xi32> to vector<16xi32>
      %gather3A_2252 = tpu.dynamic_gather %get3A_2246[%gather3A_2251] in [0] : vector<16xf32>, vector<16xi32> -> vector<16xf32>
      %max3A_2253 = arith.maximumf %get3A_2246, %gather3A_2252 : vector<16xf32>
      %xor3A_2254 = arith.constant 2 : i32
      %xor3A_2255 = vector.broadcast %xor3A_2254 : i32 to vector<16xi32>
      %xor3A_2256 = arith.xori %iota3A, %xor3A_2255 : vector<16xi32>
      %reshape3A_2257 = vector.shape_cast %xor3A_2256 : vector<16xi32> to vector<16x1xi32>
      %gather3A_2258 = vector.shape_cast %reshape3A_2257 : vector<16x1xi32> to vector<16xi32>
      %gather3A_2259 = tpu.dynamic_gather %max3A_2253[%gather3A_2258] in [0] : vector<16xf32>, vector<16xi32> -> vector<16xf32>
      %max3A_2260 = arith.maximumf %max3A_2253, %gather3A_2259 : vector<16xf32>
      %xor3A_2261 = arith.constant 4 : i32
      %xor3A_2262 = vector.broadcast %xor3A_2261 : i32 to vector<16xi32>
      %xor3A_2263 = arith.xori %iota3A, %xor3A_2262 : vector<16xi32>
      %reshape3A_2264 = vector.shape_cast %xor3A_2263 : vector<16xi32> to vector<16x1xi32>
      %gather3A_2265 = vector.shape_cast %reshape3A_2264 : vector<16x1xi32> to vector<16xi32>
      %gather3A_2266 = tpu.dynamic_gather %max3A_2260[%gather3A_2265] in [0] : vector<16xf32>, vector<16xi32> -> vector<16xf32>
      %max3A_2267 = arith.maximumf %max3A_2260, %gather3A_2266 : vector<16xf32>
      %xor3A_2268 = arith.constant 8 : i32
      %xor3A_2269 = vector.broadcast %xor3A_2268 : i32 to vector<16xi32>
      %xor3A_2270 = arith.xori %iota3A, %xor3A_2269 : vector<16xi32>
      %reshape3A_2271 = vector.shape_cast %xor3A_2270 : vector<16xi32> to vector<16x1xi32>
      %gather3A_2272 = vector.shape_cast %reshape3A_2271 : vector<16x1xi32> to vector<16xi32>
      %gather3A_2273 = tpu.dynamic_gather %max3A_2267[%gather3A_2272] in [0] : vector<16xf32>, vector<16xi32> -> vector<16xf32>
      %max3A_2274 = arith.maximumf %max3A_2267, %gather3A_2273 : vector<16xf32>
      %eq3A_2275 = arith.cmpf oeq, %get3A_2246, %max3A_2274 : vector<16xf32>
      %select_n3A_2276 = arith.select %eq3A_2275, %iota3A, %broadcast_in_dim3A_3 : vector<16xi1>, vector<16xi32>
      %xor3A_2277 = arith.constant 1 : i32
      %xor3A_2278 = vector.broadcast %xor3A_2277 : i32 to vector<16xi32>
      %xor3A_2279 = arith.xori %iota3A, %xor3A_2278 : vector<16xi32>
      %reshape3A_2280 = vector.shape_cast %xor3A_2279 : vector<16xi32> to vector<16x1xi32>
      %gather3A_2281 = vector.shape_cast %reshape3A_2280 : vector<16x1xi32> to vector<16xi32>
      %gather3A_2282 = tpu.dynamic_gather %select_n3A_2276[%gather3A_2281] in [0] : vector<16xi32>, vector<16xi32> -> vector<16xi32>
      %min3A_2283 = arith.minsi %select_n3A_2276, %gather3A_2282 : vector<16xi32>
      %xor3A_2284 = arith.constant 2 : i32
      %xor3A_2285 = vector.broadcast %xor3A_2284 : i32 to vector<16xi32>
      %xor3A_2286 = arith.xori %iota3A, %xor3A_2285 : vector<16xi32>
      %reshape3A_2287 = vector.shape_cast %xor3A_2286 : vector<16xi32> to vector<16x1xi32>
      %gather3A_2288 = vector.shape_cast %reshape3A_2287 : vector<16x1xi32> to vector<16xi32>
      %gather3A_2289 = tpu.dynamic_gather %min3A_2283[%gather3A_2288] in [0] : vector<16xi32>, vector<16xi32> -> vector<16xi32>
      %min3A_2290 = arith.minsi %min3A_2283, %gather3A_2289 : vector<16xi32>
      %xor3A_2291 = arith.constant 4 : i32
      %xor3A_2292 = vector.broadcast %xor3A_2291 : i32 to vector<16xi32>
      %xor3A_2293 = arith.xori %iota3A, %xor3A_2292 : vector<16xi32>
      %reshape3A_2294 = vector.shape_cast %xor3A_2293 : vector<16xi32> to vector<16x1xi32>
      %gather3A_2295 = vector.shape_cast %reshape3A_2294 : vector<16x1xi32> to vector<16xi32>
      %gather3A_2296 = tpu.dynamic_gather %min3A_2290[%gather3A_2295] in [0] : vector<16xi32>, vector<16xi32> -> vector<16xi32>
      %min3A_2297 = arith.minsi %min3A_2290, %gather3A_2296 : vector<16xi32>
      %xor3A_2298 = arith.constant 8 : i32
      %xor3A_2299 = vector.broadcast %xor3A_2298 : i32 to vector<16xi32>
      %xor3A_2300 = arith.xori %iota3A, %xor3A_2299 : vector<16xi32>
      %reshape3A_2301 = vector.shape_cast %xor3A_2300 : vector<16xi32> to vector<16x1xi32>
      %gather3A_2302 = vector.shape_cast %reshape3A_2301 : vector<16x1xi32> to vector<16xi32>
      %gather3A_2303 = tpu.dynamic_gather %min3A_2297[%gather3A_2302] in [0] : vector<16xi32>, vector<16xi32> -> vector<16xi32>
      %min3A_2304 = arith.minsi %min3A_2297, %gather3A_2303 : vector<16xi32>
      %reshape3A_2305 = vector.shape_cast %select_n3A_2237 : vector<16xi32> to vector<16x1xi32>
      %gather3A_2306 = vector.shape_cast %reshape3A_2305 : vector<16x1xi32> to vector<16xi32>
      %gather3A_2307 = tpu.dynamic_gather %get3A_2246[%gather3A_2306] in [0] : vector<16xf32>, vector<16xi32> -> vector<16xf32>
      %sub3A_2308 = arith.subf %max3A_2274, %gather3A_2307 : vector<16xf32>
      %gt3A_2309 = arith.constant 0.699999988 : f32
      %gt3A_2310 = vector.broadcast %gt3A_2309 : f32 to vector<16xf32>
      %gt3A_2311 = arith.cmpf ogt, %sub3A_2308, %gt3A_2310 : vector<16xf32>
      %select_n3A_2312 = arith.select %gt3A_2311, %min3A_2304, %select_n3A_2237 : vector<16xi1>, vector<16xi32>
      %eq3A_2313 = arith.constant 14 : i32
      %eq3A_2314 = vector.broadcast %eq3A_2313 : i32 to vector<16xi32>
      %eq3A_2315 = arith.cmpi eq, %iota3A, %eq3A_2314 : vector<16xi32>
      %select_n3A_2316 = arith.select %eq3A_2315, %select_n3A_2312, %select_n3A_2241 : vector<16xi1>, vector<16xi32>
      %get3A_2317 = arith.constant 31 : i32
      %get3A_2318 = arith.index_cast %get3A_2317 : i32 to index
      %get3A_2319 = arith.constant 0 : index
      %get3A_2320 = tpu.vector_load %arg4[%get3A_2318, %get3A_2319] {strides = array<i32>} : memref<32x16xf32, #tpu.memory_space<vmem>>, vector<1x16xf32>,
      %get3A_2321 = vector.shape_cast %get3A_2320 : vector<1x16xf32> to vector<16xf32>
      %xor3A_2322 = arith.constant 1 : i32
      %xor3A_2323 = vector.broadcast %xor3A_2322 : i32 to vector<16xi32>
      %xor3A_2324 = arith.xori %iota3A, %xor3A_2323 : vector<16xi32>
      %reshape3A_2325 = vector.shape_cast %xor3A_2324 : vector<16xi32> to vector<16x1xi32>
      %gather3A_2326 = vector.shape_cast %reshape3A_2325 : vector<16x1xi32> to vector<16xi32>
      %gather3A_2327 = tpu.dynamic_gather %get3A_2321[%gather3A_2326] in [0] : vector<16xf32>, vector<16xi32> -> vector<16xf32>
      %max3A_2328 = arith.maximumf %get3A_2321, %gather3A_2327 : vector<16xf32>
      %xor3A_2329 = arith.constant 2 : i32
      %xor3A_2330 = vector.broadcast %xor3A_2329 : i32 to vector<16xi32>
      %xor3A_2331 = arith.xori %iota3A, %xor3A_2330 : vector<16xi32>
      %reshape3A_2332 = vector.shape_cast %xor3A_2331 : vector<16xi32> to vector<16x1xi32>
      %gather3A_2333 = vector.shape_cast %reshape3A_2332 : vector<16x1xi32> to vector<16xi32>
      %gather3A_2334 = tpu.dynamic_gather %max3A_2328[%gather3A_2333] in [0] : vector<16xf32>, vector<16xi32> -> vector<16xf32>
      %max3A_2335 = arith.maximumf %max3A_2328, %gather3A_2334 : vector<16xf32>
      %xor3A_2336 = arith.constant 4 : i32
      %xor3A_2337 = vector.broadcast %xor3A_2336 : i32 to vector<16xi32>
      %xor3A_2338 = arith.xori %iota3A, %xor3A_2337 : vector<16xi32>
      %reshape3A_2339 = vector.shape_cast %xor3A_2338 : vector<16xi32> to vector<16x1xi32>
      %gather3A_2340 = vector.shape_cast %reshape3A_2339 : vector<16x1xi32> to vector<16xi32>
      %gather3A_2341 = tpu.dynamic_gather %max3A_2335[%gather3A_2340] in [0] : vector<16xf32>, vector<16xi32> -> vector<16xf32>
      %max3A_2342 = arith.maximumf %max3A_2335, %gather3A_2341 : vector<16xf32>
      %xor3A_2343 = arith.constant 8 : i32
      %xor3A_2344 = vector.broadcast %xor3A_2343 : i32 to vector<16xi32>
      %xor3A_2345 = arith.xori %iota3A, %xor3A_2344 : vector<16xi32>
      %reshape3A_2346 = vector.shape_cast %xor3A_2345 : vector<16xi32> to vector<16x1xi32>
      %gather3A_2347 = vector.shape_cast %reshape3A_2346 : vector<16x1xi32> to vector<16xi32>
      %gather3A_2348 = tpu.dynamic_gather %max3A_2342[%gather3A_2347] in [0] : vector<16xf32>, vector<16xi32> -> vector<16xf32>
      %max3A_2349 = arith.maximumf %max3A_2342, %gather3A_2348 : vector<16xf32>
      %eq3A_2350 = arith.cmpf oeq, %get3A_2321, %max3A_2349 : vector<16xf32>
      %select_n3A_2351 = arith.select %eq3A_2350, %iota3A, %broadcast_in_dim3A_3 : vector<16xi1>, vector<16xi32>
      %xor3A_2352 = arith.constant 1 : i32
      %xor3A_2353 = vector.broadcast %xor3A_2352 : i32 to vector<16xi32>
      %xor3A_2354 = arith.xori %iota3A, %xor3A_2353 : vector<16xi32>
      %reshape3A_2355 = vector.shape_cast %xor3A_2354 : vector<16xi32> to vector<16x1xi32>
      %gather3A_2356 = vector.shape_cast %reshape3A_2355 : vector<16x1xi32> to vector<16xi32>
      %gather3A_2357 = tpu.dynamic_gather %select_n3A_2351[%gather3A_2356] in [0] : vector<16xi32>, vector<16xi32> -> vector<16xi32>
      %min3A_2358 = arith.minsi %select_n3A_2351, %gather3A_2357 : vector<16xi32>
      %xor3A_2359 = arith.constant 2 : i32
      %xor3A_2360 = vector.broadcast %xor3A_2359 : i32 to vector<16xi32>
      %xor3A_2361 = arith.xori %iota3A, %xor3A_2360 : vector<16xi32>
      %reshape3A_2362 = vector.shape_cast %xor3A_2361 : vector<16xi32> to vector<16x1xi32>
      %gather3A_2363 = vector.shape_cast %reshape3A_2362 : vector<16x1xi32> to vector<16xi32>
      %gather3A_2364 = tpu.dynamic_gather %min3A_2358[%gather3A_2363] in [0] : vector<16xi32>, vector<16xi32> -> vector<16xi32>
      %min3A_2365 = arith.minsi %min3A_2358, %gather3A_2364 : vector<16xi32>
      %xor3A_2366 = arith.constant 4 : i32
      %xor3A_2367 = vector.broadcast %xor3A_2366 : i32 to vector<16xi32>
      %xor3A_2368 = arith.xori %iota3A, %xor3A_2367 : vector<16xi32>
      %reshape3A_2369 = vector.shape_cast %xor3A_2368 : vector<16xi32> to vector<16x1xi32>
      %gather3A_2370 = vector.shape_cast %reshape3A_2369 : vector<16x1xi32> to vector<16xi32>
      %gather3A_2371 = tpu.dynamic_gather %min3A_2365[%gather3A_2370] in [0] : vector<16xi32>, vector<16xi32> -> vector<16xi32>
      %min3A_2372 = arith.minsi %min3A_2365, %gather3A_2371 : vector<16xi32>
      %xor3A_2373 = arith.constant 8 : i32
      %xor3A_2374 = vector.broadcast %xor3A_2373 : i32 to vector<16xi32>
      %xor3A_2375 = arith.xori %iota3A, %xor3A_2374 : vector<16xi32>
      %reshape3A_2376 = vector.shape_cast %xor3A_2375 : vector<16xi32> to vector<16x1xi32>
      %gather3A_2377 = vector.shape_cast %reshape3A_2376 : vector<16x1xi32> to vector<16xi32>
      %gather3A_2378 = tpu.dynamic_gather %min3A_2372[%gather3A_2377] in [0] : vector<16xi32>, vector<16xi32> -> vector<16xi32>
      %min3A_2379 = arith.minsi %min3A_2372, %gather3A_2378 : vector<16xi32>
      %reshape3A_2380 = vector.shape_cast %select_n3A_2312 : vector<16xi32> to vector<16x1xi32>
      %gather3A_2381 = vector.shape_cast %reshape3A_2380 : vector<16x1xi32> to vector<16xi32>
      %gather3A_2382 = tpu.dynamic_gather %get3A_2321[%gather3A_2381] in [0] : vector<16xf32>, vector<16xi32> -> vector<16xf32>
      %sub3A_2383 = arith.subf %max3A_2349, %gather3A_2382 : vector<16xf32>
      %gt3A_2384 = arith.constant 0.699999988 : f32
      %gt3A_2385 = vector.broadcast %gt3A_2384 : f32 to vector<16xf32>
      %gt3A_2386 = arith.cmpf ogt, %sub3A_2383, %gt3A_2385 : vector<16xf32>
      %select_n3A_2387 = arith.select %gt3A_2386, %min3A_2379, %select_n3A_2312 : vector<16xi1>, vector<16xi32>
      %eq3A_2388 = arith.constant 15 : i32
      %eq3A_2389 = vector.broadcast %eq3A_2388 : i32 to vector<16xi32>
      %eq3A_2390 = arith.cmpi eq, %iota3A, %eq3A_2389 : vector<16xi32>
      %select_n3A_2391 = arith.select %eq3A_2390, %select_n3A_2387, %select_n3A_2316 : vector<16xi1>, vector<16xi32>
      %swap3A_2392 = arith.constant 1 : i32
      %swap3A_2393 = arith.index_cast %swap3A_2392 : i32 to index
      %swap3A_2394 = arith.constant 0 : index
      %swap3A_2395 = tpu.vector_load %arg5[%swap3A_2393, %swap3A_2394] {strides = array<i32>} : memref<2x16xi32, #tpu.memory_space<vmem>>, vector<1x16xi32>,
      %swap3A_2396 = vector.shape_cast %swap3A_2395 : vector<1x16xi32> to vector<16xi32>
      %swap3A_2397 = vector.shape_cast %select_n3A_2391 : vector<16xi32> to vector<1x16xi32>
      tpu.vector_store %arg5[%swap3A_2393, %swap3A_2394], %swap3A_2397 {strides = array<i32>} : memref<2x16xi32, #tpu.memory_space<vmem>>, vector<1x16xi32>,
      "tpu.region"() ({
        %run_scoped3A = tpu.sem_alloc : memref<!tpu.dma_semaphore, #tpu.memory_space<semaphore_mem>>
        tpu.enqueue_dma source(%arg5 : memref<2x16xi32, #tpu.memory_space<vmem>>) target(%arg3 : memref<2x16xi32, #tpu.memory_space<hbm>>) target_semaphore(%run_scoped3A : memref<!tpu.dma_semaphore, #tpu.memory_space<semaphore_mem>>)
        tpu.wait_dma2 semaphore(%run_scoped3A : memref<!tpu.dma_semaphore, #tpu.memory_space<semaphore_mem>>) src(%arg5 : memref<2x16xi32, #tpu.memory_space<vmem>>) dst(%arg3 : memref<2x16xi32, #tpu.memory_space<hbm>>)
        tpu.yield
      }) : () -> ()
    } else {
    }
    return
  }
}

</mosaic_0001>

<sc_bundles>
// kernel: kernel.3.cloned.1.call-start
scs
__scs_entry_jumppad:
0x0: {  	(pc) =	sbr.rel $0x88, $3  }
0x1: {  	(tag) =	ssettag $0x0;
	lr =	simm.s32 $0x1  }
0x2: {  	[smem:$0x3FA0] =	sst lr;
	_ =	strace $0xD0000000  }
0x3: {  	_ = 	snop  }
0x4: {  	_ = 	snop  }
0x5: {  	_ = 	snop  }
0x6: {  	_ = 	snop  }
0x7: {  	_ = 	snop  }
__scs_overlays_trampoline_lowered:
0x8: {  	[smem:$0x3FAF] =	sst s0  }
0x9: {  	[smem:$0x3FB0] =	sst s1  }
0xa: {  	[smem:$0x3FB1] =	sst s2  }
0xb: {  	[smem:$0x3FB2] =	sst s3  }
0xc: {  	[smem:$0x3FB3] =	sst s4  }
0xd: {  	[smem:$0x3FB4] =	sst s5  }
0xe: {  	[smem:$0x3FB5] =	sst s6  }
0xf: {  	[smem:$0x3FB6] =	sst s7  }
0x10: {  	[smem:$0x3FB7] =	sst s8  }
0x11: {  	[smem:$0x3FB8] =	sst s9;
	s0 =	simm.s32 @!p0 $0x0  }
0x12: {  	s1 =	sld [smem:$0x3F9E];
	s0 =	simm.s32 @p0 $0x1  }
0x13: {  	[smem:$0x3FB9] =	sst s0;
	s0 =	simm.s32 @!p1 $0x0  }
0x14: {  	s2 =	sld [smem:$0x3F9D];
	s0 =	simm.s32 @p1 $0x1  }
0x15: {  	[smem:$0x3FBA] =	sst s0;
	s0 =	simm.s32 @!p2 $0x0  }
0x16: {  	s3 =	sld [smem:$0x3FDB];
	s0 =	simm.s32 @p2 $0x1  }
0x17: {  	s4 =	simm.s32 $0x1BF5;
	[smem:$0x3FBC] =	sst s0  }
0x18: {  	s0 =	sld [smem:$0x3F9F];
	_ =	swait.ge [sflag:s4], $0x0  }
0x19: {  	s7 =	sld [smem:$0x3FA0]  }
0x1a: {  	s8 =	sadd.s32 $0xFFFFE003, lr  }
0x1b: {  	s9 =	sadd.s32 $0xFFFFFEF7, lr;
	s5 =	simm.s32 $0xFFFFFFFF;
	p2 =	slt.u32 s8, $0xFFFFF086  }
0x1c: {  	p1 =	slt.u32 s9, $0xF7A;
	s5 =	simm.s32 @!p2 $0x0  }
0x1d: {  	s5 =	simm.s32 @p1 $0x1;
	p0 =	seq.s32 s7, s2  }
0x1e: {  	s7 =	smul.u32 @!p0 $0xF7A, s2;
	p2 =	seq.s32 @!p0 s5, $0x0  }
0x1f: {  	s9 =	smul.u32 $0xF7A, s1;
	s8 =	simm.s32 @!p0 $0x1BF5;
	p2 =	por !p2, p0  }
0x20: {  	[sflag:s8] =	ssyncset.s32 @!p0 $0xFFFFF086;
	s6 =	sadd.s32 @!p0 s3, s7;
	s7 =	simm.s32 @!p0 $0x108  }
0x21: {  	s3 =	sadd.s32 s3, s9;
	s6 =	sadd.s32 @!p0 $0x88, s6;
	s7 =	simm.s32 @p2 $0x1082  }
0x22: {  	[simem:s7], [sflag:s8] =	dma.local @!p0 [hbm:s6], $0xF7A  }
0x23: {  	s9 =	sor.u32 $0xD0000000, s2;
	s6 =	simm.s32 $0x108;
	_ =	swait.ge @!p0 [sflag:s8], $0x0  }
0x24: {  	s3 =	sadd.s32 $0x88, s3;
	s6 =	simm.s32 @!p1 $0x1082;
	[sflag:s4] =	ssyncset.s32 $0xFFFFF086  }
0x25: {  	[simem:s6], [sflag:s4] =	dma.local [hbm:s3], $0xF7A  }
0x26: {  	[smem:$0x3FA0] =	sst s1;
	(tag) =	ssettag s2;
	_ =	strace s9  }
0x27: {  	s1 =	sld [smem:$0x3FB0]  }
0x28: {  	s2 =	sld [smem:$0x3FB1]  }
0x29: {  	s4 =	sld [smem:$0x3FB3]  }
0x2a: {  	p0 =	seq.s32 s5, $0x0;
	s5 =	sld [smem:$0x3FB4]  }
0x2b: {  	s6 =	sld [smem:$0x3FB5]  }
0x2c: {  	s7 =	sld [smem:$0x3FB6]  }
0x2d: {  	s3 =	simm.s32 $0x108;
	s8 =	sld [smem:$0x3FB7]  }
0x2e: {  	s3 =	simm.s32 @!p0 $0x1082;
	s9 =	sld [smem:$0x3FB8]  }
0x2f: {  	lr =	sadd.s32 s0, s3;
	s0 =	sld [smem:$0x3FAF]  }
0x30: {  	s3 =	sld [smem:$0x3FB2]  }
0x31: {  	[smem:$0x3FBB] =	sst s10  }
0x32: {  	s10 =	sld [smem:$0x3FB9];
	_ =	sdelay $0x3  }
0x33: {  	p0 =	seq.s32 s10, $0x1;
	s10 =	sld [smem:$0x3FBB];
	_ =	sdelay $0x3  }
0x34: {  	[smem:$0x3FBB] =	sst s10  }
0x35: {  	s10 =	sld [smem:$0x3FBA];
	_ =	sdelay $0x3  }
0x36: {  	p1 =	seq.s32 s10, $0x1;
	s10 =	sld [smem:$0x3FBB];
	_ =	sdelay $0x3  }
0x37: {  	[smem:$0x3FBB] =	sst s10  }
0x38: {  	s10 =	sld [smem:$0x3FBC]  }
0x39: {  	_ = 	snop;
	(pc) =	sbr.ind lr, $3  }
0x3a: {  	_ = 	snop  }
0x3b: {  	_ = 	snop  }
0x3c: {  	p2 =	seq.s32 s10, $0x1;
	s10 =	sld [smem:$0x3FBB]  }
0x3d: {  	_ =	shalt  }
0x3e: {  	_ =	shalt  }
0x3f: {  	_ =	shalt  }
0x40: {  	_ =	shalt  }
0x41: {  	_ =	shalt  }
0x42: {  	_ =	shalt  }
0x43: {  	_ =	shalt  }
0x44: {  	_ =	shalt  }
0x45: {  	_ =	shalt  }
0x46: {  	_ =	shalt  }
0x47: {  	_ =	shalt  }
0x48: {  	_ =	shalt  }
0x49: {  	_ =	shalt  }
0x4a: {  	_ =	shalt  }
0x4b: {  	_ =	shalt  }
0x4c: {  	_ =	shalt  }
0x4d: {  	_ =	shalt  }
0x4e: {  	_ =	shalt  }
0x4f: {  	_ =	shalt  }
0x50: {  	_ =	shalt  }
0x51: {  	_ =	shalt  }
0x52: {  	_ =	shalt  }
0x53: {  	_ =	shalt  }
0x54: {  	_ =	shalt  }
0x55: {  	_ =	shalt  }
0x56: {  	_ =	shalt  }
0x57: {  	_ =	shalt  }
0x58: {  	_ =	shalt  }
0x59: {  	_ =	shalt  }
0x5a: {  	_ =	shalt  }
0x5b: {  	_ =	shalt  }
0x5c: {  	_ =	shalt  }
0x5d: {  	_ =	shalt  }
0x5e: {  	_ =	shalt  }
0x5f: {  	_ =	shalt  }
0x60: {  	_ =	shalt  }
0x61: {  	_ =	shalt  }
0x62: {  	_ =	shalt  }
0x63: {  	_ =	shalt  }
0x64: {  	_ =	shalt  }
0x65: {  	_ =	shalt  }
0x66: {  	_ =	shalt  }
0x67: {  	_ =	shalt  }
0x68: {  	_ =	shalt  }
0x69: {  	_ =	shalt  }
0x6a: {  	_ =	shalt  }
0x6b: {  	_ =	shalt  }
0x6c: {  	_ =	shalt  }
0x6d: {  	_ =	shalt  }
0x6e: {  	_ =	shalt  }
0x6f: {  	_ =	shalt  }
0x70: {  	_ =	shalt  }
0x71: {  	_ =	shalt  }
0x72: {  	_ =	shalt  }
0x73: {  	_ =	shalt  }
0x74: {  	_ =	shalt  }
0x75: {  	_ =	shalt  }
0x76: {  	_ =	shalt  }
0x77: {  	_ =	shalt  }
0x78: {  	_ =	shalt  }
0x79: {  	_ =	shalt  }
0x7a: {  	_ =	shalt  }
0x7b: {  	_ =	shalt  }
0x7c: {  	_ =	shalt  }
0x7d: {  	_ =	shalt  }
0x7e: {  	_ =	shalt  }
0x7f: {  	_ =	shalt  }
0x80: {  	_ =	shalt  }
0x81: {  	_ =	shalt  }
0x82: {  	_ =	shalt  }
0x83: {  	_ =	shalt  }
0x84: {  	_ =	shalt  }
0x85: {  	_ =	shalt  }
0x86: {  	_ =	shalt  }
0x87: {  	_ =	shalt  }
.Lfunc_end0:
.L_simem_size_0:
called_computation_lowered:
.L_overlay_start_0:
0x88: {  	s2 =	sld [smem:$0x3FD9]  }
0x89: {  	s3 =	sld [smem:$0x3FFE];
	_ =	sdelay $0x1  }
0x8a: {  	s1 =	srdreg.scid  }
0x8b: {  	s0 =	sand.u32 $0x1, s1  }
0x8c: {  	s15 =	sshll.u32 s0, $0xA;
	s2 =	sadd.s32 s3, s2  }
0x8d: {  	s2 =	sadd.s32 s2, s15  }
0x8e: {  	[smem:$0x3FC7] =	sst s2  }
0x8f: {  	_ = 	snop  }
0x90: {  	s2 =	sld [smem:$0x3FD0];
	_ =	sdelay $0x2  }
0x91: {  	s16 =	simm.s32 $0xA;
	s4 =	simm.s32 $0x10  }
0x92: {  	[smem:s4], [sflag:s16] =	dma.local [hbm:s2], $0x1  }
0x93: {  	_ =	swait.eq [sflag:s16], $0x1  }
0x94: {  	[sflag:s16] =	ssyncset.done $0x0  }
0x95: {  	s17 =	sld [smem:$0x11];
	[sflag:s16] =	ssyncadd.s32 $0xFFFFFFFF  }
0x96: {  	s18 =	sld [smem:$0x12];
	(tm) =	ssettm $0x1  }
0x97: {  	s19 =	sld [smem:$0x3FFB];
	_ =	sdelay $0x3  }
0x98: {  	_ =	strace s19  }
0x99: {  	s4 =	sld [smem:$0x3FFC];
	_ =	sdelay $0x3  }
0x9a: {  	_ =	strace s4  }
0x9b: {  	s4 =	sld [smem:$0x3FFD];
	_ =	sdelay $0x3  }
0x9c: {  	_ =	strace s4  }
0x9d: {  	_ =	strace $0x8FFFFFFF  }
0x9e: {  	s20 =	sld [smem:$0x3FDB];
	_ =	sdelay $0x1  }
0x9f: {  	s5 =	simm.s32 $_scs_section_size  }
0xa0: {  	s6 =	simm.s32 $_size__tile_overlayer_lowered;
	s7 =	simm.s32 $_tile_overlayer_lowered  }
0xa1: {  	s23 =	simm.s32 $0x1BFF;
	s22 =	sshll.u32 s7, $0x1;
	s4 =	sadd.s32 s5, s20  }
0xa2: {  	s8 =	simm.s32 $0x0;
	s21 =	sshll.u32 s6, $0x1;
	s6 =	sadd.s32 s22, s4  }
0xa3: {  	[timem:s8], [sflag:s23] =	dma.local [hbm:s6], s21  }
0xa4: {  	_ =	swait.ge [sflag:s23], s21  }
0xa5: {  	s5 =	ssub.s32 $0x0, s21;
	[sflag:s23] =	ssyncset.done $0x0  }
0xa6: {  	[sflag:s23] =	ssyncadd.s32 s5;
	_ =	sdelay $0x1  }
0xa7: {  	s24 =	simm.s32 $0x1B8B  }
0xa8: {  	_ =	swait.ge [sflag:s24], $0x1  }
0xa9: {  	[sflag:s24] =	ssyncset.done $0x0  }
0xaa: {  	s25 =	simm.s32 $0x1B8E;
	[sflag:s24] =	ssyncadd.s32 $0xFFFFFFFF  }
0xab: {  	s26 =	simm.s32 $execute0_lowered;
	[smem:$0x3FD2] =	sst s25  }
0xac: {  	s5 =	sshll.u32 s26, $0x1;
	_ =	strace $0x80000046;
	[dreg:$0x1] =	wrdreg $0xFFFFFFFF  }
0xad: {  	s28 =	simm.s32 $_size_execute0_lowered;
	s4 =	sadd.s32 s4, s5;
	[dreg:$0x0] =	wrdreg $0x0  }
0xae: {  	s5 =	sshll.u32 s28, $0x1;
	[dreg:$0x2] =	wrdreg s4  }
0xaf: {  	[dreg:$0x3] =	wrdreg s5  }
0xb0: {  	[dreg:$0x4] =	wrdreg $0xC0  }
0xb1: {  	_ =	task [dreg:s8], $0x5FFFF  }
0xb2: {  	[dreg:$0x1] =	wrdreg $0xFFFFFFFF  }
0xb3: {  	[dreg:$0x0] =	wrdreg $0x60  }
0xb4: {  	[dreg:$0x2] =	wrdreg s17  }
0xb5: {  	[dreg:$0x3] =	wrdreg s18  }
0xb6: {  	[dreg:$0x4] =	wrdreg $0x9  }
0xb7: {  	_ =	task.clear_ibuf [dreg:s8], $0x5FFFF;
	_ =	strace $0x90000046  }
0xb8: {  	s29 =	simm.s32 $0x9;
	_ =	strace $0x80000048  }
0xb9: {  	_ =	swait.ge [sflag:s29], $0x1  }
0xba: {  	[sflag:s29] =	ssyncadd.s32 $0xFFFFFFFF  }
0xbb: {  	_ =	strace $0x90000048  }
0xbc: {  	_ =	sfence  }
0xbd: {  	s30 =	sld [smem:$0x0];
	_ =	sdelay $0x2  }
0xbe: {  	s31 =	sshll.u32 s1, $0xD;
	s1 =	sshrl.u32 s1, $0x2  }
0xbf: {  	s3 =	sand.u32 $0x4000, s31;
	s1 =	sadd.s32 s1, s30  }
0xc0: {  	s0 =	sor.u32 s3, s0;
	s1 =	sshll.u32 s1, $0x11  }
0xc1: {  	s0 =	sor.u32 s1, s0  }
0xc2: {  	s0 =	sadd.s32 $0x8F2B, s0  }
0xc3: {  	[sflag:s0] =	ssyncadd.remote.s32 $0x1  }
0xc4: {  	_ =	sfence.sel $0xFFFF  }
0xc5: {  	[dreg:$0x0] =	wrdreg $0xFFFFFFFF;
	(pc) =	sbr.abs _section_cstart, $3  }
0xc6: {  	[dreg:$0x1] =	wrdreg $0xFFFFFFFF  }
0xc7: {  	_ =	task.clear_ibuf [dreg:s8], $0x2FFFF;
	_ =	strace $0x9FFFFFFF  }
0xc8: {  	(tm) =	ssettm $0x7FFFFFFF  }
0xc9: {  	_ =	shalt  }
tec
execute0_lowered:
.L_overlay_start_1:
0x0: {  	(tag) =	ssettag $0x1  }
0x1: {  	s0 =	srdreg.scid  }
0x2: {  	s4 =	sand.u32 $0x1, s0;
	s0 =	stileid.u32  }
0x3: {  	s5 =	sshll.u32 s0, $0x1;
	s6 =	ssub.s32 $0x0, s4  }
0x4: {  	p0 =	sne.s32 s5, s6  }
.Ltmp0:
0x5: {  	_ = 	snop;
	(pc) =	sbr.rel @p0 .LBB2_3-.Ltmp0, $4  }
0x6: {  	_ = 	snop  }
0x7: {  	s2 =	rddreg [dreg:$0x0]  }
0x8: {  	s3 =	rddreg [dreg:$0x1]  }
0x9: {  	s1 =	rddreg [dreg:$0x2];
	_ =	strace $0x80000047  }
0xa: {  	v0 =	vimm.s32 $0xEFCDAB89  }
0xb: {  	v1 =	vimm.s32 $0x67452301;
	v2 =	vimm.s32 $0xDCFE98BA;
	v3 =	vimm.s32 $0x54761032  }
0xc: {  	v4 =	vimm.s32 $0xBA98FEDC;
	v5 =	vimm.s32 $0x32107654;
	v6 =	vimm.s32 $0xFEDCBA98  }
0xd: {  	v7 =	vimm.s32 $0x76543210;
	v0 =	vunpack.c.l.s4.s8 v0;
	v1 =	vunpack.c.l.s4.s8 v1  }
0xe: {  	v2 =	vunpack.c.l.s4.s8 v2;
	v3 =	vunpack.c.l.s4.s8 v3;
	v4 =	vunpack.c.l.s4.s8 v4  }
0xf: {  	v5 =	vunpack.c.l.s4.s8 v5;
	v6 =	vunpack.c.l.s4.s8 v6;
	v0 =	vunpack.c.0.s8.s32 v0  }
0x10: {  	v1 =	vunpack.c.0.s8.s32 v1;
	v2 =	vunpack.c.0.s8.s32 v2;
	v3 =	vunpack.c.0.s8.s32 v3  }
0x11: {  	v7 =	vunpack.c.l.s4.s8 v7;
	v4 =	vunpack.c.0.s8.s32 v4;
	v5 =	vunpack.c.0.s8.s32 v5  }
0x12: {  	v0 =	vcombine.low v1, v0;
	v1 =	vcombine.low v3, v2;
	v2 =	vunpack.c.0.s8.s32 v6  }
0x13: {  	v3 =	vcombine.low v5, v4;
	v4 =	vunpack.c.0.s8.s32 v7  }
0x14: {  	vm0 =	vmmov $0x1;
	v5 =	vand.u32 $0xF, v2  }
0x15: {  	v2 =	vand.u32 $0xF, v3;
	v3 =	vcombine.low v5, v4;
	v5 =	vimm.s32 $0x0  }
0x16: {  	v5 =	vsel vm0, $0xFFFFFFFF, v5  }
0x17: {  	vm0 =	vmmov $0x3;
	[tilespmem:$0x1FF90] =	vst v5;
	v5 =	vimm.s32 $0x0  }
0x18: {  	v5 =	vsel vm0, $0xFFFFFFFF, v5  }
0x19: {  	vm0 =	vmmov $0x7;
	[tilespmem:$0x1FFA0] =	vst v5;
	v5 =	vimm.s32 $0x0  }
0x1a: {  	v5 =	vsel vm0, $0xFFFFFFFF, v5  }
0x1b: {  	vm0 =	vmmov $0xf;
	[tilespmem:$0x1FFB0] =	vst v5;
	v5 =	vimm.s32 $0x0  }
0x1c: {  	v5 =	vsel vm0, $0xFFFFFFFF, v5  }
0x1d: {  	vm0 =	vmmov $0x1f;
	[tilespmem:$0x1FFC0] =	vst v5;
	v5 =	vimm.s32 $0x0  }
0x1e: {  	vm7 =	vmmov $0xff;
	vm8 =	vmmov $0x1ff;
	v5 =	vsel vm0, $0xFFFFFFFF, v5  }
0x1f: {  	vm9 =	vmmov $0x3ff;
	vm0 =	vmmov $0x3f;
	[tilespmem:$0x1FFD0] =	vst v5;
	v5 =	vimm.s32 $0x0  }
0x20: {  	s4 =	ssub.s32 $0x2, s4;
	vm10 =	vmmov $0x7ff;
	vm11 =	vmmov $0xfff;
	v5 =	vsel vm0, $0xFFFFFFFF, v5  }
0x21: {  	vm12 =	vmmov $0x1fff;
	s5 =	sshrl.u32 s4, $0x1;
	vm0 =	vmmov $0x7f;
	[tilespmem:$0x1FFE0] =	vst v5;
	v5 =	vimm.s32 $0x0  }
0x22: {  	s6 =	simm.s32 $0x1;
	vm13 =	vmmov $0x3fff;
	vm14 =	vmmov $0x7fff;
	s4 =	ssub.s32 s4, s5;
	v5 =	vsel vm0, $0xFFFFFFFF, v5  }
0x23: {  	s7 =	simm.s32 $0x1000;
	s5 =	simm.s32 $0x0;
	s4 =	smax.u32 s4, $0x1;
	v0 =	vand.u32 $0xF, v0;
	v1 =	vand.u32 $0xF, v1;
	v4 =	vlaneseq.u32;
	[tilespmem:$0x1FFF0] =	vst v5  }
.LBB2_2:
0x24: {  	[tilespmem:s5], [sflag:$0x1] =	stream.linear.gather [hbm4b:s2+s5], $0x1000, $0x38;
	[tilespmem:$0x1100] =	vst v63  }
0x25: {  	_ =	swait.ge [sflag:s6], $0x1000  }
0x26: {  	[sflag:s6] =	ssyncset.done $0x0  }
0x27: {  	[sflag:s6] =	ssyncadd.s32 $0xFFFFF000  }
0x28: {  	v5 =	vld [tilespmem:$0x0];
	_ =	sdelay $0x4  }
0x29: {  	v7 =	vld [tilespmem:$0x80];
	v6 =	vperm.xlane v5, v0;
	_ =	sdelay $0x1  }
0x2a: {  	v6 =	vmax.f32 v5, v6  }
0x2b: {  	v8 =	vperm.xlane v6, v1;
	_ =	sdelay $0x1  }
0x2c: {  	v25 =	vperm.xlane v7, v0;
	v6 =	vmax.f32 v6, v8  }
0x2d: {  	v27 =	vld [tilespmem:$0x100];
	v9 =	vperm.xlane v6, v2  }
0x2e: {  	v14 =	vld [tilespmem:$0x180];
	v8 =	vmax.f32 v7, v25  }
0x2f: {  	v38 =	vld [tilespmem:$0x200];
	v26 =	vperm.xlane v8, v1;
	v6 =	vmax.f32 v6, v9  }
0x30: {  	v46 =	vld [tilespmem:$0x280];
	v10 =	vperm.xlane v6, v3  }
0x31: {  	v57 =	vld [tilespmem:$0x300];
	v8 =	vmax.f32 v8, v26  }
0x32: {  	v28 =	vperm.xlane v8, v2;
	v6 =	vmax.f32 v6, v10  }
0x33: {  	v11 =	vperm.xlane v27, v0;
	v15 =	vperm.xlane v14, v0;
	vm15 =	veq.f32 v5, v6  }
0x34: {  	v42 =	vperm.xlane v38, v0;
	v6 =	vmax.f32 v8, v28;
	v5 =	vnsel vm15, $0x10, v4  }
0x35: {  	v10 =	vperm.xlane v6, v3;
	v29 =	vperm.xlane v5, v0  }
0x36: {  	v50 =	vperm.xlane v46, v0;
	v59 =	vperm.xlane v57, v0;
	v30 =	vmax.f32 v27, v11  }
0x37: {  	v35 =	vmax.f32 v14, v15;
	v6 =	vmax.f32 v6, v10;
	vm15 =	vlt.s32 v5, v29  }
0x38: {  	v12 =	vperm.xlane v30, v1;
	v5 =	vsel vm15, v5, v29;
	vm15 =	veq.f32 v7, v6  }
0x39: {  	v52 =	vmax.f32 v46, v50;
	v31 =	vperm.xlane v5, v1;
	v32 =	vnsel vm15, $0x10, v4  }
0x3a: {  	v37 =	vperm.xlane v35, v1;
	v8 =	vmax.f32 v30, v12;
	v13 =	vperm.xlane v32, v0  }
0x3b: {  	v12 =	vmax.f32 v38, v42;
	v33 =	vperm.xlane v8, v2;
	vm15 =	vlt.s32 v5, v31  }
0x3c: {  	v44 =	vperm.xlane v12, v1;
	v5 =	vsel vm15, v5, v31;
	vm15 =	vlt.s32 v32, v13  }
0x3d: {  	v8 =	vmax.f32 v8, v33;
	v34 =	vperm.xlane v5, v2;
	v11 =	vsel vm15, v32, v13  }
0x3e: {  	v12 =	vmax.f32 v12, v44;
	v10 =	vperm.xlane v8, v3;
	v13 =	vperm.xlane v11, v1  }
0x3f: {  	v54 =	vperm.xlane v52, v1;
	v47 =	vperm.xlane v12, v2;
	vm15 =	vlt.s32 v5, v34  }
0x40: {  	v8 =	vmax.f32 v8, v10;
	v5 =	vsel vm15, v5, v34;
	vm15 =	vlt.s32 v11, v13  }
0x41: {  	v10 =	vmax.f32 v35, v37;
	v11 =	vsel vm15, v11, v13;
	vm15 =	veq.f32 v27, v8  }
0x42: {  	v16 =	vperm.xlane v5, v3;
	v36 =	vperm.xlane v11, v2;
	v17 =	vnsel vm15, $0x10, v4  }
0x43: {  	v12 =	vmax.f32 v12, v47;
	v39 =	vperm.xlane v10, v2;
	v18 =	vperm.xlane v17, v0  }
0x44: {  	v48 =	vperm.xlane v12, v3;
	vm0 =	vlt.s32 v5, v16;
	vm15 =	vlt.s32 v11, v36  }
0x45: {  	v5 =	vsel vm0, v5, v16;
	v11 =	vsel vm15, v11, v36;
	vm0 =	vlt.s32 v17, v18  }
0x46: {  	v23 =	vld [tilespmem:$0x1FF90];
	v10 =	vmax.f32 v10, v39;
	v40 =	vperm.xlane v11, v3;
	v41 =	vsel vm0, v17, v18  }
0x47: {  	v43 =	vperm.xlane v10, v3;
	v17 =	vperm.xlane v41, v1  }
0x48: {  	v51 =	vmax.f32 v12, v48;
	v48 =	vld [tilespmem:$0x1FFA0];
	v7 =	vperm.xlane v7, v5;
	vm0 =	vlt.s32 v11, v40  }
0x49: {  	v61 =	vld [tilespmem:$0x380];
	v10 =	vmax.f32 v10, v43;
	v11 =	vsel vm0, v11, v40;
	vm0 =	vlt.s32 v41, v17  }
0x4a: {  	v6 =	vsub.f32 v6, v7;
	v7 =	vsel vm0, v41, v17;
	vm0 =	veq.f32 v14, v10  }
0x4b: {  	vm2 =	vnez.u8 v23;
	v63 =	vmax.f32 v57, v59;
	v45 =	vnsel vm0, $0x10, v4  }
0x4c: {  	v56 =	vmax.f32 v52, v54;
	vm0 =	vgt.f32 v6, $6.999999880e-01;
	v6 =	vperm.xlane v45, v0  }
0x4d: {  	vm3 =	vnez.u8 v48;
	v16 =	vperm.xlane v7, v2;
	v11 =	vsel vm0, v11, v5  }
0x4e: {  	v9 =	vperm.xlane v27, v11;
	v27 =	vperm.xlane v61, v0;
	vm15 =	vlt.s32 v45, v6  }
0x4f: {  	v17 =	vperm.xlane v56, v2;
	vm0 =	vlt.s32 v7, v16;
	v6 =	vsel vm15, v45, v6  }
0x50: {  	vm15 =	veq.f32 v38, v51;
	v28 =	vmax.f32 v61, v27;
	v49 =	vperm.xlane v6, v1  }
0x51: {  	v7 =	vsel vm0, v7, v16;
	v53 =	vnsel vm15, $0x10, v4;
	v22 =	vperm.xlane v28, v1  }
0x52: {  	v19 =	vperm.xlane v7, v3;
	v20 =	vperm.xlane v53, v0;
	vm0 =	vlt.s32 v6, v49  }
0x53: {  	v8 =	vsub.f32 v8, v9;
	v31 =	vmax.f32 v28, v22;
	v6 =	vsel vm0, v6, v49  }
0x54: {  	vm0 =	vlt.s32 v7, v19;
	vm1 =	vlt.s32 v53, v20;
	v32 =	vperm.xlane v31, v2  }
0x55: {  	v55 =	vperm.xlane v6, v2;
	v7 =	vsel vm0, v7, v19;
	vm0 =	vgt.f32 v8, $6.999999880e-01  }
0x56: {  	v16 =	vsel vm1, v53, v20;
	v8 =	vmax.f32 v56, v17;
	v20 =	vperm.xlane v63, v1  }
0x57: {  	v7 =	vsel vm0, v7, v11;
	v58 =	vperm.xlane v16, v1;
	v17 =	vperm.xlane v8, v3  }
0x58: {  	v11 =	vsel vm2, v5, v11;
	vm15 =	vlt.s32 v6, v55;
	v14 =	vperm.xlane v14, v7  }
0x59: {  	v26 =	vmax.f32 v63, v20;
	v6 =	vsel vm15, v6, v55;
	vm1 =	vlt.s32 v16, v58  }
0x5a: {  	v8 =	vmax.f32 v8, v17;
	v19 =	vperm.xlane v26, v2;
	v18 =	vperm.xlane v6, v3  }
0x5b: {  	v10 =	vsub.f32 v10, v14;
	v60 =	vsel vm1, v16, v58;
	vm1 =	veq.f32 v46, v8  }
0x5c: {  	v62 =	vperm.xlane v60, v2;
	v24 =	vnsel vm1, $0x10, v4;
	v17 =	vmax.f32 v26, v19  }
0x5d: {  	v54 =	vld [tilespmem:$0x500];
	vm0 =	vlt.s32 v6, v18;
	v25 =	vperm.xlane v24, v0;
	v29 =	vperm.xlane v17, v3  }
0x5e: {  	v6 =	vsel vm0, v6, v18;
	vm0 =	vgt.f32 v10, $6.999999880e-01;
	vm1 =	vlt.s32 v60, v62  }
0x5f: {  	v6 =	vsel vm0, v6, v7;
	v14 =	vsel vm1, v60, v62;
	vm0 =	vlt.s32 v24, v25  }
0x60: {  	v30 =	vmax.f32 v17, v29;
	v17 =	vld [tilespmem:$0x400];
	v21 =	vperm.xlane v14, v3;
	v10 =	vsel vm0, v24, v25  }
0x61: {  	v9 =	vmax.f32 v31, v32;
	v15 =	vperm.xlane v38, v6;
	v24 =	vld [tilespmem:$0x480];
	v18 =	vperm.xlane v10, v1  }
0x62: {  	v59 =	vperm.xlane v54, v0;
	v36 =	vperm.xlane v9, v3;
	v11 =	vsel vm3, v11, v7;
	v25 =	vld [tilespmem:$0x1FFB0]  }
0x63: {  	vm0 =	vlt.s32 v14, v21;
	v5 =	vsub.f32 v51, v15;
	vm1 =	vlt.s32 v10, v18  }
0x64: {  	v14 =	vsel vm0, v14, v21;
	v10 =	vsel vm1, v10, v18;
	vm1 =	veq.f32 v57, v30  }
0x65: {  	vm0 =	vgt.f32 v5, $6.999999880e-01;
	v37 =	vperm.xlane v17, v0;
	v33 =	vperm.xlane v10, v2  }
0x66: {  	v34 =	vnsel vm1, $0x10, v4;
	v5 =	vsel vm0, v14, v6;
	v14 =	vmax.f32 v9, v36  }
0x67: {  	v28 =	vld [tilespmem:$0x580];
	v47 =	vperm.xlane v24, v0;
	vm4 =	vnez.u8 v25;
	v35 =	vperm.xlane v34, v0  }
0x68: {  	v18 =	vmax.f32 v17, v37;
	v13 =	vperm.xlane v46, v5;
	vm0 =	vlt.s32 v10, v33  }
0x69: {  	v40 =	vperm.xlane v18, v1;
	v49 =	vmax.f32 v24, v47;
	v10 =	vsel vm0, v10, v33  }
0x6a: {  	vm0 =	vlt.s32 v34, v35;
	v8 =	vsub.f32 v8, v13;
	v50 =	vperm.xlane v49, v1  }
0x6b: {  	v19 =	vperm.xlane v10, v3;
	v20 =	vsel vm0, v34, v35;
	vm0 =	veq.f32 v61, v14  }
0x6c: {  	v42 =	vmax.f32 v18, v40;
	v34 =	vperm.xlane v28, v0;
	v38 =	vperm.xlane v20, v1  }
0x6d: {  	v39 =	vnsel vm0, $0x10, v4;
	v44 =	vperm.xlane v42, v2;
	vm0 =	vlt.s32 v10, v19  }
0x6e: {  	v41 =	vperm.xlane v39, v0;
	v15 =	vmax.f32 v28, v34;
	vm1 =	vlt.s32 v20, v38  }
0x6f: {  	v10 =	vsel vm0, v10, v19;
	v13 =	vmax.f32 v42, v44;
	v9 =	vsel vm1, v20, v38  }
0x70: {  	v37 =	vperm.xlane v15, v1;
	vm1 =	vlt.s32 v39, v41;
	v43 =	vperm.xlane v9, v2  }
0x71: {  	vm0 =	vgt.f32 v8, $6.999999880e-01;
	v20 =	vperm.xlane v13, v3;
	v45 =	vsel vm1, v39, v41  }
0x72: {  	v15 =	vmax.f32 v15, v37;
	v46 =	vperm.xlane v45, v1;
	vm1 =	vlt.s32 v9, v43  }
0x73: {  	v13 =	vmax.f32 v13, v20;
	v18 =	vsel vm1, v9, v43;
	v9 =	vsel vm0, v10, v5  }
0x74: {  	vm0 =	vlt.s32 v45, v46;
	v10 =	vmax.f32 v49, v50;
	v7 =	vperm.xlane v18, v3  }
0x75: {  	v8 =	vsel vm0, v45, v46;
	vm0 =	veq.f32 v17, v13;
	v12 =	vperm.xlane v57, v9  }
0x76: {  	v37 =	vld [tilespmem:$0x1FFD0];
	v55 =	vperm.xlane v10, v2;
	v51 =	vperm.xlane v8, v2;
	v52 =	vnsel vm0, $0x10, v4  }
0x77: {  	v23 =	vsel vm4, v11, v6;
	vm1 =	vlt.s32 v18, v7;
	v53 =	vperm.xlane v52, v0  }
0x78: {  	v12 =	vsub.f32 v30, v12;
	v10 =	vmax.f32 v10, v55;
	vm0 =	vlt.s32 v8, v51  }
0x79: {  	v7 =	vsel vm1, v18, v7;
	v8 =	vsel vm0, v8, v51;
	vm0 =	vlt.s32 v52, v53  }
0x7a: {  	v18 =	vperm.xlane v10, v3;
	v56 =	vperm.xlane v8, v3;
	v57 =	vsel vm0, v52, v53  }
0x7b: {  	vm6 =	vnez.u8 v37;
	vm0 =	vgt.f32 v12, $6.999999880e-01;
	v58 =	vperm.xlane v57, v1  }
0x7c: {  	v18 =	vmax.f32 v10, v18;
	v7 =	vsel vm0, v7, v9;
	vm0 =	vlt.s32 v8, v56  }
0x7d: {  	v16 =	vperm.xlane v61, v7;
	v61 =	vmax.f32 v54, v59;
	vm1 =	vlt.s32 v57, v58  }
0x7e: {  	v63 =	vperm.xlane v61, v1;
	v60 =	vsel vm1, v57, v58;
	vm1 =	veq.f32 v24, v18  }
0x7f: {  	v27 =	vsub.f32 v14, v16;
	v20 =	vperm.xlane v60, v2;
	v62 =	vnsel vm1, $0x10, v4  }
0x80: {  	v6 =	vsel vm0, v8, v56;
	v16 =	vld [tilespmem:$0x680];
	v12 =	vmax.f32 v61, v63;
	v26 =	vperm.xlane v62, v0  }
0x81: {  	v30 =	vperm.xlane v12, v2;
	vm1 =	vgt.f32 v27, $6.999999880e-01;
	vm0 =	vlt.s32 v60, v20  }
0x82: {  	v27 =	vld [tilespmem:$0x800];
	v10 =	vsel vm1, v6, v7;
	v29 =	vsel vm0, v60, v20;
	vm0 =	vlt.s32 v62, v26  }
0x83: {  	v12 =	vmax.f32 v12, v30;
	v32 =	vperm.xlane v17, v10;
	v20 =	vperm.xlane v15, v2  }
0x84: {  	v31 =	vperm.xlane v29, v3;
	v8 =	vsel vm0, v62, v26;
	v33 =	vperm.xlane v12, v3  }
0x85: {  	v17 =	vld [tilespmem:$0x600];
	v45 =	vperm.xlane v16, v0;
	v6 =	vperm.xlane v8, v1;
	v13 =	vsub.f32 v13, v32  }
0x86: {  	v60 =	vld [tilespmem:$0x1FFC0];
	v15 =	vmax.f32 v15, v20;
	vm0 =	vlt.s32 v29, v31;
	v12 =	vmax.f32 v12, v33  }
0x87: {  	v43 =	vperm.xlane v15, v3;
	v20 =	vmax.f32 v16, v45;
	v45 =	vperm.xlane v27, v0  }
0x88: {  	v11 =	vsel vm0, v29, v31;
	vm0 =	vlt.s32 v8, v6;
	vm1 =	vgt.f32 v13, $6.999999880e-01  }
0x89: {  	v25 =	vperm.xlane v20, v1;
	v8 =	vsel vm0, v8, v6;
	vm0 =	veq.f32 v54, v12  }
0x8a: {  	v6 =	vsel vm1, v11, v10;
	v40 =	vperm.xlane v17, v0;
	v15 =	vmax.f32 v15, v43  }
0x8b: {  	vm5 =	vnez.u8 v60;
	v35 =	vperm.xlane v8, v2;
	v36 =	vnsel vm0, $0x10, v4  }
0x8c: {  	v39 =	vperm.xlane v24, v6;
	v23 =	vsel vm5, v23, v5;
	v5 =	vld [tilespmem:$0x780];
	v38 =	vperm.xlane v36, v0  }
0x8d: {  	v20 =	vmax.f32 v20, v25;
	v42 =	vmax.f32 v17, v40;
	vm0 =	vlt.s32 v8, v35  }
0x8e: {  	v22 =	vperm.xlane v42, v1;
	v8 =	vsel vm0, v8, v35;
	vm0 =	vlt.s32 v36, v38  }
0x8f: {  	v52 =	vperm.xlane v20, v2;
	v41 =	vperm.xlane v8, v3;
	v11 =	vsel vm0, v36, v38  }
0x90: {  	v18 =	vsub.f32 v18, v39;
	v44 =	vmax.f32 v42, v22;
	v13 =	vperm.xlane v11, v1  }
0x91: {  	v46 =	vperm.xlane v44, v2;
	v36 =	vperm.xlane v5, v0;
	vm0 =	vlt.s32 v8, v41  }
0x92: {  	v8 =	vsel vm0, v8, v41;
	vm0 =	vgt.f32 v18, $6.999999880e-01;
	vm1 =	vlt.s32 v11, v13  }
0x93: {  	v18 =	vmax.f32 v44, v46;
	v39 =	vmax.f32 v5, v36;
	v13 =	vsel vm1, v11, v13  }
0x94: {  	vm1 =	veq.f32 v28, v15;
	v11 =	vsel vm0, v8, v6;
	v50 =	vperm.xlane v18, v3  }
0x95: {  	v42 =	vperm.xlane v39, v1;
	v47 =	vperm.xlane v13, v2;
	v48 =	vnsel vm1, $0x10, v4  }
0x96: {  	v8 =	vmax.f32 v20, v52;
	v19 =	vperm.xlane v54, v11;
	v49 =	vperm.xlane v48, v0  }
0x97: {  	v22 =	vld [tilespmem:$0x880];
	v26 =	vperm.xlane v8, v3;
	v18 =	vmax.f32 v18, v50;
	vm0 =	vlt.s32 v13, v47  }
0x98: {  	v44 =	vmax.f32 v39, v42;
	v13 =	vsel vm0, v13, v47;
	vm0 =	vlt.s32 v48, v49  }
0x99: {  	v51 =	vsel vm0, v48, v49;
	v53 =	vperm.xlane v13, v3;
	vm0 =	veq.f32 v17, v18  }
0x9a: {  	v26 =	vmax.f32 v8, v26;
	v8 =	vld [tilespmem:$0x700];
	v24 =	vperm.xlane v51, v1;
	v54 =	vnsel vm0, $0x10, v4  }
0x9b: {  	v12 =	vsub.f32 v12, v19;
	v55 =	vperm.xlane v54, v0;
	vm1 =	vlt.s32 v13, v53  }
0x9c: {  	v50 =	vperm.xlane v22, v0;
	vm0 =	vlt.s32 v51, v24;
	v13 =	vsel vm1, v13, v53  }
0x9d: {  	vm1 =	vgt.f32 v12, $6.999999880e-01;
	v56 =	vsel vm0, v51, v24;
	vm0 =	vlt.s32 v54, v55  }
0x9e: {  	v21 =	vperm.xlane v56, v2;
	v20 =	vsel vm0, v54, v55;
	vm0 =	veq.f32 v16, v26  }
0x9f: {  	v63 =	vperm.xlane v8, v0;
	v12 =	vsel vm1, v13, v11;
	v57 =	vnsel vm0, $0x10, v4  }
0xa0: {  	v58 =	vperm.xlane v20, v1;
	vm0 =	vlt.s32 v56, v21;
	v59 =	vperm.xlane v57, v0  }
0xa1: {  	v14 =	vperm.xlane v28, v12;
	v30 =	vmax.f32 v8, v63;
	v19 =	vsel vm0, v56, v21  }
0xa2: {  	vm0 =	vlt.s32 v20, v58;
	v61 =	vperm.xlane v19, v3;
	vm1 =	vlt.s32 v57, v59  }
0xa3: {  	v31 =	vperm.xlane v30, v1;
	v20 =	vsel vm0, v20, v58;
	v62 =	vsel vm1, v57, v59  }
0xa4: {  	v28 =	vperm.xlane v20, v2;
	vm0 =	vlt.s32 v19, v61;
	v29 =	vperm.xlane v62, v1  }
0xa5: {  	v46 =	vperm.xlane v44, v2;
	v14 =	vsub.f32 v15, v14;
	v13 =	vsel vm0, v19, v61  }
0xa6: {  	vm0 =	vlt.s32 v20, v28;
	v19 =	vmax.f32 v30, v31;
	vm1 =	vlt.s32 v62, v29  }
0xa7: {  	v20 =	vsel vm0, v20, v28;
	vm0 =	vgt.f32 v14, $6.999999880e-01;
	v35 =	vperm.xlane v19, v2  }
0xa8: {  	v32 =	vsel vm1, v62, v29;
	v33 =	vperm.xlane v20, v3;
	v15 =	vsel vm0, v13, v12  }
0xa9: {  	v21 =	vsel vm6, v23, v9;
	v34 =	vperm.xlane v32, v2;
	v38 =	vperm.xlane v17, v15  }
0xaa: {  	v13 =	vmax.f32 v19, v35;
	v17 =	vmax.f32 v27, v45;
	v19 =	vmax.f32 v22, v50  }
0xab: {  	vm0 =	vlt.s32 v20, v33;
	v41 =	vperm.xlane v13, v3;
	v28 =	vperm.xlane v17, v1  }
0xac: {  	v54 =	vperm.xlane v19, v1;
	vm1 =	vlt.s32 v32, v34;
	v20 =	vsel vm0, v20, v33  }
0xad: {  	v9 =	vsub.f32 v18, v38;
	v40 =	vsel vm1, v32, v34;
	v14 =	vmax.f32 v13, v41  }
0xae: {  	v17 =	vmax.f32 v17, v28;
	v18 =	vmax.f32 v19, v54;
	vm1 =	veq.f32 v8, v14  }
0xaf: {  	v43 =	vperm.xlane v40, v3;
	vm0 =	vgt.f32 v9, $6.999999880e-01;
	v47 =	vnsel vm1, $0x10, v4  }
0xb0: {  	v9 =	vmax.f32 v44, v46;
	v52 =	vperm.xlane v17, v2;
	v48 =	vperm.xlane v47, v0  }
0xb1: {  	v33 =	vld [tilespmem:$0xA00];
	v19 =	vperm.xlane v18, v2;
	v13 =	vsel vm0, v20, v15;
	v49 =	vperm.xlane v9, v3  }
0xb2: {  	vm1 =	vlt.s32 v40, v43;
	v17 =	vmax.f32 v17, v52;
	vm0 =	vlt.s32 v47, v48  }
0xb3: {  	v9 =	vmax.f32 v9, v49;
	v29 =	vperm.xlane v17, v3;
	v51 =	vsel vm0, v47, v48  }
0xb4: {  	v16 =	vperm.xlane v16, v13;
	vm0 =	veq.f32 v5, v9;
	v23 =	vperm.xlane v51, v1  }
0xb5: {  	v18 =	vmax.f32 v18, v19;
	v17 =	vmax.f32 v17, v29;
	v29 =	vld [tilespmem:$0x980];
	v53 =	vnsel vm0, $0x10, v4  }
0xb6: {  	v48 =	vperm.xlane v33, v0;
	v55 =	vperm.xlane v53, v0;
	vm0 =	vlt.s32 v51, v23  }
0xb7: {  	v24 =	vsel vm1, v40, v43;
	v30 =	vperm.xlane v18, v3;
	v20 =	vsel vm0, v51, v23;
	v23 =	vld [tilespmem:$0x900]  }
0xb8: {  	v25 =	vsub.f32 v26, v16;
	v49 =	vmax.f32 v33, v48;
	vm0 =	vlt.s32 v53, v55  }
0xb9: {  	v51 =	vperm.xlane v49, v1;
	v28 =	vsel vm0, v53, v55;
	vm0 =	veq.f32 v27, v17  }
0xba: {  	v56 =	vperm.xlane v20, v2;
	v43 =	vperm.xlane v29, v0;
	v27 =	vnsel vm0, $0x10, v4  }
0xbb: {  	v18 =	vmax.f32 v18, v30;
	v57 =	vperm.xlane v28, v1;
	v58 =	vperm.xlane v27, v0  }
0xbc: {  	v53 =	vmax.f32 v49, v51;
	vm0 =	vlt.s32 v20, v56;
	v59 =	vperm.xlane v23, v0  }
0xbd: {  	v20 =	vsel vm0, v20, v56;
	vm0 =	vlt.s32 v28, v57;
	vm1 =	vlt.s32 v27, v58  }
0xbe: {  	v19 =	vsel vm1, v27, v58;
	vm1 =	veq.f32 v22, v18;
	v16 =	vmax.f32 v23, v59  }
0xbf: {  	v60 =	vperm.xlane v19, v1;
	v61 =	vnsel vm1, $0x10, v4;
	v62 =	vperm.xlane v16, v1  }
0xc0: {  	v63 =	vperm.xlane v20, v3;
	v17 =	vsel vm0, v28, v57;
	v40 =	vperm.xlane v61, v0  }
0xc1: {  	v31 =	vperm.xlane v17, v2;
	vm0 =	vlt.s32 v19, v60;
	v16 =	vmax.f32 v16, v62  }
0xc2: {  	v19 =	vsel vm0, v19, v60;
	vm0 =	vlt.s32 v61, v40;
	v41 =	vperm.xlane v16, v2  }
0xc3: {  	v32 =	vperm.xlane v19, v2;
	v27 =	vsel vm0, v61, v40;
	vm0 =	vlt.s32 v17, v31  }
0xc4: {  	v28 =	vperm.xlane v27, v1;
	v26 =	vsel vm0, v17, v31;
	v16 =	vmax.f32 v16, v41  }
0xc5: {  	v31 =	vmax.f32 v29, v43;
	vm0 =	vlt.s32 v19, v32;
	v42 =	vperm.xlane v16, v3  }
0xc6: {  	v35 =	vperm.xlane v31, v1;
	v19 =	vsel vm0, v19, v32;
	vm0 =	vlt.s32 v27, v28  }
0xc7: {  	v32 =	vperm.xlane v19, v3;
	v27 =	vsel vm0, v27, v28;
	v44 =	vmax.f32 v16, v42  }
0xc8: {  	v47 =	vmax.f32 v31, v35;
	v35 =	vld [tilespmem:$0xA80];
	v45 =	vperm.xlane v27, v2;
	vm0 =	veq.f32 v23, v44  }
0xc9: {  	vm15 =	vlt.s32 v20, v63;
	v34 =	vnsel vm0, $0x10, v4;
	vm0 =	vlt.s32 v19, v32  }
0xca: {  	v31 =	vperm.xlane v47, v2;
	v16 =	vsel vm0, v19, v32;
	vm0 =	vlt.s32 v27, v45  }
0xcb: {  	v46 =	vperm.xlane v34, v0;
	v32 =	vperm.xlane v26, v3;
	v19 =	vsel vm15, v20, v63  }
0xcc: {  	v17 =	vsel vm0, v27, v45;
	v22 =	vperm.xlane v22, v16;
	v27 =	vmax.f32 v47, v31  }
0xcd: {  	v31 =	vperm.xlane v53, v2;
	v58 =	vperm.xlane v35, v0;
	vm0 =	vlt.s32 v34, v46  }
0xce: {  	v36 =	vperm.xlane v17, v3;
	v50 =	vperm.xlane v27, v3;
	v34 =	vsel vm0, v34, v46  }
0xcf: {  	v18 =	vsub.f32 v18, v22;
	v20 =	vmax.f32 v53, v31;
	v60 =	vmax.f32 v35, v58  }
0xd0: {  	v31 =	vld [tilespmem:$0xB00];
	v37 =	vperm.xlane v34, v1;
	vm0 =	vlt.s32 v17, v36;
	v57 =	vperm.xlane v20, v3  }
0xd1: {  	v27 =	vmax.f32 v27, v50;
	v62 =	vperm.xlane v60, v1;
	v17 =	vsel vm0, v17, v36  }
0xd2: {  	vm0 =	vgt.f32 v18, $6.999999880e-01;
	vm1 =	vlt.s32 v34, v37;
	v30 =	vmax.f32 v20, v57  }
0xd3: {  	v20 =	vmax.f32 v60, v62;
	v52 =	vsel vm1, v34, v37;
	vm1 =	veq.f32 v29, v27  }
0xd4: {  	v39 =	vperm.xlane v20, v2;
	v54 =	vperm.xlane v52, v2;
	v55 =	vnsel vm1, $0x10, v4  }
0xd5: {  	v17 =	vsel vm0, v17, v16;
	v45 =	vperm.xlane v31, v0;
	v56 =	vperm.xlane v55, v0  }
0xd6: {  	v23 =	vperm.xlane v23, v17;
	v28 =	vmax.f32 v20, v39;
	vm1 =	vlt.s32 v52, v54  }
0xd7: {  	v43 =	vperm.xlane v28, v3;
	v47 =	vmax.f32 v31, v45;
	vm0 =	vlt.s32 v55, v56  }
0xd8: {  	v22 =	vsel vm1, v52, v54;
	v18 =	vsel vm0, v55, v56;
	vm0 =	veq.f32 v33, v30  }
0xd9: {  	v39 =	vperm.xlane v47, v1;
	v61 =	vperm.xlane v18, v1;
	v63 =	vnsel vm0, $0x10, v4  }
0xda: {  	v23 =	vsub.f32 v44, v23;
	v59 =	vperm.xlane v22, v3;
	v38 =	vperm.xlane v63, v0  }
0xdb: {  	v28 =	vmax.f32 v28, v43;
	v50 =	vmax.f32 v47, v39;
	vm0 =	vlt.s32 v18, v61  }
0xdc: {  	vm1 =	vlt.s32 v22, v59;
	v18 =	vsel vm0, v18, v61;
	vm0 =	vlt.s32 v63, v38  }
0xdd: {  	v51 =	vperm.xlane v50, v2;
	v40 =	vperm.xlane v18, v2;
	v41 =	vsel vm0, v63, v38  }
0xde: {  	v22 =	vsel vm1, v22, v59;
	vm1 =	vgt.f32 v23, $6.999999880e-01;
	v42 =	vperm.xlane v41, v1  }
0xdf: {  	v20 =	vsel vm1, v22, v17;
	vm1 =	vlt.s32 v26, v32;
	vm0 =	vlt.s32 v18, v40  }
0xe0: {  	v29 =	vperm.xlane v29, v20;
	v44 =	vsel vm0, v18, v40;
	vm0 =	vlt.s32 v41, v42  }
0xe1: {  	v18 =	vsel vm1, v26, v32;
	v32 =	vld [tilespmem:$0xB80];
	v34 =	vperm.xlane v44, v3;
	v23 =	vsel vm0, v41, v42  }
0xe2: {  	v27 =	vsub.f32 v27, v29;
	vm0 =	veq.f32 v35, v28;
	v48 =	vperm.xlane v23, v2  }
0xe3: {  	v29 =	vmax.f32 v50, v51;
	v46 =	vnsel vm0, $0x10, v4;
	vm0 =	vlt.s32 v44, v34  }
0xe4: {  	v49 =	vperm.xlane v46, v0;
	v22 =	vsel vm0, v44, v34;
	vm0 =	vlt.s32 v23, v48  }
0xe5: {  	vm1 =	vgt.f32 v27, $6.999999880e-01;
	v34 =	vperm.xlane v29, v3;
	v23 =	vsel vm0, v23, v48  }
0xe6: {  	vm0 =	vlt.s32 v46, v49;
	v22 =	vsel vm1, v22, v20;
	v53 =	vperm.xlane v32, v0  }
0xe7: {  	v52 =	vperm.xlane v23, v3;
	v26 =	vsel vm0, v46, v49;
	v33 =	vperm.xlane v33, v22  }
0xe8: {  	v16 =	vsel vm2, v16, v17;
	v29 =	vmax.f32 v29, v34;
	v36 =	vperm.xlane v26, v1  }
0xe9: {  	v27 =	vmax.f32 v32, v53;
	vm0 =	vlt.s32 v23, v52;
	v30 =	vsub.f32 v30, v33  }
0xea: {  	v33 =	vld [tilespmem:$0xC00];
	v56 =	vperm.xlane v27, v1;
	v23 =	vsel vm0, v23, v52;
	vm0 =	vlt.s32 v26, v36  }
0xeb: {  	v26 =	vsel vm0, v26, v36;
	vm0 =	veq.f32 v31, v29;
	vm1 =	vgt.f32 v30, $6.999999880e-01  }
0xec: {  	v59 =	vmax.f32 v27, v56;
	v54 =	vperm.xlane v26, v2;
	v55 =	vnsel vm0, $0x10, v4  }
0xed: {  	v23 =	vsel vm1, v23, v22;
	vm1 =	vgt.f32 v25, $6.999999880e-01;
	v27 =	vperm.xlane v59, v2  }
0xee: {  	v57 =	vperm.xlane v55, v0;
	v35 =	vperm.xlane v35, v23;
	vm0 =	vlt.s32 v26, v54  }
0xef: {  	v60 =	vperm.xlane v33, v0;
	v27 =	vmax.f32 v59, v27;
	v58 =	vsel vm0, v26, v54  }
0xf0: {  	vm0 =	vlt.s32 v55, v57;
	v62 =	vperm.xlane v27, v3;
	v26 =	vsel vm1, v24, v13  }
0xf1: {  	v41 =	vsub.f32 v28, v35;
	v61 =	vperm.xlane v58, v3;
	v30 =	vsel vm0, v55, v57  }
0xf2: {  	v28 =	vld [tilespmem:$0xC80];
	v34 =	vmax.f32 v33, v60;
	v8 =	vperm.xlane v8, v26;
	v37 =	vperm.xlane v30, v1  }
0xf3: {  	v63 =	vperm.xlane v34, v1;
	v27 =	vmax.f32 v27, v62;
	vm0 =	vlt.s32 v58, v61  }
0xf4: {  	vm1 =	vgt.f32 v41, $6.999999880e-01;
	v40 =	vsel vm0, v58, v61;
	vm0 =	vlt.s32 v30, v37  }
0xf5: {  	v8 =	vsub.f32 v14, v8;
	v34 =	vmax.f32 v34, v63;
	v30 =	vsel vm0, v30, v37  }
0xf6: {  	vm0 =	veq.f32 v32, v27;
	v42 =	vperm.xlane v34, v2;
	v24 =	vsel vm1, v40, v23  }
0xf7: {  	v46 =	vperm.xlane v28, v0;
	v37 =	vld [tilespmem:$0xD00];
	v43 =	vperm.xlane v30, v2;
	v44 =	vnsel vm0, $0x10, v4  }
0xf8: {  	v40 =	vld [tilespmem:$0x1FFF0];
	v47 =	vperm.xlane v31, v24;
	v45 =	vperm.xlane v44, v0;
	v34 =	vmax.f32 v34, v42  }
0xf9: {  	v49 =	vmax.f32 v28, v46;
	vm0 =	vlt.s32 v30, v43;
	v35 =	vperm.xlane v34, v3  }
0xfa: {  	v50 =	vperm.xlane v49, v1;
	v25 =	vsel vm0, v30, v43;
	vm0 =	vlt.s32 v44, v45  }
0xfb: {  	v29 =	vsub.f32 v29, v47;
	v48 =	vsel vm0, v44, v45;
	v34 =	vmax.f32 v34, v35  }
0xfc: {  	v59 =	vld [tilespmem:$0x1FFE0];
	v51 =	vperm.xlane v25, v3;
	v35 =	vmax.f32 v49, v50;
	v61 =	vperm.xlane v37, v0  }
0xfd: {  	vm15 =	vnez.u8 v40;
	v36 =	vperm.xlane v48, v1;
	vm0 =	veq.f32 v33, v34  }
0xfe: {  	v54 =	vperm.xlane v35, v2;
	v52 =	vnsel vm0, $0x10, v4;
	vm1 =	vlt.s32 v25, v51  }
0xff: {  	vm0 =	vlt.s32 v48, v36;
	v53 =	vperm.xlane v52, v0;
	v25 =	vsel vm1, v25, v51  }
0x100: {  	vm1 =	vgt.f32 v29, $6.999999880e-01;
	v57 =	vmax.f32 v35, v54;
	v31 =	vsel vm0, v48, v36  }
0x101: {  	v36 =	vperm.xlane v57, v3;
	v25 =	vsel vm1, v25, v24;
	vm1 =	vnez.u8 v59  }
0x102: {  	v55 =	vperm.xlane v31, v2;
	vm0 =	vlt.s32 v52, v53;
	v7 =	vsel vm1, v21, v7  }
0x103: {  	v32 =	vperm.xlane v32, v25;
	v56 =	vsel vm0, v52, v53;
	v30 =	vmax.f32 v57, v36  }
0x104: {  	v40 =	vsel vm15, v7, v10;
	vm0 =	vlt.s32 v31, v55;
	v58 =	vperm.xlane v56, v1  }
0x105: {  	v47 =	vsub.f32 v27, v32;
	v60 =	vsel vm0, v31, v55;
	v31 =	vmax.f32 v37, v61  }
0x106: {  	v6 =	vsel vm7, v40, v6;
	vm0 =	vlt.s32 v56, v58;
	v45 =	vperm.xlane v31, v1  }
0x107: {  	v62 =	vperm.xlane v60, v3;
	v29 =	vsel vm0, v56, v58;
	vm0 =	veq.f32 v28, v30  }
0x108: {  	v63 =	vnsel vm0, $0x10, v4;
	v44 =	vperm.xlane v29, v2;
	v48 =	vmax.f32 v31, v45  }
0x109: {  	vm0 =	vlt.s32 v60, v62;
	v31 =	vld [tilespmem:$0xD80];
	v46 =	vperm.xlane v63, v0;
	v49 =	vperm.xlane v48, v2  }
0x10a: {  	v11 =	vsel vm8, v6, v11;
	v7 =	vsel vm0, v60, v62;
	vm0 =	vlt.s32 v29, v44  }
0x10b: {  	v29 =	vsel vm0, v29, v44;
	vm0 =	vlt.s32 v63, v46;
	v27 =	vmax.f32 v48, v49  }
0x10c: {  	v10 =	vsel vm0, v63, v46;
	vm0 =	vgt.f32 v47, $6.999999880e-01;
	v50 =	vperm.xlane v29, v3  }
0x10d: {  	v52 =	vperm.xlane v27, v3;
	v7 =	vsel vm0, v7, v25;
	v35 =	vperm.xlane v10, v1  }
0x10e: {  	v53 =	vperm.xlane v31, v0;
	vm0 =	vlt.s32 v29, v50;
	v51 =	vperm.xlane v33, v7  }
0x10f: {  	v11 =	vsel vm9, v11, v12;
	v27 =	vmax.f32 v27, v52;
	v21 =	vsel vm0, v29, v50  }
0x110: {  	v33 =	vld [tilespmem:$0xE00];
	vm0 =	vlt.s32 v10, v35;
	v29 =	vmax.f32 v31, v53;
	v32 =	vsub.f32 v34, v51  }
0x111: {  	v54 =	vsel vm0, v10, v35;
	vm0 =	veq.f32 v37, v27;
	v56 =	vperm.xlane v29, v1  }
0x112: {  	v11 =	vsel vm10, v11, v15;
	v35 =	vperm.xlane v54, v2;
	v55 =	vnsel vm0, $0x10, v4  }
0x113: {  	vm0 =	vgt.f32 v32, $6.999999880e-01;
	v57 =	vperm.xlane v55, v0;
	v29 =	vmax.f32 v29, v56  }
0x114: {  	v10 =	vsel vm0, v21, v7;
	vm0 =	vlt.s32 v54, v35;
	v32 =	vperm.xlane v29, v2  }
0x115: {  	v58 =	vperm.xlane v33, v0;
	v34 =	vsel vm0, v54, v35;
	vm0 =	vlt.s32 v55, v57  }
0x116: {  	v28 =	vperm.xlane v28, v10;
	v59 =	vperm.xlane v34, v3;
	v21 =	vsel vm0, v55, v57  }
0x117: {  	v29 =	vmax.f32 v29, v32;
	v60 =	vmax.f32 v33, v58;
	v36 =	vperm.xlane v21, v1  }
0x118: {  	v61 =	vperm.xlane v29, v3;
	v62 =	vperm.xlane v60, v1;
	vm0 =	vlt.s32 v34, v59  }
0x119: {  	v11 =	vsel vm11, v11, v13;
	v28 =	vsub.f32 v30, v28;
	v30 =	vld [tilespmem:$0xE80];
	v6 =	vsel vm0, v34, v59  }
0x11a: {  	v35 =	vld [tilespmem:$0xF00];
	vm0 =	vlt.s32 v21, v36;
	v29 =	vmax.f32 v29, v61;
	v32 =	vmax.f32 v60, v62  }
0x11b: {  	v21 =	vsel vm0, v21, v36;
	vm0 =	veq.f32 v31, v29;
	v63 =	vperm.xlane v32, v2  }
0x11c: {  	v40 =	vnsel vm0, $0x10, v4;
	vm0 =	vgt.f32 v28, $6.999999880e-01;
	v41 =	vperm.xlane v21, v2  }
0x11d: {  	v6 =	vsel vm0, v6, v10;
	v42 =	vperm.xlane v40, v0;
	v32 =	vmax.f32 v32, v63  }
0x11e: {  	v43 =	vperm.xlane v30, v0;
	vm0 =	vlt.s32 v21, v41;
	v34 =	vperm.xlane v32, v3  }
0x11f: {  	v58 =	vperm.xlane v35, v0;
	v44 =	vsel vm0, v21, v41;
	vm0 =	vlt.s32 v40, v42  }
0x120: {  	v46 =	vmax.f32 v30, v43;
	v45 =	vsel vm0, v40, v42;
	v28 =	vmax.f32 v32, v34  }
0x121: {  	v39 =	vld [tilespmem:$0xF80];
	v48 =	vperm.xlane v46, v1;
	v47 =	vperm.xlane v45, v1;
	vm0 =	veq.f32 v33, v28  }
0x122: {  	v56 =	vperm.xlane v37, v6;
	v49 =	vperm.xlane v44, v3;
	v50 =	vnsel vm0, $0x10, v4  }
0x123: {  	v32 =	vmax.f32 v46, v48;
	vm0 =	vlt.s32 v45, v47;
	v51 =	vperm.xlane v50, v0  }
0x124: {  	v52 =	vperm.xlane v32, v2;
	v21 =	vsel vm0, v45, v47;
	vm0 =	vlt.s32 v44, v49  }
0x125: {  	v12 =	vsel vm0, v44, v49;
	v53 =	vperm.xlane v21, v2;
	vm0 =	vlt.s32 v50, v51  }
0x126: {  	v42 =	vperm.xlane v39, v0;
	v32 =	vmax.f32 v32, v52;
	v36 =	vsel vm0, v50, v51  }
0x127: {  	v55 =	vperm.xlane v32, v3;
	vm0 =	vlt.s32 v21, v53;
	v54 =	vperm.xlane v36, v1  }
0x128: {  	v14 =	vsub.f32 v27, v56;
	v27 =	vmax.f32 v39, v42;
	v15 =	vsel vm0, v21, v53  }
0x129: {  	v57 =	vmax.f32 v32, v55;
	vm0 =	vlt.s32 v36, v54;
	v59 =	vperm.xlane v15, v3  }
0x12a: {  	v32 =	vmax.f32 v35, v58;
	v34 =	vsel vm0, v36, v54;
	vm0 =	veq.f32 v30, v57  }
0x12b: {  	v61 =	vperm.xlane v32, v1;
	v60 =	vnsel vm0, $0x10, v4;
	vm0 =	vlt.s32 v15, v59  }
0x12c: {  	v36 =	vperm.xlane v34, v2;
	v15 =	vsel vm0, v15, v59;
	vm0 =	vgt.f32 v14, $6.999999880e-01  }
0x12d: {  	v32 =	vmax.f32 v32, v61;
	v62 =	vperm.xlane v60, v0;
	v12 =	vsel vm0, v12, v6  }
0x12e: {  	v63 =	vperm.xlane v32, v2;
	vm0 =	vlt.s32 v34, v36;
	v40 =	vperm.xlane v31, v12  }
0x12f: {  	v11 =	vsel vm12, v11, v26;
	v45 =	vperm.xlane v27, v1;
	v34 =	vsel vm0, v34, v36  }
0x130: {  	vm0 =	vlt.s32 v60, v62;
	v41 =	vmax.f32 v32, v63;
	v14 =	vsub.f32 v29, v40  }
0x131: {  	v38 =	vsel vm0, v60, v62;
	vm0 =	vgt.f32 v8, $6.999999880e-01;
	v43 =	vperm.xlane v41, v3  }
0x132: {  	v44 =	vperm.xlane v34, v3;
	v19 =	vsel vm0, v19, v26;
	vm0 =	vgt.f32 v14, $6.999999880e-01  }
0x133: {  	v47 =	vperm.xlane v38, v1;
	v8 =	vmax.f32 v41, v43;
	v15 =	vsel vm0, v15, v12  }
0x134: {  	v14 =	vmax.f32 v27, v45;
	vm0 =	vlt.s32 v34, v44;
	v46 =	vperm.xlane v33, v15  }
0x135: {  	v48 =	vperm.xlane v14, v2;
	v26 =	vsel vm0, v34, v44;
	vm0 =	veq.f32 v35, v8  }
0x136: {  	v49 =	vnsel vm0, $0x10, v4;
	vm0 =	vlt.s32 v38, v47;
	v28 =	vsub.f32 v28, v46  }
0x137: {  	v14 =	vmax.f32 v14, v48;
	v13 =	vsel vm0, v38, v47;
	v50 =	vperm.xlane v49, v0  }
0x138: {  	v31 =	vperm.xlane v14, v3;
	v51 =	vperm.xlane v13, v2;
	vm0 =	vgt.f32 v28, $6.999999880e-01  }
0x139: {  	v16 =	vsel vm3, v16, v20;
	v52 =	vsel vm0, v26, v15;
	vm0 =	vlt.s32 v49, v50  }
0x13a: {  	v14 =	vmax.f32 v14, v31;
	v53 =	vsel vm0, v49, v50;
	vm0 =	vlt.s32 v13, v51  }
0x13b: {  	v13 =	vsel vm0, v13, v51;
	v27 =	vperm.xlane v53, v1;
	vm0 =	veq.f32 v39, v14  }
0x13c: {  	v54 =	vperm.xlane v30, v52;
	v28 =	vperm.xlane v13, v3;
	v55 =	vnsel vm0, $0x10, v4  }
0x13d: {  	v16 =	vsel vm4, v16, v22;
	vm0 =	vlt.s32 v53, v27;
	v56 =	vperm.xlane v55, v0  }
0x13e: {  	v21 =	vsub.f32 v57, v54;
	v26 =	vsel vm0, v53, v27;
	vm0 =	vlt.s32 v13, v28  }
0x13f: {  	v13 =	vsel vm0, v13, v28;
	v27 =	vperm.xlane v26, v2;
	vm0 =	vlt.s32 v55, v56  }
0x140: {  	v16 =	vsel vm5, v16, v23;
	v17 =	vsel vm0, v55, v56;
	vm0 =	vgt.f32 v21, $6.999999880e-01  }
0x141: {  	v13 =	vsel vm0, v13, v52;
	vm0 =	vlt.s32 v26, v27;
	v57 =	vperm.xlane v17, v1  }
0x142: {  	v16 =	vsel vm6, v16, v24;
	v58 =	vsel vm0, v26, v27;
	v59 =	vperm.xlane v35, v13  }
0x143: {  	v16 =	vsel vm1, v16, v25;
	v60 =	vperm.xlane v58, v3;
	vm0 =	vlt.s32 v17, v57  }
0x144: {  	v7 =	vsel vm15, v16, v7;
	v8 =	vsub.f32 v8, v59;
	v17 =	vsel vm0, v17, v57  }
0x145: {  	v5 =	vperm.xlane v5, v19;
	vm0 =	vlt.s32 v58, v60;
	v20 =	vperm.xlane v17, v2  }
0x146: {  	v7 =	vsel vm7, v7, v10;
	v61 =	vsel vm0, v58, v60;
	vm0 =	vgt.f32 v8, $6.999999880e-01  }
0x147: {  	v5 =	vsub.f32 v9, v5;
	v8 =	vsel vm0, v61, v13;
	vm0 =	vlt.s32 v17, v20  }
0x148: {  	v6 =	vsel vm8, v7, v6;
	v7 =	vsel vm0, v17, v20;
	v62 =	vperm.xlane v39, v8  }
0x149: {  	vm0 =	vgt.f32 v5, $6.999999880e-01;
	v5 =	vsel vm9, v6, v12;
	v6 =	vperm.xlane v7, v3  }
0x14a: {  	v11 =	vsel vm13, v11, v19;
	v5 =	vsel vm10, v5, v15;
	v10 =	vsub.f32 v14, v62  }
0x14b: {  	v63 =	vsel vm0, v18, v19;
	v5 =	vsel vm11, v5, v52;
	vm0 =	vlt.s32 v7, v6  }
0x14c: {  	v5 =	vsel vm12, v5, v13;
	v6 =	vsel vm0, v7, v6;
	vm0 =	vgt.f32 v10, $6.999999880e-01  }
0x14d: {  	v7 =	vsel vm14, v11, v63;
	v5 =	vsel vm13, v5, v8;
	v6 =	vsel vm0, v6, v8  }
0x14e: {  	p0 =	sne.s32 s4, $0x1;
	[tilespmem:$0x1000] =	vst v7;
	v5 =	vsel vm14, v5, v6  }
.Ltmp1:
0x14f: {  	[tilespmem:$0x1080] =	vst v5;
	(pc) =	sbr.rel @p0 .LBB2_2-.Ltmp1, $4  }
0x150: {  	[hbm4b:s3+s5] =	stream.linear.scatter [tilespmem:s7], [sflag:$0x1], $0x100, $0x38;
	[tilespmem:$0x1100] =	vst v63  }
0x151: {  	_ =	swait.ge [sflag:s6], $0x100  }
0x152: {  	[sflag:s6] =	ssyncset.done $0x0  }
0x153: {  	s4 =	sadd.s32 $0xFFFFFFFF, s4;
	[sflag:s6] =	ssyncadd.s32 $0xFFFFFF00  }
.LBB2_3:
0x154: {  	_ =	sfence.sel $0x180000  }
0x155: {  	[bflag:$0x0] =	sbarrier.arrive $0xFFFF  }
0x156: {  	p0 =	sne.s32 s0, $0x0;
	_ =	strace $0x90000047  }
0x157: {  	s0 =	sadd.s32 @!p0 $0x100000, s1;
	[bflag:$0x2] =	sbarrier.arrive $0xFFFF  }
0x158: {  	[sflag:s0] =	ssyncadd.tile.s32 @!p0 $0x1;
	_ =	shalt  }
.Lfunc_end2:
_tile_overlayer_lowered:
.L_overlay_start_2:
0x159: {  	(tag) =	ssettag $0x2  }
0x15a: {  	s0 =	rddreg [dreg:$0x0];
	s2 =	stileid.u32  }
0x15b: {  	s1 =	rddreg [dreg:$0x1];
	p0 =	sne.s32 s2, $0x0  }
0x15c: {  	s3 =	rddreg [dreg:$0x2];
	[bflag:$0x3] =	sbarrier.arrive $0xFFFF;
	s2 =	simm.s32 @!p0 $0x1C01  }
0x15d: {  	[timem:s3], [sflag:s2] =	dma.local @!p0 [hbm:s0], s1  }
0x15e: {  	s0 =	simm.s32 @!p0 $0x1  }
0x15f: {  	_ =	swait.ge @!p0 [sflag:s0], s1  }
0x160: {  	s1 =	ssub.s32 @!p0 $0x0, s1;
	[sflag:s0] =	ssyncset.done @!p0 $0x0  }
0x161: {  	[sflag:s0] =	ssyncadd.s32 @!p0 s1  }
0x162: {  	[bflag:$0x3] =	sbarrier.arrive $0xFFFF  }
0x163: {  	_ =	shalt  }

</sc_bundles>
